<compile_context>
chip_gen: v7x
topology: tpu7x:2x2x1
jax: 0.10.2.dev20260603
libtpu: 0.0.44.dev20260713+nightly
codegen_flags: <defaults>
</compile_context>

<pallas_src>
import functools

import jax
import jax.numpy as jnp
from jax import lax
from jax.experimental import pallas as pl
from jax.experimental.pallas import tpu as pltpu
from jax.experimental.pallas import tpu_sc as plsc

B, T = 64, 128
ROWS = B * T
IN_W = 543 * 3
OUT_W = 76 * 3
SHIFT = 1404

NUM_CORES = 2
NUM_SUBCORES = 16
NUM_WORKERS = NUM_CORES * NUM_SUBCORES
RPW = ROWS // NUM_WORKERS
CH = 64
NCHUNK = RPW // CH
GROUPS = CH // 16

LWX, LWY, RWX, RWY = 108 + SHIFT, 109 + SHIFT, 111 + SHIFT, 112 + SHIFT

_PLAN = []
for c in range(3, OUT_W):
    if c % 3 == 2:
        continue
    w = c - 3
    kind = 1 if w < 63 else (2 if w >= 162 else 0)
    _PLAN.append((c, kind, w + SHIFT))
_Z_COLS = list(range(2, OUT_W, 3))


def _sc_body(x_hbm, out_hbm, inbuf, outbuf):
    c = lax.axis_index("c")
    s = lax.axis_index("s")
    wid = s * NUM_CORES + c

    def chunk(k, carry):
        base = wid * RPW + k * CH

        pltpu.sync_copy(x_hbm.at[pl.ds(base, CH), :], inbuf)

        def group(g, carry2):
            rows = g * 16 + lax.iota(jnp.int32, 16)

            def cvec(v):
                return jnp.full((16,), v, jnp.int32)

            def gat(col):
                return plsc.load_gather(inbuf, [rows, cvec(col)])

            def scat(col, v):
                plsc.store_scatter(outbuf, [rows, cvec(col)], v)

            lwx, lwy = gat(LWX), gat(LWY)
            rwx, rwy = gat(RWX), gat(RWY)
            zero = jnp.zeros((16,), jnp.float32)
            scat(0, (lwx + rwx) * 0.5)
            scat(1, (lwy + rwy) * 0.5)
            for out_col, kind, src_col in _PLAN:
                d = gat(src_col)
                if kind == 1:
                    d = jnp.where(d != d, lwy if out_col % 3 == 1 else lwx, d)
                elif kind == 2:
                    d = jnp.where(d != d, rwy if out_col % 3 == 1 else rwx, d)
                scat(out_col, d)
            for col in _Z_COLS:
                scat(col, zero)
            return carry2

        lax.fori_loop(0, GROUPS, group, 0)

        pltpu.sync_copy(outbuf, out_hbm.at[pl.ds(base, CH), :])
        return carry

    lax.fori_loop(0, NCHUNK, chunk, 0)


_sc_call = functools.partial(
    pl.kernel,
    out_type=jax.ShapeDtypeStruct((ROWS, OUT_W), jnp.float32),
    mesh=plsc.VectorSubcoreMesh(core_axis_name="c", subcore_axis_name="s"),
    scratch_types=[pltpu.VMEM((CH, IN_W), jnp.float32),
                   pltpu.VMEM((CH, OUT_W), jnp.float32)],
    compiler_params=pltpu.CompilerParams(needs_layout_passes=False),
)(_sc_body)


@jax.jit
def kernel(keypoints):
    x = keypoints.reshape(ROWS, IN_W)
    out = _sc_call(x)
    return out.reshape(B, T, 76, 3)

# --- scband reference (transcript-rebuilt; emitter-appended) ---
"""Pipeline reference for scband-preprocessing-86517821216473 (READ-ONLY COPY).

The authoritative reference and input builder live on the scoring server;
editing this copy changes nothing except your own understanding.
"""

import jax, jax.numpy as jnp
import numpy as np

# MediaPipe PoseLandmark constants
NOSE = 0
LEFT_WRIST = 15
RIGHT_WRIST = 16

FACE_START = 0
LH_START = 468
POSE_START = 468 + 21
RH_START = 468 + 21 + 33
ROOT_START = 468 + 21 + 33 + 21  # 543

RANGE_DICT = {
    'face': range(0, 468),
    'leftHand': range(468, 468 + 21),
    'pose': range(468 + 21, 468 + 21 + 33),
    'rightHand': range(468 + 21 + 33, 468 + 21 + 33 + 21),
    'root': range(468 + 21 + 33 + 21, 468 + 21 + 33 + 21 + 1),
}

TSSI_ORDER = (['root_0']
              + ['leftHand_%d' % i for i in range(21)]
              + ['pose_%d' % i for i in range(33)]
              + ['rightHand_%d' % i for i in range(21)])

def _build_joints_idxs():
    idxs = []
    for joint in TSSI_ORDER:
        joint_type = joint.split('_')[0]
        landmark_id = 0 if joint_type == 'root' else int(joint.split('_')[1])
        idxs.append(RANGE_DICT[joint_type][landmark_id])
    return np.array(idxs, dtype=np.int32)

JOINTS_IDXS = _build_joints_idxs()
NOSE_IDX = RANGE_DICT['pose'][NOSE]
LEFT_WRIST_IDX = RANGE_DICT['pose'][LEFT_WRIST]
RIGHT_WRIST_IDX = RANGE_DICT['pose'][RIGHT_WRIST]


def setup_inputs(seed: int = 0) -> dict:
    key = jax.random.key(seed)
    keypoints = jax.random.normal(key, (64, 128, 543, 3), dtype=jnp.float32)
    return {"keypoints": keypoints}


def reference(keypoints):
    # fill_z_with_zeros
    x = keypoints[..., 0]
    y = keypoints[..., 1]
    zeros = jnp.zeros_like(x)
    kp = jnp.stack([x, y, zeros], axis=-1)

    # fill_nan_values
    face = kp[:, :, FACE_START:LH_START, :]
    left_hand = kp[:, :, LH_START:POSE_START, :]
    body = kp[:, :, POSE_START:RH_START, :]
    right_hand = kp[:, :, RH_START:ROOT_START, :]
    nose = kp[:, :, NOSE_IDX, :][:, :, None, :]
    left_wrist = kp[:, :, LEFT_WRIST_IDX, :][:, :, None, :]
    right_wrist = kp[:, :, RIGHT_WRIST_IDX, :][:, :, None, :]
    left_hand = jnp.where(jnp.isnan(left_hand), jnp.repeat(left_wrist, 21, axis=2), left_hand)
    right_hand = jnp.where(jnp.isnan(right_hand), jnp.repeat(right_wrist, 21, axis=2), right_hand)
    face = jnp.where(jnp.isnan(face), jnp.repeat(nose, 468, axis=2), face)
    kp = jnp.concatenate([face, left_hand, body, right_hand], axis=2)

    # add_root
    left = kp[:, :, LEFT_WRIST_IDX, :]
    right = kp[:, :, RIGHT_WRIST_IDX, :]
    root = ((left + right) / 2.0)[:, :, None, :]
    kp = jnp.concatenate([kp, root], axis=2)

    # sort_columns (gather along landmark axis)
    out = jnp.take(kp, jnp.asarray(JOINTS_IDXS), axis=2)
    return out

if __name__ == "__main__":
    import jax
    _d = setup_inputs()
    print(jax.jit(kernel)(*tuple(_d.values())))

</pallas_src>

<mosaic_0001>
#map = affine_map<(d0, d1) -> (0, 0)>
module attributes {stable_mosaic.version = 14 : i64} {
  func.func @_sc_body(%arg0: i32, %arg1: i32, %arg2: memref<8192x1629xf32, #tpu.memory_space<hbm>>, %arg3: memref<8192x228xf32, #tpu.memory_space<hbm>>, %arg4: memref<64x1629xf32, #tpu.memory_space<vmem>>, %arg5: memref<64x228xf32, #tpu.memory_space<vmem>>) attributes {dimension_semantics = [#tpu.dimension_semantics<core_parallel>, #tpu.dimension_semantics<subcore_parallel>], iteration_bounds = array<i64: 2, 16>, scalar_prefetch = 0 : i64, scratch_operands = 2 : i64, tpu.core_type = #tpu.core_type<sc_vector_subcore>, window_params = [{transform_indices = #map}, {transform_indices = #map}]} {
    %mul3A = arith.constant 2 : i32
    %mul3A_0 = arith.muli %arg1, %mul3A : i32
    %add3A = arith.addi %mul3A_0, %arg0 : i32
    %scan3A = arith.constant 0 : i32
    %scan3A_1 = arith.constant 0 : i32
    %scan3A_2 = arith.constant 4 : i32
    %scan3A_3 = arith.addi %scan3A_1, %scan3A_2 : i32
    %scan3A_4 = arith.constant 1 : i32
    scf.for %scan3A_6 = %scan3A_1 to %scan3A_3 step %scan3A_4  : i32 {
      %mul3A_7 = arith.constant 256 : i32
      %mul3A_8 = arith.muli %add3A, %mul3A_7 : i32
      %mul3A_9 = arith.constant 64 : i32
      %mul3A_10 = arith.muli %scan3A_6, %mul3A_9 : i32
      %add3A_11 = arith.addi %mul3A_8, %mul3A_10 : i32
      "tpu.region"() ({
        %run_scoped3A = tpu.sem_alloc : memref<!tpu.dma_semaphore, #tpu.memory_space<semaphore_mem>>
        %dma_start3A = arith.constant 0 : i32
        %dma_start3A_18 = tpu.memref_slice %arg2[%add3A_11, %dma_start3A] : memref<8192x1629xf32, #tpu.memory_space<hbm>> -> memref<64x1629xf32, #tpu.memory_space<hbm>>
        %dma_start3A_19 = arith.constant 0 : i32
        %dma_start3A_20 = tpu.memref_slice %arg2[%add3A_11, %dma_start3A_19] : memref<8192x1629xf32, #tpu.memory_space<hbm>> -> memref<64x1629xf32, #tpu.memory_space<hbm>>
        tpu.enqueue_dma source(%dma_start3A_20 : memref<64x1629xf32, #tpu.memory_space<hbm>>) target(%arg4 : memref<64x1629xf32, #tpu.memory_space<vmem>>) target_semaphore(%run_scoped3A : memref<!tpu.dma_semaphore, #tpu.memory_space<semaphore_mem>>)
        %dma_wait3A = arith.constant 0 : i32
        %dma_wait3A_21 = tpu.memref_slice %arg2[%add3A_11, %dma_wait3A] : memref<8192x1629xf32, #tpu.memory_space<hbm>> -> memref<64x1629xf32, #tpu.memory_space<hbm>>
        %dma_wait3A_22 = arith.constant 0 : i32
        %dma_wait3A_23 = tpu.memref_slice %arg2[%add3A_11, %dma_wait3A_22] : memref<8192x1629xf32, #tpu.memory_space<hbm>> -> memref<64x1629xf32, #tpu.memory_space<hbm>>
        tpu.wait_dma2 semaphore(%run_scoped3A : memref<!tpu.dma_semaphore, #tpu.memory_space<semaphore_mem>>) src(%dma_wait3A_23 : memref<64x1629xf32, #tpu.memory_space<hbm>>) dst(%arg4 : memref<64x1629xf32, #tpu.memory_space<vmem>>)
        tpu.yield
      }) : () -> ()
      %scan3A_12 = arith.constant 0 : i32
      %scan3A_13 = arith.constant 0 : i32
      %scan3A_14 = arith.constant 4 : i32
      %scan3A_15 = arith.addi %scan3A_13, %scan3A_14 : i32
      %scan3A_16 = arith.constant 1 : i32
      scf.for %scan3A_18 = %scan3A_13 to %scan3A_15 step %scan3A_16  : i32 {
        %mul3A_19 = arith.constant 16 : i32
        %mul3A_20 = arith.muli %scan3A_18, %mul3A_19 : i32
        %iota3A = tpu.iota {dimensions = array<i32: 0>} : vector<16xi32>
        %add3A_21 = vector.broadcast %mul3A_20 : i32 to vector<16xi32>
        %add3A_22 = arith.addi %add3A_21, %iota3A : vector<16xi32>
        %broadcast_in_dim3A = arith.constant 1512 : i32
        %broadcast_in_dim3A_23 = vector.broadcast %broadcast_in_dim3A : i32 to vector<16xi32>
        %gather3A = tpu.vector_load_idx %arg4[%add3A_22, %broadcast_in_dim3A_23] : memref<64x1629xf32, #tpu.memory_space<vmem>>[vector<16xi32>, vector<16xi32>], vector<16xf32>,
        %broadcast_in_dim3A_24 = arith.constant 1513 : i32
        %broadcast_in_dim3A_25 = vector.broadcast %broadcast_in_dim3A_24 : i32 to vector<16xi32>
        %gather3A_26 = tpu.vector_load_idx %arg4[%add3A_22, %broadcast_in_dim3A_25] : memref<64x1629xf32, #tpu.memory_space<vmem>>[vector<16xi32>, vector<16xi32>], vector<16xf32>,
        %broadcast_in_dim3A_27 = arith.constant 1515 : i32
        %broadcast_in_dim3A_28 = vector.broadcast %broadcast_in_dim3A_27 : i32 to vector<16xi32>
        %gather3A_29 = tpu.vector_load_idx %arg4[%add3A_22, %broadcast_in_dim3A_28] : memref<64x1629xf32, #tpu.memory_space<vmem>>[vector<16xi32>, vector<16xi32>], vector<16xf32>,
        %broadcast_in_dim3A_30 = arith.constant 1516 : i32
        %broadcast_in_dim3A_31 = vector.broadcast %broadcast_in_dim3A_30 : i32 to vector<16xi32>
        %gather3A_32 = tpu.vector_load_idx %arg4[%add3A_22, %broadcast_in_dim3A_31] : memref<64x1629xf32, #tpu.memory_space<vmem>>[vector<16xi32>, vector<16xi32>], vector<16xf32>,
        %broadcast_in_dim3A_33 = arith.constant 0.000000e+00 : f32
        %broadcast_in_dim3A_34 = vector.broadcast %broadcast_in_dim3A_33 : f32 to vector<16xf32>
        %add3A_35 = arith.addf %gather3A, %gather3A_29 : vector<16xf32>
        %mul3A_36 = arith.constant 5.000000e-01 : f32
        %mul3A_37 = vector.broadcast %mul3A_36 : f32 to vector<16xf32>
        %mul3A_38 = arith.mulf %add3A_35, %mul3A_37 : vector<16xf32>
        %broadcast_in_dim3A_39 = arith.constant 0 : i32
        %broadcast_in_dim3A_40 = vector.broadcast %broadcast_in_dim3A_39 : i32 to vector<16xi32>
        tpu.vector_store_idx %arg5[%add3A_22, %broadcast_in_dim3A_40], %mul3A_38 : memref<64x228xf32, #tpu.memory_space<vmem>>[vector<16xi32>, vector<16xi32>], vector<16xf32>,
        %add3A_41 = arith.addf %gather3A_26, %gather3A_32 : vector<16xf32>
        %mul3A_42 = arith.constant 5.000000e-01 : f32
        %mul3A_43 = vector.broadcast %mul3A_42 : f32 to vector<16xf32>
        %mul3A_44 = arith.mulf %add3A_41, %mul3A_43 : vector<16xf32>
        %broadcast_in_dim3A_45 = arith.constant 1 : i32
        %broadcast_in_dim3A_46 = vector.broadcast %broadcast_in_dim3A_45 : i32 to vector<16xi32>
        tpu.vector_store_idx %arg5[%add3A_22, %broadcast_in_dim3A_46], %mul3A_44 : memref<64x228xf32, #tpu.memory_space<vmem>>[vector<16xi32>, vector<16xi32>], vector<16xf32>,
        %broadcast_in_dim3A_47 = arith.constant 1404 : i32
        %broadcast_in_dim3A_48 = vector.broadcast %broadcast_in_dim3A_47 : i32 to vector<16xi32>
        %gather3A_49 = tpu.vector_load_idx %arg4[%add3A_22, %broadcast_in_dim3A_48] : memref<64x1629xf32, #tpu.memory_space<vmem>>[vector<16xi32>, vector<16xi32>], vector<16xf32>,
        %ne3A = arith.cmpf one, %gather3A_49, %gather3A_49 : vector<16xf32>
        %select_n3A = arith.select %ne3A, %gather3A, %gather3A_49 : vector<16xi1>, vector<16xf32>
        %broadcast_in_dim3A_50 = arith.constant 3 : i32
        %broadcast_in_dim3A_51 = vector.broadcast %broadcast_in_dim3A_50 : i32 to vector<16xi32>
        tpu.vector_store_idx %arg5[%add3A_22, %broadcast_in_dim3A_51], %select_n3A : memref<64x228xf32, #tpu.memory_space<vmem>>[vector<16xi32>, vector<16xi32>], vector<16xf32>,
        %broadcast_in_dim3A_52 = arith.constant 1405 : i32
        %broadcast_in_dim3A_53 = vector.broadcast %broadcast_in_dim3A_52 : i32 to vector<16xi32>
        %gather3A_54 = tpu.vector_load_idx %arg4[%add3A_22, %broadcast_in_dim3A_53] : memref<64x1629xf32, #tpu.memory_space<vmem>>[vector<16xi32>, vector<16xi32>], vector<16xf32>,
        %ne3A_55 = arith.cmpf one, %gather3A_54, %gather3A_54 : vector<16xf32>
        %select_n3A_56 = arith.select %ne3A_55, %gather3A_26, %gather3A_54 : vector<16xi1>, vector<16xf32>
        %broadcast_in_dim3A_57 = arith.constant 4 : i32
        %broadcast_in_dim3A_58 = vector.broadcast %broadcast_in_dim3A_57 : i32 to vector<16xi32>
        tpu.vector_store_idx %arg5[%add3A_22, %broadcast_in_dim3A_58], %select_n3A_56 : memref<64x228xf32, #tpu.memory_space<vmem>>[vector<16xi32>, vector<16xi32>], vector<16xf32>,
        %broadcast_in_dim3A_59 = arith.constant 1407 : i32
        %broadcast_in_dim3A_60 = vector.broadcast %broadcast_in_dim3A_59 : i32 to vector<16xi32>
        %gather3A_61 = tpu.vector_load_idx %arg4[%add3A_22, %broadcast_in_dim3A_60] : memref<64x1629xf32, #tpu.memory_space<vmem>>[vector<16xi32>, vector<16xi32>], vector<16xf32>,
        %ne3A_62 = arith.cmpf one, %gather3A_61, %gather3A_61 : vector<16xf32>
        %select_n3A_63 = arith.select %ne3A_62, %gather3A, %gather3A_61 : vector<16xi1>, vector<16xf32>
        %broadcast_in_dim3A_64 = arith.constant 6 : i32
        %broadcast_in_dim3A_65 = vector.broadcast %broadcast_in_dim3A_64 : i32 to vector<16xi32>
        tpu.vector_store_idx %arg5[%add3A_22, %broadcast_in_dim3A_65], %select_n3A_63 : memref<64x228xf32, #tpu.memory_space<vmem>>[vector<16xi32>, vector<16xi32>], vector<16xf32>,
        %broadcast_in_dim3A_66 = arith.constant 1408 : i32
        %broadcast_in_dim3A_67 = vector.broadcast %broadcast_in_dim3A_66 : i32 to vector<16xi32>
        %gather3A_68 = tpu.vector_load_idx %arg4[%add3A_22, %broadcast_in_dim3A_67] : memref<64x1629xf32, #tpu.memory_space<vmem>>[vector<16xi32>, vector<16xi32>], vector<16xf32>,
        %ne3A_69 = arith.cmpf one, %gather3A_68, %gather3A_68 : vector<16xf32>
        %select_n3A_70 = arith.select %ne3A_69, %gather3A_26, %gather3A_68 : vector<16xi1>, vector<16xf32>
        %broadcast_in_dim3A_71 = arith.constant 7 : i32
        %broadcast_in_dim3A_72 = vector.broadcast %broadcast_in_dim3A_71 : i32 to vector<16xi32>
        tpu.vector_store_idx %arg5[%add3A_22, %broadcast_in_dim3A_72], %select_n3A_70 : memref<64x228xf32, #tpu.memory_space<vmem>>[vector<16xi32>, vector<16xi32>], vector<16xf32>,
        %broadcast_in_dim3A_73 = arith.constant 1410 : i32
        %broadcast_in_dim3A_74 = vector.broadcast %broadcast_in_dim3A_73 : i32 to vector<16xi32>
        %gather3A_75 = tpu.vector_load_idx %arg4[%add3A_22, %broadcast_in_dim3A_74] : memref<64x1629xf32, #tpu.memory_space<vmem>>[vector<16xi32>, vector<16xi32>], vector<16xf32>,
        %ne3A_76 = arith.cmpf one, %gather3A_75, %gather3A_75 : vector<16xf32>
        %select_n3A_77 = arith.select %ne3A_76, %gather3A, %gather3A_75 : vector<16xi1>, vector<16xf32>
        %broadcast_in_dim3A_78 = arith.constant 9 : i32
        %broadcast_in_dim3A_79 = vector.broadcast %broadcast_in_dim3A_78 : i32 to vector<16xi32>
        tpu.vector_store_idx %arg5[%add3A_22, %broadcast_in_dim3A_79], %select_n3A_77 : memref<64x228xf32, #tpu.memory_space<vmem>>[vector<16xi32>, vector<16xi32>], vector<16xf32>,
        %broadcast_in_dim3A_80 = arith.constant 1411 : i32
        %broadcast_in_dim3A_81 = vector.broadcast %broadcast_in_dim3A_80 : i32 to vector<16xi32>
        %gather3A_82 = tpu.vector_load_idx %arg4[%add3A_22, %broadcast_in_dim3A_81] : memref<64x1629xf32, #tpu.memory_space<vmem>>[vector<16xi32>, vector<16xi32>], vector<16xf32>,
        %ne3A_83 = arith.cmpf one, %gather3A_82, %gather3A_82 : vector<16xf32>
        %select_n3A_84 = arith.select %ne3A_83, %gather3A_26, %gather3A_82 : vector<16xi1>, vector<16xf32>
        %broadcast_in_dim3A_85 = arith.constant 10 : i32
        %broadcast_in_dim3A_86 = vector.broadcast %broadcast_in_dim3A_85 : i32 to vector<16xi32>
        tpu.vector_store_idx %arg5[%add3A_22, %broadcast_in_dim3A_86], %select_n3A_84 : memref<64x228xf32, #tpu.memory_space<vmem>>[vector<16xi32>, vector<16xi32>], vector<16xf32>,
        %broadcast_in_dim3A_87 = arith.constant 1413 : i32
        %broadcast_in_dim3A_88 = vector.broadcast %broadcast_in_dim3A_87 : i32 to vector<16xi32>
        %gather3A_89 = tpu.vector_load_idx %arg4[%add3A_22, %broadcast_in_dim3A_88] : memref<64x1629xf32, #tpu.memory_space<vmem>>[vector<16xi32>, vector<16xi32>], vector<16xf32>,
        %ne3A_90 = arith.cmpf one, %gather3A_89, %gather3A_89 : vector<16xf32>
        %select_n3A_91 = arith.select %ne3A_90, %gather3A, %gather3A_89 : vector<16xi1>, vector<16xf32>
        %broadcast_in_dim3A_92 = arith.constant 12 : i32
        %broadcast_in_dim3A_93 = vector.broadcast %broadcast_in_dim3A_92 : i32 to vector<16xi32>
        tpu.vector_store_idx %arg5[%add3A_22, %broadcast_in_dim3A_93], %select_n3A_91 : memref<64x228xf32, #tpu.memory_space<vmem>>[vector<16xi32>, vector<16xi32>], vector<16xf32>,
        %broadcast_in_dim3A_94 = arith.constant 1414 : i32
        %broadcast_in_dim3A_95 = vector.broadcast %broadcast_in_dim3A_94 : i32 to vector<16xi32>
        %gather3A_96 = tpu.vector_load_idx %arg4[%add3A_22, %broadcast_in_dim3A_95] : memref<64x1629xf32, #tpu.memory_space<vmem>>[vector<16xi32>, vector<16xi32>], vector<16xf32>,
        %ne3A_97 = arith.cmpf one, %gather3A_96, %gather3A_96 : vector<16xf32>
        %select_n3A_98 = arith.select %ne3A_97, %gather3A_26, %gather3A_96 : vector<16xi1>, vector<16xf32>
        %broadcast_in_dim3A_99 = arith.constant 13 : i32
        %broadcast_in_dim3A_100 = vector.broadcast %broadcast_in_dim3A_99 : i32 to vector<16xi32>
        tpu.vector_store_idx %arg5[%add3A_22, %broadcast_in_dim3A_100], %select_n3A_98 : memref<64x228xf32, #tpu.memory_space<vmem>>[vector<16xi32>, vector<16xi32>], vector<16xf32>,
        %broadcast_in_dim3A_101 = arith.constant 1416 : i32
        %broadcast_in_dim3A_102 = vector.broadcast %broadcast_in_dim3A_101 : i32 to vector<16xi32>
        %gather3A_103 = tpu.vector_load_idx %arg4[%add3A_22, %broadcast_in_dim3A_102] : memref<64x1629xf32, #tpu.memory_space<vmem>>[vector<16xi32>, vector<16xi32>], vector<16xf32>,
        %ne3A_104 = arith.cmpf one, %gather3A_103, %gather3A_103 : vector<16xf32>
        %select_n3A_105 = arith.select %ne3A_104, %gather3A, %gather3A_103 : vector<16xi1>, vector<16xf32>
        %broadcast_in_dim3A_106 = arith.constant 15 : i32
        %broadcast_in_dim3A_107 = vector.broadcast %broadcast_in_dim3A_106 : i32 to vector<16xi32>
        tpu.vector_store_idx %arg5[%add3A_22, %broadcast_in_dim3A_107], %select_n3A_105 : memref<64x228xf32, #tpu.memory_space<vmem>>[vector<16xi32>, vector<16xi32>], vector<16xf32>,
        %broadcast_in_dim3A_108 = arith.constant 1417 : i32
        %broadcast_in_dim3A_109 = vector.broadcast %broadcast_in_dim3A_108 : i32 to vector<16xi32>
        %gather3A_110 = tpu.vector_load_idx %arg4[%add3A_22, %broadcast_in_dim3A_109] : memref<64x1629xf32, #tpu.memory_space<vmem>>[vector<16xi32>, vector<16xi32>], vector<16xf32>,
        %ne3A_111 = arith.cmpf one, %gather3A_110, %gather3A_110 : vector<16xf32>
        %select_n3A_112 = arith.select %ne3A_111, %gather3A_26, %gather3A_110 : vector<16xi1>, vector<16xf32>
        %broadcast_in_dim3A_113 = arith.constant 16 : i32
        %broadcast_in_dim3A_114 = vector.broadcast %broadcast_in_dim3A_113 : i32 to vector<16xi32>
        tpu.vector_store_idx %arg5[%add3A_22, %broadcast_in_dim3A_114], %select_n3A_112 : memref<64x228xf32, #tpu.memory_space<vmem>>[vector<16xi32>, vector<16xi32>], vector<16xf32>,
        %broadcast_in_dim3A_115 = arith.constant 1419 : i32
        %broadcast_in_dim3A_116 = vector.broadcast %broadcast_in_dim3A_115 : i32 to vector<16xi32>
        %gather3A_117 = tpu.vector_load_idx %arg4[%add3A_22, %broadcast_in_dim3A_116] : memref<64x1629xf32, #tpu.memory_space<vmem>>[vector<16xi32>, vector<16xi32>], vector<16xf32>,
        %ne3A_118 = arith.cmpf one, %gather3A_117, %gather3A_117 : vector<16xf32>
        %select_n3A_119 = arith.select %ne3A_118, %gather3A, %gather3A_117 : vector<16xi1>, vector<16xf32>
        %broadcast_in_dim3A_120 = arith.constant 18 : i32
        %broadcast_in_dim3A_121 = vector.broadcast %broadcast_in_dim3A_120 : i32 to vector<16xi32>
        tpu.vector_store_idx %arg5[%add3A_22, %broadcast_in_dim3A_121], %select_n3A_119 : memref<64x228xf32, #tpu.memory_space<vmem>>[vector<16xi32>, vector<16xi32>], vector<16xf32>,
        %broadcast_in_dim3A_122 = arith.constant 1420 : i32
        %broadcast_in_dim3A_123 = vector.broadcast %broadcast_in_dim3A_122 : i32 to vector<16xi32>
        %gather3A_124 = tpu.vector_load_idx %arg4[%add3A_22, %broadcast_in_dim3A_123] : memref<64x1629xf32, #tpu.memory_space<vmem>>[vector<16xi32>, vector<16xi32>], vector<16xf32>,
        %ne3A_125 = arith.cmpf one, %gather3A_124, %gather3A_124 : vector<16xf32>
        %select_n3A_126 = arith.select %ne3A_125, %gather3A_26, %gather3A_124 : vector<16xi1>, vector<16xf32>
        %broadcast_in_dim3A_127 = arith.constant 19 : i32
        %broadcast_in_dim3A_128 = vector.broadcast %broadcast_in_dim3A_127 : i32 to vector<16xi32>
        tpu.vector_store_idx %arg5[%add3A_22, %broadcast_in_dim3A_128], %select_n3A_126 : memref<64x228xf32, #tpu.memory_space<vmem>>[vector<16xi32>, vector<16xi32>], vector<16xf32>,
        %broadcast_in_dim3A_129 = arith.constant 1422 : i32
        %broadcast_in_dim3A_130 = vector.broadcast %broadcast_in_dim3A_129 : i32 to vector<16xi32>
        %gather3A_131 = tpu.vector_load_idx %arg4[%add3A_22, %broadcast_in_dim3A_130] : memref<64x1629xf32, #tpu.memory_space<vmem>>[vector<16xi32>, vector<16xi32>], vector<16xf32>,
        %ne3A_132 = arith.cmpf one, %gather3A_131, %gather3A_131 : vector<16xf32>
        %select_n3A_133 = arith.select %ne3A_132, %gather3A, %gather3A_131 : vector<16xi1>, vector<16xf32>
        %broadcast_in_dim3A_134 = arith.constant 21 : i32
        %broadcast_in_dim3A_135 = vector.broadcast %broadcast_in_dim3A_134 : i32 to vector<16xi32>
        tpu.vector_store_idx %arg5[%add3A_22, %broadcast_in_dim3A_135], %select_n3A_133 : memref<64x228xf32, #tpu.memory_space<vmem>>[vector<16xi32>, vector<16xi32>], vector<16xf32>,
        %broadcast_in_dim3A_136 = arith.constant 1423 : i32
        %broadcast_in_dim3A_137 = vector.broadcast %broadcast_in_dim3A_136 : i32 to vector<16xi32>
        %gather3A_138 = tpu.vector_load_idx %arg4[%add3A_22, %broadcast_in_dim3A_137] : memref<64x1629xf32, #tpu.memory_space<vmem>>[vector<16xi32>, vector<16xi32>], vector<16xf32>,
        %ne3A_139 = arith.cmpf one, %gather3A_138, %gather3A_138 : vector<16xf32>
        %select_n3A_140 = arith.select %ne3A_139, %gather3A_26, %gather3A_138 : vector<16xi1>, vector<16xf32>
        %broadcast_in_dim3A_141 = arith.constant 22 : i32
        %broadcast_in_dim3A_142 = vector.broadcast %broadcast_in_dim3A_141 : i32 to vector<16xi32>
        tpu.vector_store_idx %arg5[%add3A_22, %broadcast_in_dim3A_142], %select_n3A_140 : memref<64x228xf32, #tpu.memory_space<vmem>>[vector<16xi32>, vector<16xi32>], vector<16xf32>,
        %broadcast_in_dim3A_143 = arith.constant 1425 : i32
        %broadcast_in_dim3A_144 = vector.broadcast %broadcast_in_dim3A_143 : i32 to vector<16xi32>
        %gather3A_145 = tpu.vector_load_idx %arg4[%add3A_22, %broadcast_in_dim3A_144] : memref<64x1629xf32, #tpu.memory_space<vmem>>[vector<16xi32>, vector<16xi32>], vector<16xf32>,
        %ne3A_146 = arith.cmpf one, %gather3A_145, %gather3A_145 : vector<16xf32>
        %select_n3A_147 = arith.select %ne3A_146, %gather3A, %gather3A_145 : vector<16xi1>, vector<16xf32>
        %broadcast_in_dim3A_148 = arith.constant 24 : i32
        %broadcast_in_dim3A_149 = vector.broadcast %broadcast_in_dim3A_148 : i32 to vector<16xi32>
        tpu.vector_store_idx %arg5[%add3A_22, %broadcast_in_dim3A_149], %select_n3A_147 : memref<64x228xf32, #tpu.memory_space<vmem>>[vector<16xi32>, vector<16xi32>], vector<16xf32>,
        %broadcast_in_dim3A_150 = arith.constant 1426 : i32
        %broadcast_in_dim3A_151 = vector.broadcast %broadcast_in_dim3A_150 : i32 to vector<16xi32>
        %gather3A_152 = tpu.vector_load_idx %arg4[%add3A_22, %broadcast_in_dim3A_151] : memref<64x1629xf32, #tpu.memory_space<vmem>>[vector<16xi32>, vector<16xi32>], vector<16xf32>,
        %ne3A_153 = arith.cmpf one, %gather3A_152, %gather3A_152 : vector<16xf32>
        %select_n3A_154 = arith.select %ne3A_153, %gather3A_26, %gather3A_152 : vector<16xi1>, vector<16xf32>
        %broadcast_in_dim3A_155 = arith.constant 25 : i32
        %broadcast_in_dim3A_156 = vector.broadcast %broadcast_in_dim3A_155 : i32 to vector<16xi32>
        tpu.vector_store_idx %arg5[%add3A_22, %broadcast_in_dim3A_156], %select_n3A_154 : memref<64x228xf32, #tpu.memory_space<vmem>>[vector<16xi32>, vector<16xi32>], vector<16xf32>,
        %broadcast_in_dim3A_157 = arith.constant 1428 : i32
        %broadcast_in_dim3A_158 = vector.broadcast %broadcast_in_dim3A_157 : i32 to vector<16xi32>
        %gather3A_159 = tpu.vector_load_idx %arg4[%add3A_22, %broadcast_in_dim3A_158] : memref<64x1629xf32, #tpu.memory_space<vmem>>[vector<16xi32>, vector<16xi32>], vector<16xf32>,
        %ne3A_160 = arith.cmpf one, %gather3A_159, %gather3A_159 : vector<16xf32>
        %select_n3A_161 = arith.select %ne3A_160, %gather3A, %gather3A_159 : vector<16xi1>, vector<16xf32>
        %broadcast_in_dim3A_162 = arith.constant 27 : i32
        %broadcast_in_dim3A_163 = vector.broadcast %broadcast_in_dim3A_162 : i32 to vector<16xi32>
        tpu.vector_store_idx %arg5[%add3A_22, %broadcast_in_dim3A_163], %select_n3A_161 : memref<64x228xf32, #tpu.memory_space<vmem>>[vector<16xi32>, vector<16xi32>], vector<16xf32>,
        %broadcast_in_dim3A_164 = arith.constant 1429 : i32
        %broadcast_in_dim3A_165 = vector.broadcast %broadcast_in_dim3A_164 : i32 to vector<16xi32>
        %gather3A_166 = tpu.vector_load_idx %arg4[%add3A_22, %broadcast_in_dim3A_165] : memref<64x1629xf32, #tpu.memory_space<vmem>>[vector<16xi32>, vector<16xi32>], vector<16xf32>,
        %ne3A_167 = arith.cmpf one, %gather3A_166, %gather3A_166 : vector<16xf32>
        %select_n3A_168 = arith.select %ne3A_167, %gather3A_26, %gather3A_166 : vector<16xi1>, vector<16xf32>
        %broadcast_in_dim3A_169 = arith.constant 28 : i32
        %broadcast_in_dim3A_170 = vector.broadcast %broadcast_in_dim3A_169 : i32 to vector<16xi32>
        tpu.vector_store_idx %arg5[%add3A_22, %broadcast_in_dim3A_170], %select_n3A_168 : memref<64x228xf32, #tpu.memory_space<vmem>>[vector<16xi32>, vector<16xi32>], vector<16xf32>,
        %broadcast_in_dim3A_171 = arith.constant 1431 : i32
        %broadcast_in_dim3A_172 = vector.broadcast %broadcast_in_dim3A_171 : i32 to vector<16xi32>
        %gather3A_173 = tpu.vector_load_idx %arg4[%add3A_22, %broadcast_in_dim3A_172] : memref<64x1629xf32, #tpu.memory_space<vmem>>[vector<16xi32>, vector<16xi32>], vector<16xf32>,
        %ne3A_174 = arith.cmpf one, %gather3A_173, %gather3A_173 : vector<16xf32>
        %select_n3A_175 = arith.select %ne3A_174, %gather3A, %gather3A_173 : vector<16xi1>, vector<16xf32>
        %broadcast_in_dim3A_176 = arith.constant 30 : i32
        %broadcast_in_dim3A_177 = vector.broadcast %broadcast_in_dim3A_176 : i32 to vector<16xi32>
        tpu.vector_store_idx %arg5[%add3A_22, %broadcast_in_dim3A_177], %select_n3A_175 : memref<64x228xf32, #tpu.memory_space<vmem>>[vector<16xi32>, vector<16xi32>], vector<16xf32>,
        %broadcast_in_dim3A_178 = arith.constant 1432 : i32
        %broadcast_in_dim3A_179 = vector.broadcast %broadcast_in_dim3A_178 : i32 to vector<16xi32>
        %gather3A_180 = tpu.vector_load_idx %arg4[%add3A_22, %broadcast_in_dim3A_179] : memref<64x1629xf32, #tpu.memory_space<vmem>>[vector<16xi32>, vector<16xi32>], vector<16xf32>,
        %ne3A_181 = arith.cmpf one, %gather3A_180, %gather3A_180 : vector<16xf32>
        %select_n3A_182 = arith.select %ne3A_181, %gather3A_26, %gather3A_180 : vector<16xi1>, vector<16xf32>
        %broadcast_in_dim3A_183 = arith.constant 31 : i32
        %broadcast_in_dim3A_184 = vector.broadcast %broadcast_in_dim3A_183 : i32 to vector<16xi32>
        tpu.vector_store_idx %arg5[%add3A_22, %broadcast_in_dim3A_184], %select_n3A_182 : memref<64x228xf32, #tpu.memory_space<vmem>>[vector<16xi32>, vector<16xi32>], vector<16xf32>,
        %broadcast_in_dim3A_185 = arith.constant 1434 : i32
        %broadcast_in_dim3A_186 = vector.broadcast %broadcast_in_dim3A_185 : i32 to vector<16xi32>
        %gather3A_187 = tpu.vector_load_idx %arg4[%add3A_22, %broadcast_in_dim3A_186] : memref<64x1629xf32, #tpu.memory_space<vmem>>[vector<16xi32>, vector<16xi32>], vector<16xf32>,
        %ne3A_188 = arith.cmpf one, %gather3A_187, %gather3A_187 : vector<16xf32>
        %select_n3A_189 = arith.select %ne3A_188, %gather3A, %gather3A_187 : vector<16xi1>, vector<16xf32>
        %broadcast_in_dim3A_190 = arith.constant 33 : i32
        %broadcast_in_dim3A_191 = vector.broadcast %broadcast_in_dim3A_190 : i32 to vector<16xi32>
        tpu.vector_store_idx %arg5[%add3A_22, %broadcast_in_dim3A_191], %select_n3A_189 : memref<64x228xf32, #tpu.memory_space<vmem>>[vector<16xi32>, vector<16xi32>], vector<16xf32>,
        %broadcast_in_dim3A_192 = arith.constant 1435 : i32
        %broadcast_in_dim3A_193 = vector.broadcast %broadcast_in_dim3A_192 : i32 to vector<16xi32>
        %gather3A_194 = tpu.vector_load_idx %arg4[%add3A_22, %broadcast_in_dim3A_193] : memref<64x1629xf32, #tpu.memory_space<vmem>>[vector<16xi32>, vector<16xi32>], vector<16xf32>,
        %ne3A_195 = arith.cmpf one, %gather3A_194, %gather3A_194 : vector<16xf32>
        %select_n3A_196 = arith.select %ne3A_195, %gather3A_26, %gather3A_194 : vector<16xi1>, vector<16xf32>
        %broadcast_in_dim3A_197 = arith.constant 34 : i32
        %broadcast_in_dim3A_198 = vector.broadcast %broadcast_in_dim3A_197 : i32 to vector<16xi32>
        tpu.vector_store_idx %arg5[%add3A_22, %broadcast_in_dim3A_198], %select_n3A_196 : memref<64x228xf32, #tpu.memory_space<vmem>>[vector<16xi32>, vector<16xi32>], vector<16xf32>,
        %broadcast_in_dim3A_199 = arith.constant 1437 : i32
        %broadcast_in_dim3A_200 = vector.broadcast %broadcast_in_dim3A_199 : i32 to vector<16xi32>
        %gather3A_201 = tpu.vector_load_idx %arg4[%add3A_22, %broadcast_in_dim3A_200] : memref<64x1629xf32, #tpu.memory_space<vmem>>[vector<16xi32>, vector<16xi32>], vector<16xf32>,
        %ne3A_202 = arith.cmpf one, %gather3A_201, %gather3A_201 : vector<16xf32>
        %select_n3A_203 = arith.select %ne3A_202, %gather3A, %gather3A_201 : vector<16xi1>, vector<16xf32>
        %broadcast_in_dim3A_204 = arith.constant 36 : i32
        %broadcast_in_dim3A_205 = vector.broadcast %broadcast_in_dim3A_204 : i32 to vector<16xi32>
        tpu.vector_store_idx %arg5[%add3A_22, %broadcast_in_dim3A_205], %select_n3A_203 : memref<64x228xf32, #tpu.memory_space<vmem>>[vector<16xi32>, vector<16xi32>], vector<16xf32>,
        %broadcast_in_dim3A_206 = arith.constant 1438 : i32
        %broadcast_in_dim3A_207 = vector.broadcast %broadcast_in_dim3A_206 : i32 to vector<16xi32>
        %gather3A_208 = tpu.vector_load_idx %arg4[%add3A_22, %broadcast_in_dim3A_207] : memref<64x1629xf32, #tpu.memory_space<vmem>>[vector<16xi32>, vector<16xi32>], vector<16xf32>,
        %ne3A_209 = arith.cmpf one, %gather3A_208, %gather3A_208 : vector<16xf32>
        %select_n3A_210 = arith.select %ne3A_209, %gather3A_26, %gather3A_208 : vector<16xi1>, vector<16xf32>
        %broadcast_in_dim3A_211 = arith.constant 37 : i32
        %broadcast_in_dim3A_212 = vector.broadcast %broadcast_in_dim3A_211 : i32 to vector<16xi32>
        tpu.vector_store_idx %arg5[%add3A_22, %broadcast_in_dim3A_212], %select_n3A_210 : memref<64x228xf32, #tpu.memory_space<vmem>>[vector<16xi32>, vector<16xi32>], vector<16xf32>,
        %broadcast_in_dim3A_213 = arith.constant 1440 : i32
        %broadcast_in_dim3A_214 = vector.broadcast %broadcast_in_dim3A_213 : i32 to vector<16xi32>
        %gather3A_215 = tpu.vector_load_idx %arg4[%add3A_22, %broadcast_in_dim3A_214] : memref<64x1629xf32, #tpu.memory_space<vmem>>[vector<16xi32>, vector<16xi32>], vector<16xf32>,
        %ne3A_216 = arith.cmpf one, %gather3A_215, %gather3A_215 : vector<16xf32>
        %select_n3A_217 = arith.select %ne3A_216, %gather3A, %gather3A_215 : vector<16xi1>, vector<16xf32>
        %broadcast_in_dim3A_218 = arith.constant 39 : i32
        %broadcast_in_dim3A_219 = vector.broadcast %broadcast_in_dim3A_218 : i32 to vector<16xi32>
        tpu.vector_store_idx %arg5[%add3A_22, %broadcast_in_dim3A_219], %select_n3A_217 : memref<64x228xf32, #tpu.memory_space<vmem>>[vector<16xi32>, vector<16xi32>], vector<16xf32>,
        %broadcast_in_dim3A_220 = arith.constant 1441 : i32
        %broadcast_in_dim3A_221 = vector.broadcast %broadcast_in_dim3A_220 : i32 to vector<16xi32>
        %gather3A_222 = tpu.vector_load_idx %arg4[%add3A_22, %broadcast_in_dim3A_221] : memref<64x1629xf32, #tpu.memory_space<vmem>>[vector<16xi32>, vector<16xi32>], vector<16xf32>,
        %ne3A_223 = arith.cmpf one, %gather3A_222, %gather3A_222 : vector<16xf32>
        %select_n3A_224 = arith.select %ne3A_223, %gather3A_26, %gather3A_222 : vector<16xi1>, vector<16xf32>
        %broadcast_in_dim3A_225 = arith.constant 40 : i32
        %broadcast_in_dim3A_226 = vector.broadcast %broadcast_in_dim3A_225 : i32 to vector<16xi32>
        tpu.vector_store_idx %arg5[%add3A_22, %broadcast_in_dim3A_226], %select_n3A_224 : memref<64x228xf32, #tpu.memory_space<vmem>>[vector<16xi32>, vector<16xi32>], vector<16xf32>,
        %broadcast_in_dim3A_227 = arith.constant 1443 : i32
        %broadcast_in_dim3A_228 = vector.broadcast %broadcast_in_dim3A_227 : i32 to vector<16xi32>
        %gather3A_229 = tpu.vector_load_idx %arg4[%add3A_22, %broadcast_in_dim3A_228] : memref<64x1629xf32, #tpu.memory_space<vmem>>[vector<16xi32>, vector<16xi32>], vector<16xf32>,
        %ne3A_230 = arith.cmpf one, %gather3A_229, %gather3A_229 : vector<16xf32>
        %select_n3A_231 = arith.select %ne3A_230, %gather3A, %gather3A_229 : vector<16xi1>, vector<16xf32>
        %broadcast_in_dim3A_232 = arith.constant 42 : i32
        %broadcast_in_dim3A_233 = vector.broadcast %broadcast_in_dim3A_232 : i32 to vector<16xi32>
        tpu.vector_store_idx %arg5[%add3A_22, %broadcast_in_dim3A_233], %select_n3A_231 : memref<64x228xf32, #tpu.memory_space<vmem>>[vector<16xi32>, vector<16xi32>], vector<16xf32>,
        %broadcast_in_dim3A_234 = arith.constant 1444 : i32
        %broadcast_in_dim3A_235 = vector.broadcast %broadcast_in_dim3A_234 : i32 to vector<16xi32>
        %gather3A_236 = tpu.vector_load_idx %arg4[%add3A_22, %broadcast_in_dim3A_235] : memref<64x1629xf32, #tpu.memory_space<vmem>>[vector<16xi32>, vector<16xi32>], vector<16xf32>,
        %ne3A_237 = arith.cmpf one, %gather3A_236, %gather3A_236 : vector<16xf32>
        %select_n3A_238 = arith.select %ne3A_237, %gather3A_26, %gather3A_236 : vector<16xi1>, vector<16xf32>
        %broadcast_in_dim3A_239 = arith.constant 43 : i32
        %broadcast_in_dim3A_240 = vector.broadcast %broadcast_in_dim3A_239 : i32 to vector<16xi32>
        tpu.vector_store_idx %arg5[%add3A_22, %broadcast_in_dim3A_240], %select_n3A_238 : memref<64x228xf32, #tpu.memory_space<vmem>>[vector<16xi32>, vector<16xi32>], vector<16xf32>,
        %broadcast_in_dim3A_241 = arith.constant 1446 : i32
        %broadcast_in_dim3A_242 = vector.broadcast %broadcast_in_dim3A_241 : i32 to vector<16xi32>
        %gather3A_243 = tpu.vector_load_idx %arg4[%add3A_22, %broadcast_in_dim3A_242] : memref<64x1629xf32, #tpu.memory_space<vmem>>[vector<16xi32>, vector<16xi32>], vector<16xf32>,
        %ne3A_244 = arith.cmpf one, %gather3A_243, %gather3A_243 : vector<16xf32>
        %select_n3A_245 = arith.select %ne3A_244, %gather3A, %gather3A_243 : vector<16xi1>, vector<16xf32>
        %broadcast_in_dim3A_246 = arith.constant 45 : i32
        %broadcast_in_dim3A_247 = vector.broadcast %broadcast_in_dim3A_246 : i32 to vector<16xi32>
        tpu.vector_store_idx %arg5[%add3A_22, %broadcast_in_dim3A_247], %select_n3A_245 : memref<64x228xf32, #tpu.memory_space<vmem>>[vector<16xi32>, vector<16xi32>], vector<16xf32>,
        %broadcast_in_dim3A_248 = arith.constant 1447 : i32
        %broadcast_in_dim3A_249 = vector.broadcast %broadcast_in_dim3A_248 : i32 to vector<16xi32>
        %gather3A_250 = tpu.vector_load_idx %arg4[%add3A_22, %broadcast_in_dim3A_249] : memref<64x1629xf32, #tpu.memory_space<vmem>>[vector<16xi32>, vector<16xi32>], vector<16xf32>,
        %ne3A_251 = arith.cmpf one, %gather3A_250, %gather3A_250 : vector<16xf32>
        %select_n3A_252 = arith.select %ne3A_251, %gather3A_26, %gather3A_250 : vector<16xi1>, vector<16xf32>
        %broadcast_in_dim3A_253 = arith.constant 46 : i32
        %broadcast_in_dim3A_254 = vector.broadcast %broadcast_in_dim3A_253 : i32 to vector<16xi32>
        tpu.vector_store_idx %arg5[%add3A_22, %broadcast_in_dim3A_254], %select_n3A_252 : memref<64x228xf32, #tpu.memory_space<vmem>>[vector<16xi32>, vector<16xi32>], vector<16xf32>,
        %broadcast_in_dim3A_255 = arith.constant 1449 : i32
        %broadcast_in_dim3A_256 = vector.broadcast %broadcast_in_dim3A_255 : i32 to vector<16xi32>
        %gather3A_257 = tpu.vector_load_idx %arg4[%add3A_22, %broadcast_in_dim3A_256] : memref<64x1629xf32, #tpu.memory_space<vmem>>[vector<16xi32>, vector<16xi32>], vector<16xf32>,
        %ne3A_258 = arith.cmpf one, %gather3A_257, %gather3A_257 : vector<16xf32>
        %select_n3A_259 = arith.select %ne3A_258, %gather3A, %gather3A_257 : vector<16xi1>, vector<16xf32>
        %broadcast_in_dim3A_260 = arith.constant 48 : i32
        %broadcast_in_dim3A_261 = vector.broadcast %broadcast_in_dim3A_260 : i32 to vector<16xi32>
        tpu.vector_store_idx %arg5[%add3A_22, %broadcast_in_dim3A_261], %select_n3A_259 : memref<64x228xf32, #tpu.memory_space<vmem>>[vector<16xi32>, vector<16xi32>], vector<16xf32>,
        %broadcast_in_dim3A_262 = arith.constant 1450 : i32
        %broadcast_in_dim3A_263 = vector.broadcast %broadcast_in_dim3A_262 : i32 to vector<16xi32>
        %gather3A_264 = tpu.vector_load_idx %arg4[%add3A_22, %broadcast_in_dim3A_263] : memref<64x1629xf32, #tpu.memory_space<vmem>>[vector<16xi32>, vector<16xi32>], vector<16xf32>,
        %ne3A_265 = arith.cmpf one, %gather3A_264, %gather3A_264 : vector<16xf32>
        %select_n3A_266 = arith.select %ne3A_265, %gather3A_26, %gather3A_264 : vector<16xi1>, vector<16xf32>
        %broadcast_in_dim3A_267 = arith.constant 49 : i32
        %broadcast_in_dim3A_268 = vector.broadcast %broadcast_in_dim3A_267 : i32 to vector<16xi32>
        tpu.vector_store_idx %arg5[%add3A_22, %broadcast_in_dim3A_268], %select_n3A_266 : memref<64x228xf32, #tpu.memory_space<vmem>>[vector<16xi32>, vector<16xi32>], vector<16xf32>,
        %broadcast_in_dim3A_269 = arith.constant 1452 : i32
        %broadcast_in_dim3A_270 = vector.broadcast %broadcast_in_dim3A_269 : i32 to vector<16xi32>
        %gather3A_271 = tpu.vector_load_idx %arg4[%add3A_22, %broadcast_in_dim3A_270] : memref<64x1629xf32, #tpu.memory_space<vmem>>[vector<16xi32>, vector<16xi32>], vector<16xf32>,
        %ne3A_272 = arith.cmpf one, %gather3A_271, %gather3A_271 : vector<16xf32>
        %select_n3A_273 = arith.select %ne3A_272, %gather3A, %gather3A_271 : vector<16xi1>, vector<16xf32>
        %broadcast_in_dim3A_274 = arith.constant 51 : i32
        %broadcast_in_dim3A_275 = vector.broadcast %broadcast_in_dim3A_274 : i32 to vector<16xi32>
        tpu.vector_store_idx %arg5[%add3A_22, %broadcast_in_dim3A_275], %select_n3A_273 : memref<64x228xf32, #tpu.memory_space<vmem>>[vector<16xi32>, vector<16xi32>], vector<16xf32>,
        %broadcast_in_dim3A_276 = arith.constant 1453 : i32
        %broadcast_in_dim3A_277 = vector.broadcast %broadcast_in_dim3A_276 : i32 to vector<16xi32>
        %gather3A_278 = tpu.vector_load_idx %arg4[%add3A_22, %broadcast_in_dim3A_277] : memref<64x1629xf32, #tpu.memory_space<vmem>>[vector<16xi32>, vector<16xi32>], vector<16xf32>,
        %ne3A_279 = arith.cmpf one, %gather3A_278, %gather3A_278 : vector<16xf32>
        %select_n3A_280 = arith.select %ne3A_279, %gather3A_26, %gather3A_278 : vector<16xi1>, vector<16xf32>
        %broadcast_in_dim3A_281 = arith.constant 52 : i32
        %broadcast_in_dim3A_282 = vector.broadcast %broadcast_in_dim3A_281 : i32 to vector<16xi32>
        tpu.vector_store_idx %arg5[%add3A_22, %broadcast_in_dim3A_282], %select_n3A_280 : memref<64x228xf32, #tpu.memory_space<vmem>>[vector<16xi32>, vector<16xi32>], vector<16xf32>,
        %broadcast_in_dim3A_283 = arith.constant 1455 : i32
        %broadcast_in_dim3A_284 = vector.broadcast %broadcast_in_dim3A_283 : i32 to vector<16xi32>
        %gather3A_285 = tpu.vector_load_idx %arg4[%add3A_22, %broadcast_in_dim3A_284] : memref<64x1629xf32, #tpu.memory_space<vmem>>[vector<16xi32>, vector<16xi32>], vector<16xf32>,
        %ne3A_286 = arith.cmpf one, %gather3A_285, %gather3A_285 : vector<16xf32>
        %select_n3A_287 = arith.select %ne3A_286, %gather3A, %gather3A_285 : vector<16xi1>, vector<16xf32>
        %broadcast_in_dim3A_288 = arith.constant 54 : i32
        %broadcast_in_dim3A_289 = vector.broadcast %broadcast_in_dim3A_288 : i32 to vector<16xi32>
        tpu.vector_store_idx %arg5[%add3A_22, %broadcast_in_dim3A_289], %select_n3A_287 : memref<64x228xf32, #tpu.memory_space<vmem>>[vector<16xi32>, vector<16xi32>], vector<16xf32>,
        %broadcast_in_dim3A_290 = arith.constant 1456 : i32
        %broadcast_in_dim3A_291 = vector.broadcast %broadcast_in_dim3A_290 : i32 to vector<16xi32>
        %gather3A_292 = tpu.vector_load_idx %arg4[%add3A_22, %broadcast_in_dim3A_291] : memref<64x1629xf32, #tpu.memory_space<vmem>>[vector<16xi32>, vector<16xi32>], vector<16xf32>,
        %ne3A_293 = arith.cmpf one, %gather3A_292, %gather3A_292 : vector<16xf32>
        %select_n3A_294 = arith.select %ne3A_293, %gather3A_26, %gather3A_292 : vector<16xi1>, vector<16xf32>
        %broadcast_in_dim3A_295 = arith.constant 55 : i32
        %broadcast_in_dim3A_296 = vector.broadcast %broadcast_in_dim3A_295 : i32 to vector<16xi32>
        tpu.vector_store_idx %arg5[%add3A_22, %broadcast_in_dim3A_296], %select_n3A_294 : memref<64x228xf32, #tpu.memory_space<vmem>>[vector<16xi32>, vector<16xi32>], vector<16xf32>,
        %broadcast_in_dim3A_297 = arith.constant 1458 : i32
        %broadcast_in_dim3A_298 = vector.broadcast %broadcast_in_dim3A_297 : i32 to vector<16xi32>
        %gather3A_299 = tpu.vector_load_idx %arg4[%add3A_22, %broadcast_in_dim3A_298] : memref<64x1629xf32, #tpu.memory_space<vmem>>[vector<16xi32>, vector<16xi32>], vector<16xf32>,
        %ne3A_300 = arith.cmpf one, %gather3A_299, %gather3A_299 : vector<16xf32>
        %select_n3A_301 = arith.select %ne3A_300, %gather3A, %gather3A_299 : vector<16xi1>, vector<16xf32>
        %broadcast_in_dim3A_302 = arith.constant 57 : i32
        %broadcast_in_dim3A_303 = vector.broadcast %broadcast_in_dim3A_302 : i32 to vector<16xi32>
        tpu.vector_store_idx %arg5[%add3A_22, %broadcast_in_dim3A_303], %select_n3A_301 : memref<64x228xf32, #tpu.memory_space<vmem>>[vector<16xi32>, vector<16xi32>], vector<16xf32>,
        %broadcast_in_dim3A_304 = arith.constant 1459 : i32
        %broadcast_in_dim3A_305 = vector.broadcast %broadcast_in_dim3A_304 : i32 to vector<16xi32>
        %gather3A_306 = tpu.vector_load_idx %arg4[%add3A_22, %broadcast_in_dim3A_305] : memref<64x1629xf32, #tpu.memory_space<vmem>>[vector<16xi32>, vector<16xi32>], vector<16xf32>,
        %ne3A_307 = arith.cmpf one, %gather3A_306, %gather3A_306 : vector<16xf32>
        %select_n3A_308 = arith.select %ne3A_307, %gather3A_26, %gather3A_306 : vector<16xi1>, vector<16xf32>
        %broadcast_in_dim3A_309 = arith.constant 58 : i32
        %broadcast_in_dim3A_310 = vector.broadcast %broadcast_in_dim3A_309 : i32 to vector<16xi32>
        tpu.vector_store_idx %arg5[%add3A_22, %broadcast_in_dim3A_310], %select_n3A_308 : memref<64x228xf32, #tpu.memory_space<vmem>>[vector<16xi32>, vector<16xi32>], vector<16xf32>,
        %broadcast_in_dim3A_311 = arith.constant 1461 : i32
        %broadcast_in_dim3A_312 = vector.broadcast %broadcast_in_dim3A_311 : i32 to vector<16xi32>
        %gather3A_313 = tpu.vector_load_idx %arg4[%add3A_22, %broadcast_in_dim3A_312] : memref<64x1629xf32, #tpu.memory_space<vmem>>[vector<16xi32>, vector<16xi32>], vector<16xf32>,
        %ne3A_314 = arith.cmpf one, %gather3A_313, %gather3A_313 : vector<16xf32>
        %select_n3A_315 = arith.select %ne3A_314, %gather3A, %gather3A_313 : vector<16xi1>, vector<16xf32>
        %broadcast_in_dim3A_316 = arith.constant 60 : i32
        %broadcast_in_dim3A_317 = vector.broadcast %broadcast_in_dim3A_316 : i32 to vector<16xi32>
        tpu.vector_store_idx %arg5[%add3A_22, %broadcast_in_dim3A_317], %select_n3A_315 : memref<64x228xf32, #tpu.memory_space<vmem>>[vector<16xi32>, vector<16xi32>], vector<16xf32>,
        %broadcast_in_dim3A_318 = arith.constant 1462 : i32
        %broadcast_in_dim3A_319 = vector.broadcast %broadcast_in_dim3A_318 : i32 to vector<16xi32>
        %gather3A_320 = tpu.vector_load_idx %arg4[%add3A_22, %broadcast_in_dim3A_319] : memref<64x1629xf32, #tpu.memory_space<vmem>>[vector<16xi32>, vector<16xi32>], vector<16xf32>,
        %ne3A_321 = arith.cmpf one, %gather3A_320, %gather3A_320 : vector<16xf32>
        %select_n3A_322 = arith.select %ne3A_321, %gather3A_26, %gather3A_320 : vector<16xi1>, vector<16xf32>
        %broadcast_in_dim3A_323 = arith.constant 61 : i32
        %broadcast_in_dim3A_324 = vector.broadcast %broadcast_in_dim3A_323 : i32 to vector<16xi32>
        tpu.vector_store_idx %arg5[%add3A_22, %broadcast_in_dim3A_324], %select_n3A_322 : memref<64x228xf32, #tpu.memory_space<vmem>>[vector<16xi32>, vector<16xi32>], vector<16xf32>,
        %broadcast_in_dim3A_325 = arith.constant 1464 : i32
        %broadcast_in_dim3A_326 = vector.broadcast %broadcast_in_dim3A_325 : i32 to vector<16xi32>
        %gather3A_327 = tpu.vector_load_idx %arg4[%add3A_22, %broadcast_in_dim3A_326] : memref<64x1629xf32, #tpu.memory_space<vmem>>[vector<16xi32>, vector<16xi32>], vector<16xf32>,
        %ne3A_328 = arith.cmpf one, %gather3A_327, %gather3A_327 : vector<16xf32>
        %select_n3A_329 = arith.select %ne3A_328, %gather3A, %gather3A_327 : vector<16xi1>, vector<16xf32>
        %broadcast_in_dim3A_330 = arith.constant 63 : i32
        %broadcast_in_dim3A_331 = vector.broadcast %broadcast_in_dim3A_330 : i32 to vector<16xi32>
        tpu.vector_store_idx %arg5[%add3A_22, %broadcast_in_dim3A_331], %select_n3A_329 : memref<64x228xf32, #tpu.memory_space<vmem>>[vector<16xi32>, vector<16xi32>], vector<16xf32>,
        %broadcast_in_dim3A_332 = arith.constant 1465 : i32
        %broadcast_in_dim3A_333 = vector.broadcast %broadcast_in_dim3A_332 : i32 to vector<16xi32>
        %gather3A_334 = tpu.vector_load_idx %arg4[%add3A_22, %broadcast_in_dim3A_333] : memref<64x1629xf32, #tpu.memory_space<vmem>>[vector<16xi32>, vector<16xi32>], vector<16xf32>,
        %ne3A_335 = arith.cmpf one, %gather3A_334, %gather3A_334 : vector<16xf32>
        %select_n3A_336 = arith.select %ne3A_335, %gather3A_26, %gather3A_334 : vector<16xi1>, vector<16xf32>
        %broadcast_in_dim3A_337 = arith.constant 64 : i32
        %broadcast_in_dim3A_338 = vector.broadcast %broadcast_in_dim3A_337 : i32 to vector<16xi32>
        tpu.vector_store_idx %arg5[%add3A_22, %broadcast_in_dim3A_338], %select_n3A_336 : memref<64x228xf32, #tpu.memory_space<vmem>>[vector<16xi32>, vector<16xi32>], vector<16xf32>,
        %broadcast_in_dim3A_339 = arith.constant 1467 : i32
        %broadcast_in_dim3A_340 = vector.broadcast %broadcast_in_dim3A_339 : i32 to vector<16xi32>
        %gather3A_341 = tpu.vector_load_idx %arg4[%add3A_22, %broadcast_in_dim3A_340] : memref<64x1629xf32, #tpu.memory_space<vmem>>[vector<16xi32>, vector<16xi32>], vector<16xf32>,
        %broadcast_in_dim3A_342 = arith.constant 66 : i32
        %broadcast_in_dim3A_343 = vector.broadcast %broadcast_in_dim3A_342 : i32 to vector<16xi32>
        tpu.vector_store_idx %arg5[%add3A_22, %broadcast_in_dim3A_343], %gather3A_341 : memref<64x228xf32, #tpu.memory_space<vmem>>[vector<16xi32>, vector<16xi32>], vector<16xf32>,
        %broadcast_in_dim3A_344 = arith.constant 1468 : i32
        %broadcast_in_dim3A_345 = vector.broadcast %broadcast_in_dim3A_344 : i32 to vector<16xi32>
        %gather3A_346 = tpu.vector_load_idx %arg4[%add3A_22, %broadcast_in_dim3A_345] : memref<64x1629xf32, #tpu.memory_space<vmem>>[vector<16xi32>, vector<16xi32>], vector<16xf32>,
        %broadcast_in_dim3A_347 = arith.constant 67 : i32
        %broadcast_in_dim3A_348 = vector.broadcast %broadcast_in_dim3A_347 : i32 to vector<16xi32>
        tpu.vector_store_idx %arg5[%add3A_22, %broadcast_in_dim3A_348], %gather3A_346 : memref<64x228xf32, #tpu.memory_space<vmem>>[vector<16xi32>, vector<16xi32>], vector<16xf32>,
        %broadcast_in_dim3A_349 = arith.constant 1470 : i32
        %broadcast_in_dim3A_350 = vector.broadcast %broadcast_in_dim3A_349 : i32 to vector<16xi32>
        %gather3A_351 = tpu.vector_load_idx %arg4[%add3A_22, %broadcast_in_dim3A_350] : memref<64x1629xf32, #tpu.memory_space<vmem>>[vector<16xi32>, vector<16xi32>], vector<16xf32>,
        %broadcast_in_dim3A_352 = arith.constant 69 : i32
        %broadcast_in_dim3A_353 = vector.broadcast %broadcast_in_dim3A_352 : i32 to vector<16xi32>
        tpu.vector_store_idx %arg5[%add3A_22, %broadcast_in_dim3A_353], %gather3A_351 : memref<64x228xf32, #tpu.memory_space<vmem>>[vector<16xi32>, vector<16xi32>], vector<16xf32>,
        %broadcast_in_dim3A_354 = arith.constant 1471 : i32
        %broadcast_in_dim3A_355 = vector.broadcast %broadcast_in_dim3A_354 : i32 to vector<16xi32>
        %gather3A_356 = tpu.vector_load_idx %arg4[%add3A_22, %broadcast_in_dim3A_355] : memref<64x1629xf32, #tpu.memory_space<vmem>>[vector<16xi32>, vector<16xi32>], vector<16xf32>,
        %broadcast_in_dim3A_357 = arith.constant 70 : i32
        %broadcast_in_dim3A_358 = vector.broadcast %broadcast_in_dim3A_357 : i32 to vector<16xi32>
        tpu.vector_store_idx %arg5[%add3A_22, %broadcast_in_dim3A_358], %gather3A_356 : memref<64x228xf32, #tpu.memory_space<vmem>>[vector<16xi32>, vector<16xi32>], vector<16xf32>,
        %broadcast_in_dim3A_359 = arith.constant 1473 : i32
        %broadcast_in_dim3A_360 = vector.broadcast %broadcast_in_dim3A_359 : i32 to vector<16xi32>
        %gather3A_361 = tpu.vector_load_idx %arg4[%add3A_22, %broadcast_in_dim3A_360] : memref<64x1629xf32, #tpu.memory_space<vmem>>[vector<16xi32>, vector<16xi32>], vector<16xf32>,
        %broadcast_in_dim3A_362 = arith.constant 72 : i32
        %broadcast_in_dim3A_363 = vector.broadcast %broadcast_in_dim3A_362 : i32 to vector<16xi32>
        tpu.vector_store_idx %arg5[%add3A_22, %broadcast_in_dim3A_363], %gather3A_361 : memref<64x228xf32, #tpu.memory_space<vmem>>[vector<16xi32>, vector<16xi32>], vector<16xf32>,
        %broadcast_in_dim3A_364 = arith.constant 1474 : i32
        %broadcast_in_dim3A_365 = vector.broadcast %broadcast_in_dim3A_364 : i32 to vector<16xi32>
        %gather3A_366 = tpu.vector_load_idx %arg4[%add3A_22, %broadcast_in_dim3A_365] : memref<64x1629xf32, #tpu.memory_space<vmem>>[vector<16xi32>, vector<16xi32>], vector<16xf32>,
        %broadcast_in_dim3A_367 = arith.constant 73 : i32
        %broadcast_in_dim3A_368 = vector.broadcast %broadcast_in_dim3A_367 : i32 to vector<16xi32>
        tpu.vector_store_idx %arg5[%add3A_22, %broadcast_in_dim3A_368], %gather3A_366 : memref<64x228xf32, #tpu.memory_space<vmem>>[vector<16xi32>, vector<16xi32>], vector<16xf32>,
        %broadcast_in_dim3A_369 = arith.constant 1476 : i32
        %broadcast_in_dim3A_370 = vector.broadcast %broadcast_in_dim3A_369 : i32 to vector<16xi32>
        %gather3A_371 = tpu.vector_load_idx %arg4[%add3A_22, %broadcast_in_dim3A_370] : memref<64x1629xf32, #tpu.memory_space<vmem>>[vector<16xi32>, vector<16xi32>], vector<16xf32>,
        %broadcast_in_dim3A_372 = arith.constant 75 : i32
        %broadcast_in_dim3A_373 = vector.broadcast %broadcast_in_dim3A_372 : i32 to vector<16xi32>
        tpu.vector_store_idx %arg5[%add3A_22, %broadcast_in_dim3A_373], %gather3A_371 : memref<64x228xf32, #tpu.memory_space<vmem>>[vector<16xi32>, vector<16xi32>], vector<16xf32>,
        %broadcast_in_dim3A_374 = arith.constant 1477 : i32
        %broadcast_in_dim3A_375 = vector.broadcast %broadcast_in_dim3A_374 : i32 to vector<16xi32>
        %gather3A_376 = tpu.vector_load_idx %arg4[%add3A_22, %broadcast_in_dim3A_375] : memref<64x1629xf32, #tpu.memory_space<vmem>>[vector<16xi32>, vector<16xi32>], vector<16xf32>,
        %broadcast_in_dim3A_377 = arith.constant 76 : i32
        %broadcast_in_dim3A_378 = vector.broadcast %broadcast_in_dim3A_377 : i32 to vector<16xi32>
        tpu.vector_store_idx %arg5[%add3A_22, %broadcast_in_dim3A_378], %gather3A_376 : memref<64x228xf32, #tpu.memory_space<vmem>>[vector<16xi32>, vector<16xi32>], vector<16xf32>,
        %broadcast_in_dim3A_379 = arith.constant 1479 : i32
        %broadcast_in_dim3A_380 = vector.broadcast %broadcast_in_dim3A_379 : i32 to vector<16xi32>
        %gather3A_381 = tpu.vector_load_idx %arg4[%add3A_22, %broadcast_in_dim3A_380] : memref<64x1629xf32, #tpu.memory_space<vmem>>[vector<16xi32>, vector<16xi32>], vector<16xf32>,
        %broadcast_in_dim3A_382 = arith.constant 78 : i32
        %broadcast_in_dim3A_383 = vector.broadcast %broadcast_in_dim3A_382 : i32 to vector<16xi32>
        tpu.vector_store_idx %arg5[%add3A_22, %broadcast_in_dim3A_383], %gather3A_381 : memref<64x228xf32, #tpu.memory_space<vmem>>[vector<16xi32>, vector<16xi32>], vector<16xf32>,
        %broadcast_in_dim3A_384 = arith.constant 1480 : i32
        %broadcast_in_dim3A_385 = vector.broadcast %broadcast_in_dim3A_384 : i32 to vector<16xi32>
        %gather3A_386 = tpu.vector_load_idx %arg4[%add3A_22, %broadcast_in_dim3A_385] : memref<64x1629xf32, #tpu.memory_space<vmem>>[vector<16xi32>, vector<16xi32>], vector<16xf32>,
        %broadcast_in_dim3A_387 = arith.constant 79 : i32
        %broadcast_in_dim3A_388 = vector.broadcast %broadcast_in_dim3A_387 : i32 to vector<16xi32>
        tpu.vector_store_idx %arg5[%add3A_22, %broadcast_in_dim3A_388], %gather3A_386 : memref<64x228xf32, #tpu.memory_space<vmem>>[vector<16xi32>, vector<16xi32>], vector<16xf32>,
        %broadcast_in_dim3A_389 = arith.constant 1482 : i32
        %broadcast_in_dim3A_390 = vector.broadcast %broadcast_in_dim3A_389 : i32 to vector<16xi32>
        %gather3A_391 = tpu.vector_load_idx %arg4[%add3A_22, %broadcast_in_dim3A_390] : memref<64x1629xf32, #tpu.memory_space<vmem>>[vector<16xi32>, vector<16xi32>], vector<16xf32>,
        %broadcast_in_dim3A_392 = arith.constant 81 : i32
        %broadcast_in_dim3A_393 = vector.broadcast %broadcast_in_dim3A_392 : i32 to vector<16xi32>
        tpu.vector_store_idx %arg5[%add3A_22, %broadcast_in_dim3A_393], %gather3A_391 : memref<64x228xf32, #tpu.memory_space<vmem>>[vector<16xi32>, vector<16xi32>], vector<16xf32>,
        %broadcast_in_dim3A_394 = arith.constant 1483 : i32
        %broadcast_in_dim3A_395 = vector.broadcast %broadcast_in_dim3A_394 : i32 to vector<16xi32>
        %gather3A_396 = tpu.vector_load_idx %arg4[%add3A_22, %broadcast_in_dim3A_395] : memref<64x1629xf32, #tpu.memory_space<vmem>>[vector<16xi32>, vector<16xi32>], vector<16xf32>,
        %broadcast_in_dim3A_397 = arith.constant 82 : i32
        %broadcast_in_dim3A_398 = vector.broadcast %broadcast_in_dim3A_397 : i32 to vector<16xi32>
        tpu.vector_store_idx %arg5[%add3A_22, %broadcast_in_dim3A_398], %gather3A_396 : memref<64x228xf32, #tpu.memory_space<vmem>>[vector<16xi32>, vector<16xi32>], vector<16xf32>,
        %broadcast_in_dim3A_399 = arith.constant 1485 : i32
        %broadcast_in_dim3A_400 = vector.broadcast %broadcast_in_dim3A_399 : i32 to vector<16xi32>
        %gather3A_401 = tpu.vector_load_idx %arg4[%add3A_22, %broadcast_in_dim3A_400] : memref<64x1629xf32, #tpu.memory_space<vmem>>[vector<16xi32>, vector<16xi32>], vector<16xf32>,
        %broadcast_in_dim3A_402 = arith.constant 84 : i32
        %broadcast_in_dim3A_403 = vector.broadcast %broadcast_in_dim3A_402 : i32 to vector<16xi32>
        tpu.vector_store_idx %arg5[%add3A_22, %broadcast_in_dim3A_403], %gather3A_401 : memref<64x228xf32, #tpu.memory_space<vmem>>[vector<16xi32>, vector<16xi32>], vector<16xf32>,
        %broadcast_in_dim3A_404 = arith.constant 1486 : i32
        %broadcast_in_dim3A_405 = vector.broadcast %broadcast_in_dim3A_404 : i32 to vector<16xi32>
        %gather3A_406 = tpu.vector_load_idx %arg4[%add3A_22, %broadcast_in_dim3A_405] : memref<64x1629xf32, #tpu.memory_space<vmem>>[vector<16xi32>, vector<16xi32>], vector<16xf32>,
        %broadcast_in_dim3A_407 = arith.constant 85 : i32
        %broadcast_in_dim3A_408 = vector.broadcast %broadcast_in_dim3A_407 : i32 to vector<16xi32>
        tpu.vector_store_idx %arg5[%add3A_22, %broadcast_in_dim3A_408], %gather3A_406 : memref<64x228xf32, #tpu.memory_space<vmem>>[vector<16xi32>, vector<16xi32>], vector<16xf32>,
        %broadcast_in_dim3A_409 = arith.constant 1488 : i32
        %broadcast_in_dim3A_410 = vector.broadcast %broadcast_in_dim3A_409 : i32 to vector<16xi32>
        %gather3A_411 = tpu.vector_load_idx %arg4[%add3A_22, %broadcast_in_dim3A_410] : memref<64x1629xf32, #tpu.memory_space<vmem>>[vector<16xi32>, vector<16xi32>], vector<16xf32>,
        %broadcast_in_dim3A_412 = arith.constant 87 : i32
        %broadcast_in_dim3A_413 = vector.broadcast %broadcast_in_dim3A_412 : i32 to vector<16xi32>
        tpu.vector_store_idx %arg5[%add3A_22, %broadcast_in_dim3A_413], %gather3A_411 : memref<64x228xf32, #tpu.memory_space<vmem>>[vector<16xi32>, vector<16xi32>], vector<16xf32>,
        %broadcast_in_dim3A_414 = arith.constant 1489 : i32
        %broadcast_in_dim3A_415 = vector.broadcast %broadcast_in_dim3A_414 : i32 to vector<16xi32>
        %gather3A_416 = tpu.vector_load_idx %arg4[%add3A_22, %broadcast_in_dim3A_415] : memref<64x1629xf32, #tpu.memory_space<vmem>>[vector<16xi32>, vector<16xi32>], vector<16xf32>,
        %broadcast_in_dim3A_417 = arith.constant 88 : i32
        %broadcast_in_dim3A_418 = vector.broadcast %broadcast_in_dim3A_417 : i32 to vector<16xi32>
        tpu.vector_store_idx %arg5[%add3A_22, %broadcast_in_dim3A_418], %gather3A_416 : memref<64x228xf32, #tpu.memory_space<vmem>>[vector<16xi32>, vector<16xi32>], vector<16xf32>,
        %broadcast_in_dim3A_419 = arith.constant 1491 : i32
        %broadcast_in_dim3A_420 = vector.broadcast %broadcast_in_dim3A_419 : i32 to vector<16xi32>
        %gather3A_421 = tpu.vector_load_idx %arg4[%add3A_22, %broadcast_in_dim3A_420] : memref<64x1629xf32, #tpu.memory_space<vmem>>[vector<16xi32>, vector<16xi32>], vector<16xf32>,
        %broadcast_in_dim3A_422 = arith.constant 90 : i32
        %broadcast_in_dim3A_423 = vector.broadcast %broadcast_in_dim3A_422 : i32 to vector<16xi32>
        tpu.vector_store_idx %arg5[%add3A_22, %broadcast_in_dim3A_423], %gather3A_421 : memref<64x228xf32, #tpu.memory_space<vmem>>[vector<16xi32>, vector<16xi32>], vector<16xf32>,
        %broadcast_in_dim3A_424 = arith.constant 1492 : i32
        %broadcast_in_dim3A_425 = vector.broadcast %broadcast_in_dim3A_424 : i32 to vector<16xi32>
        %gather3A_426 = tpu.vector_load_idx %arg4[%add3A_22, %broadcast_in_dim3A_425] : memref<64x1629xf32, #tpu.memory_space<vmem>>[vector<16xi32>, vector<16xi32>], vector<16xf32>,
        %broadcast_in_dim3A_427 = arith.constant 91 : i32
        %broadcast_in_dim3A_428 = vector.broadcast %broadcast_in_dim3A_427 : i32 to vector<16xi32>
        tpu.vector_store_idx %arg5[%add3A_22, %broadcast_in_dim3A_428], %gather3A_426 : memref<64x228xf32, #tpu.memory_space<vmem>>[vector<16xi32>, vector<16xi32>], vector<16xf32>,
        %broadcast_in_dim3A_429 = arith.constant 1494 : i32
        %broadcast_in_dim3A_430 = vector.broadcast %broadcast_in_dim3A_429 : i32 to vector<16xi32>
        %gather3A_431 = tpu.vector_load_idx %arg4[%add3A_22, %broadcast_in_dim3A_430] : memref<64x1629xf32, #tpu.memory_space<vmem>>[vector<16xi32>, vector<16xi32>], vector<16xf32>,
        %broadcast_in_dim3A_432 = arith.constant 93 : i32
        %broadcast_in_dim3A_433 = vector.broadcast %broadcast_in_dim3A_432 : i32 to vector<16xi32>
        tpu.vector_store_idx %arg5[%add3A_22, %broadcast_in_dim3A_433], %gather3A_431 : memref<64x228xf32, #tpu.memory_space<vmem>>[vector<16xi32>, vector<16xi32>], vector<16xf32>,
        %broadcast_in_dim3A_434 = arith.constant 1495 : i32
        %broadcast_in_dim3A_435 = vector.broadcast %broadcast_in_dim3A_434 : i32 to vector<16xi32>
        %gather3A_436 = tpu.vector_load_idx %arg4[%add3A_22, %broadcast_in_dim3A_435] : memref<64x1629xf32, #tpu.memory_space<vmem>>[vector<16xi32>, vector<16xi32>], vector<16xf32>,
        %broadcast_in_dim3A_437 = arith.constant 94 : i32
        %broadcast_in_dim3A_438 = vector.broadcast %broadcast_in_dim3A_437 : i32 to vector<16xi32>
        tpu.vector_store_idx %arg5[%add3A_22, %broadcast_in_dim3A_438], %gather3A_436 : memref<64x228xf32, #tpu.memory_space<vmem>>[vector<16xi32>, vector<16xi32>], vector<16xf32>,
        %broadcast_in_dim3A_439 = arith.constant 1497 : i32
        %broadcast_in_dim3A_440 = vector.broadcast %broadcast_in_dim3A_439 : i32 to vector<16xi32>
        %gather3A_441 = tpu.vector_load_idx %arg4[%add3A_22, %broadcast_in_dim3A_440] : memref<64x1629xf32, #tpu.memory_space<vmem>>[vector<16xi32>, vector<16xi32>], vector<16xf32>,
        %broadcast_in_dim3A_442 = arith.constant 96 : i32
        %broadcast_in_dim3A_443 = vector.broadcast %broadcast_in_dim3A_442 : i32 to vector<16xi32>
        tpu.vector_store_idx %arg5[%add3A_22, %broadcast_in_dim3A_443], %gather3A_441 : memref<64x228xf32, #tpu.memory_space<vmem>>[vector<16xi32>, vector<16xi32>], vector<16xf32>,
        %broadcast_in_dim3A_444 = arith.constant 1498 : i32
        %broadcast_in_dim3A_445 = vector.broadcast %broadcast_in_dim3A_444 : i32 to vector<16xi32>
        %gather3A_446 = tpu.vector_load_idx %arg4[%add3A_22, %broadcast_in_dim3A_445] : memref<64x1629xf32, #tpu.memory_space<vmem>>[vector<16xi32>, vector<16xi32>], vector<16xf32>,
        %broadcast_in_dim3A_447 = arith.constant 97 : i32
        %broadcast_in_dim3A_448 = vector.broadcast %broadcast_in_dim3A_447 : i32 to vector<16xi32>
        tpu.vector_store_idx %arg5[%add3A_22, %broadcast_in_dim3A_448], %gather3A_446 : memref<64x228xf32, #tpu.memory_space<vmem>>[vector<16xi32>, vector<16xi32>], vector<16xf32>,
        %broadcast_in_dim3A_449 = arith.constant 1500 : i32
        %broadcast_in_dim3A_450 = vector.broadcast %broadcast_in_dim3A_449 : i32 to vector<16xi32>
        %gather3A_451 = tpu.vector_load_idx %arg4[%add3A_22, %broadcast_in_dim3A_450] : memref<64x1629xf32, #tpu.memory_space<vmem>>[vector<16xi32>, vector<16xi32>], vector<16xf32>,
        %broadcast_in_dim3A_452 = arith.constant 99 : i32
        %broadcast_in_dim3A_453 = vector.broadcast %broadcast_in_dim3A_452 : i32 to vector<16xi32>
        tpu.vector_store_idx %arg5[%add3A_22, %broadcast_in_dim3A_453], %gather3A_451 : memref<64x228xf32, #tpu.memory_space<vmem>>[vector<16xi32>, vector<16xi32>], vector<16xf32>,
        %broadcast_in_dim3A_454 = arith.constant 1501 : i32
        %broadcast_in_dim3A_455 = vector.broadcast %broadcast_in_dim3A_454 : i32 to vector<16xi32>
        %gather3A_456 = tpu.vector_load_idx %arg4[%add3A_22, %broadcast_in_dim3A_455] : memref<64x1629xf32, #tpu.memory_space<vmem>>[vector<16xi32>, vector<16xi32>], vector<16xf32>,
        %broadcast_in_dim3A_457 = arith.constant 100 : i32
        %broadcast_in_dim3A_458 = vector.broadcast %broadcast_in_dim3A_457 : i32 to vector<16xi32>
        tpu.vector_store_idx %arg5[%add3A_22, %broadcast_in_dim3A_458], %gather3A_456 : memref<64x228xf32, #tpu.memory_space<vmem>>[vector<16xi32>, vector<16xi32>], vector<16xf32>,
        %broadcast_in_dim3A_459 = arith.constant 1503 : i32
        %broadcast_in_dim3A_460 = vector.broadcast %broadcast_in_dim3A_459 : i32 to vector<16xi32>
        %gather3A_461 = tpu.vector_load_idx %arg4[%add3A_22, %broadcast_in_dim3A_460] : memref<64x1629xf32, #tpu.memory_space<vmem>>[vector<16xi32>, vector<16xi32>], vector<16xf32>,
        %broadcast_in_dim3A_462 = arith.constant 102 : i32
        %broadcast_in_dim3A_463 = vector.broadcast %broadcast_in_dim3A_462 : i32 to vector<16xi32>
        tpu.vector_store_idx %arg5[%add3A_22, %broadcast_in_dim3A_463], %gather3A_461 : memref<64x228xf32, #tpu.memory_space<vmem>>[vector<16xi32>, vector<16xi32>], vector<16xf32>,
        %broadcast_in_dim3A_464 = arith.constant 1504 : i32
        %broadcast_in_dim3A_465 = vector.broadcast %broadcast_in_dim3A_464 : i32 to vector<16xi32>
        %gather3A_466 = tpu.vector_load_idx %arg4[%add3A_22, %broadcast_in_dim3A_465] : memref<64x1629xf32, #tpu.memory_space<vmem>>[vector<16xi32>, vector<16xi32>], vector<16xf32>,
        %broadcast_in_dim3A_467 = arith.constant 103 : i32
        %broadcast_in_dim3A_468 = vector.broadcast %broadcast_in_dim3A_467 : i32 to vector<16xi32>
        tpu.vector_store_idx %arg5[%add3A_22, %broadcast_in_dim3A_468], %gather3A_466 : memref<64x228xf32, #tpu.memory_space<vmem>>[vector<16xi32>, vector<16xi32>], vector<16xf32>,
        %broadcast_in_dim3A_469 = arith.constant 1506 : i32
        %broadcast_in_dim3A_470 = vector.broadcast %broadcast_in_dim3A_469 : i32 to vector<16xi32>
        %gather3A_471 = tpu.vector_load_idx %arg4[%add3A_22, %broadcast_in_dim3A_470] : memref<64x1629xf32, #tpu.memory_space<vmem>>[vector<16xi32>, vector<16xi32>], vector<16xf32>,
        %broadcast_in_dim3A_472 = arith.constant 105 : i32
        %broadcast_in_dim3A_473 = vector.broadcast %broadcast_in_dim3A_472 : i32 to vector<16xi32>
        tpu.vector_store_idx %arg5[%add3A_22, %broadcast_in_dim3A_473], %gather3A_471 : memref<64x228xf32, #tpu.memory_space<vmem>>[vector<16xi32>, vector<16xi32>], vector<16xf32>,
        %broadcast_in_dim3A_474 = arith.constant 1507 : i32
        %broadcast_in_dim3A_475 = vector.broadcast %broadcast_in_dim3A_474 : i32 to vector<16xi32>
        %gather3A_476 = tpu.vector_load_idx %arg4[%add3A_22, %broadcast_in_dim3A_475] : memref<64x1629xf32, #tpu.memory_space<vmem>>[vector<16xi32>, vector<16xi32>], vector<16xf32>,
        %broadcast_in_dim3A_477 = arith.constant 106 : i32
        %broadcast_in_dim3A_478 = vector.broadcast %broadcast_in_dim3A_477 : i32 to vector<16xi32>
        tpu.vector_store_idx %arg5[%add3A_22, %broadcast_in_dim3A_478], %gather3A_476 : memref<64x228xf32, #tpu.memory_space<vmem>>[vector<16xi32>, vector<16xi32>], vector<16xf32>,
        %broadcast_in_dim3A_479 = arith.constant 1509 : i32
        %broadcast_in_dim3A_480 = vector.broadcast %broadcast_in_dim3A_479 : i32 to vector<16xi32>
        %gather3A_481 = tpu.vector_load_idx %arg4[%add3A_22, %broadcast_in_dim3A_480] : memref<64x1629xf32, #tpu.memory_space<vmem>>[vector<16xi32>, vector<16xi32>], vector<16xf32>,
        %broadcast_in_dim3A_482 = arith.constant 108 : i32
        %broadcast_in_dim3A_483 = vector.broadcast %broadcast_in_dim3A_482 : i32 to vector<16xi32>
        tpu.vector_store_idx %arg5[%add3A_22, %broadcast_in_dim3A_483], %gather3A_481 : memref<64x228xf32, #tpu.memory_space<vmem>>[vector<16xi32>, vector<16xi32>], vector<16xf32>,
        %broadcast_in_dim3A_484 = arith.constant 1510 : i32
        %broadcast_in_dim3A_485 = vector.broadcast %broadcast_in_dim3A_484 : i32 to vector<16xi32>
        %gather3A_486 = tpu.vector_load_idx %arg4[%add3A_22, %broadcast_in_dim3A_485] : memref<64x1629xf32, #tpu.memory_space<vmem>>[vector<16xi32>, vector<16xi32>], vector<16xf32>,
        %broadcast_in_dim3A_487 = arith.constant 109 : i32
        %broadcast_in_dim3A_488 = vector.broadcast %broadcast_in_dim3A_487 : i32 to vector<16xi32>
        tpu.vector_store_idx %arg5[%add3A_22, %broadcast_in_dim3A_488], %gather3A_486 : memref<64x228xf32, #tpu.memory_space<vmem>>[vector<16xi32>, vector<16xi32>], vector<16xf32>,
        %broadcast_in_dim3A_489 = arith.constant 1512 : i32
        %broadcast_in_dim3A_490 = vector.broadcast %broadcast_in_dim3A_489 : i32 to vector<16xi32>
        %gather3A_491 = tpu.vector_load_idx %arg4[%add3A_22, %broadcast_in_dim3A_490] : memref<64x1629xf32, #tpu.memory_space<vmem>>[vector<16xi32>, vector<16xi32>], vector<16xf32>,
        %broadcast_in_dim3A_492 = arith.constant 111 : i32
        %broadcast_in_dim3A_493 = vector.broadcast %broadcast_in_dim3A_492 : i32 to vector<16xi32>
        tpu.vector_store_idx %arg5[%add3A_22, %broadcast_in_dim3A_493], %gather3A_491 : memref<64x228xf32, #tpu.memory_space<vmem>>[vector<16xi32>, vector<16xi32>], vector<16xf32>,
        %broadcast_in_dim3A_494 = arith.constant 1513 : i32
        %broadcast_in_dim3A_495 = vector.broadcast %broadcast_in_dim3A_494 : i32 to vector<16xi32>
        %gather3A_496 = tpu.vector_load_idx %arg4[%add3A_22, %broadcast_in_dim3A_495] : memref<64x1629xf32, #tpu.memory_space<vmem>>[vector<16xi32>, vector<16xi32>], vector<16xf32>,
        %broadcast_in_dim3A_497 = arith.constant 112 : i32
        %broadcast_in_dim3A_498 = vector.broadcast %broadcast_in_dim3A_497 : i32 to vector<16xi32>
        tpu.vector_store_idx %arg5[%add3A_22, %broadcast_in_dim3A_498], %gather3A_496 : memref<64x228xf32, #tpu.memory_space<vmem>>[vector<16xi32>, vector<16xi32>], vector<16xf32>,
        %broadcast_in_dim3A_499 = arith.constant 1515 : i32
        %broadcast_in_dim3A_500 = vector.broadcast %broadcast_in_dim3A_499 : i32 to vector<16xi32>
        %gather3A_501 = tpu.vector_load_idx %arg4[%add3A_22, %broadcast_in_dim3A_500] : memref<64x1629xf32, #tpu.memory_space<vmem>>[vector<16xi32>, vector<16xi32>], vector<16xf32>,
        %broadcast_in_dim3A_502 = arith.constant 114 : i32
        %broadcast_in_dim3A_503 = vector.broadcast %broadcast_in_dim3A_502 : i32 to vector<16xi32>
        tpu.vector_store_idx %arg5[%add3A_22, %broadcast_in_dim3A_503], %gather3A_501 : memref<64x228xf32, #tpu.memory_space<vmem>>[vector<16xi32>, vector<16xi32>], vector<16xf32>,
        %broadcast_in_dim3A_504 = arith.constant 1516 : i32
        %broadcast_in_dim3A_505 = vector.broadcast %broadcast_in_dim3A_504 : i32 to vector<16xi32>
        %gather3A_506 = tpu.vector_load_idx %arg4[%add3A_22, %broadcast_in_dim3A_505] : memref<64x1629xf32, #tpu.memory_space<vmem>>[vector<16xi32>, vector<16xi32>], vector<16xf32>,
        %broadcast_in_dim3A_507 = arith.constant 115 : i32
        %broadcast_in_dim3A_508 = vector.broadcast %broadcast_in_dim3A_507 : i32 to vector<16xi32>
        tpu.vector_store_idx %arg5[%add3A_22, %broadcast_in_dim3A_508], %gather3A_506 : memref<64x228xf32, #tpu.memory_space<vmem>>[vector<16xi32>, vector<16xi32>], vector<16xf32>,
        %broadcast_in_dim3A_509 = arith.constant 1518 : i32
        %broadcast_in_dim3A_510 = vector.broadcast %broadcast_in_dim3A_509 : i32 to vector<16xi32>
        %gather3A_511 = tpu.vector_load_idx %arg4[%add3A_22, %broadcast_in_dim3A_510] : memref<64x1629xf32, #tpu.memory_space<vmem>>[vector<16xi32>, vector<16xi32>], vector<16xf32>,
        %broadcast_in_dim3A_512 = arith.constant 117 : i32
        %broadcast_in_dim3A_513 = vector.broadcast %broadcast_in_dim3A_512 : i32 to vector<16xi32>
        tpu.vector_store_idx %arg5[%add3A_22, %broadcast_in_dim3A_513], %gather3A_511 : memref<64x228xf32, #tpu.memory_space<vmem>>[vector<16xi32>, vector<16xi32>], vector<16xf32>,
        %broadcast_in_dim3A_514 = arith.constant 1519 : i32
        %broadcast_in_dim3A_515 = vector.broadcast %broadcast_in_dim3A_514 : i32 to vector<16xi32>
        %gather3A_516 = tpu.vector_load_idx %arg4[%add3A_22, %broadcast_in_dim3A_515] : memref<64x1629xf32, #tpu.memory_space<vmem>>[vector<16xi32>, vector<16xi32>], vector<16xf32>,
        %broadcast_in_dim3A_517 = arith.constant 118 : i32
        %broadcast_in_dim3A_518 = vector.broadcast %broadcast_in_dim3A_517 : i32 to vector<16xi32>
        tpu.vector_store_idx %arg5[%add3A_22, %broadcast_in_dim3A_518], %gather3A_516 : memref<64x228xf32, #tpu.memory_space<vmem>>[vector<16xi32>, vector<16xi32>], vector<16xf32>,
        %broadcast_in_dim3A_519 = arith.constant 1521 : i32
        %broadcast_in_dim3A_520 = vector.broadcast %broadcast_in_dim3A_519 : i32 to vector<16xi32>
        %gather3A_521 = tpu.vector_load_idx %arg4[%add3A_22, %broadcast_in_dim3A_520] : memref<64x1629xf32, #tpu.memory_space<vmem>>[vector<16xi32>, vector<16xi32>], vector<16xf32>,
        %broadcast_in_dim3A_522 = arith.constant 120 : i32
        %broadcast_in_dim3A_523 = vector.broadcast %broadcast_in_dim3A_522 : i32 to vector<16xi32>
        tpu.vector_store_idx %arg5[%add3A_22, %broadcast_in_dim3A_523], %gather3A_521 : memref<64x228xf32, #tpu.memory_space<vmem>>[vector<16xi32>, vector<16xi32>], vector<16xf32>,
        %broadcast_in_dim3A_524 = arith.constant 1522 : i32
        %broadcast_in_dim3A_525 = vector.broadcast %broadcast_in_dim3A_524 : i32 to vector<16xi32>
        %gather3A_526 = tpu.vector_load_idx %arg4[%add3A_22, %broadcast_in_dim3A_525] : memref<64x1629xf32, #tpu.memory_space<vmem>>[vector<16xi32>, vector<16xi32>], vector<16xf32>,
        %broadcast_in_dim3A_527 = arith.constant 121 : i32
        %broadcast_in_dim3A_528 = vector.broadcast %broadcast_in_dim3A_527 : i32 to vector<16xi32>
        tpu.vector_store_idx %arg5[%add3A_22, %broadcast_in_dim3A_528], %gather3A_526 : memref<64x228xf32, #tpu.memory_space<vmem>>[vector<16xi32>, vector<16xi32>], vector<16xf32>,
        %broadcast_in_dim3A_529 = arith.constant 1524 : i32
        %broadcast_in_dim3A_530 = vector.broadcast %broadcast_in_dim3A_529 : i32 to vector<16xi32>
        %gather3A_531 = tpu.vector_load_idx %arg4[%add3A_22, %broadcast_in_dim3A_530] : memref<64x1629xf32, #tpu.memory_space<vmem>>[vector<16xi32>, vector<16xi32>], vector<16xf32>,
        %broadcast_in_dim3A_532 = arith.constant 123 : i32
        %broadcast_in_dim3A_533 = vector.broadcast %broadcast_in_dim3A_532 : i32 to vector<16xi32>
        tpu.vector_store_idx %arg5[%add3A_22, %broadcast_in_dim3A_533], %gather3A_531 : memref<64x228xf32, #tpu.memory_space<vmem>>[vector<16xi32>, vector<16xi32>], vector<16xf32>,
        %broadcast_in_dim3A_534 = arith.constant 1525 : i32
        %broadcast_in_dim3A_535 = vector.broadcast %broadcast_in_dim3A_534 : i32 to vector<16xi32>
        %gather3A_536 = tpu.vector_load_idx %arg4[%add3A_22, %broadcast_in_dim3A_535] : memref<64x1629xf32, #tpu.memory_space<vmem>>[vector<16xi32>, vector<16xi32>], vector<16xf32>,
        %broadcast_in_dim3A_537 = arith.constant 124 : i32
        %broadcast_in_dim3A_538 = vector.broadcast %broadcast_in_dim3A_537 : i32 to vector<16xi32>
        tpu.vector_store_idx %arg5[%add3A_22, %broadcast_in_dim3A_538], %gather3A_536 : memref<64x228xf32, #tpu.memory_space<vmem>>[vector<16xi32>, vector<16xi32>], vector<16xf32>,
        %broadcast_in_dim3A_539 = arith.constant 1527 : i32
        %broadcast_in_dim3A_540 = vector.broadcast %broadcast_in_dim3A_539 : i32 to vector<16xi32>
        %gather3A_541 = tpu.vector_load_idx %arg4[%add3A_22, %broadcast_in_dim3A_540] : memref<64x1629xf32, #tpu.memory_space<vmem>>[vector<16xi32>, vector<16xi32>], vector<16xf32>,
        %broadcast_in_dim3A_542 = arith.constant 126 : i32
        %broadcast_in_dim3A_543 = vector.broadcast %broadcast_in_dim3A_542 : i32 to vector<16xi32>
        tpu.vector_store_idx %arg5[%add3A_22, %broadcast_in_dim3A_543], %gather3A_541 : memref<64x228xf32, #tpu.memory_space<vmem>>[vector<16xi32>, vector<16xi32>], vector<16xf32>,
        %broadcast_in_dim3A_544 = arith.constant 1528 : i32
        %broadcast_in_dim3A_545 = vector.broadcast %broadcast_in_dim3A_544 : i32 to vector<16xi32>
        %gather3A_546 = tpu.vector_load_idx %arg4[%add3A_22, %broadcast_in_dim3A_545] : memref<64x1629xf32, #tpu.memory_space<vmem>>[vector<16xi32>, vector<16xi32>], vector<16xf32>,
        %broadcast_in_dim3A_547 = arith.constant 127 : i32
        %broadcast_in_dim3A_548 = vector.broadcast %broadcast_in_dim3A_547 : i32 to vector<16xi32>
        tpu.vector_store_idx %arg5[%add3A_22, %broadcast_in_dim3A_548], %gather3A_546 : memref<64x228xf32, #tpu.memory_space<vmem>>[vector<16xi32>, vector<16xi32>], vector<16xf32>,
        %broadcast_in_dim3A_549 = arith.constant 1530 : i32
        %broadcast_in_dim3A_550 = vector.broadcast %broadcast_in_dim3A_549 : i32 to vector<16xi32>
        %gather3A_551 = tpu.vector_load_idx %arg4[%add3A_22, %broadcast_in_dim3A_550] : memref<64x1629xf32, #tpu.memory_space<vmem>>[vector<16xi32>, vector<16xi32>], vector<16xf32>,
        %broadcast_in_dim3A_552 = arith.constant 129 : i32
        %broadcast_in_dim3A_553 = vector.broadcast %broadcast_in_dim3A_552 : i32 to vector<16xi32>
        tpu.vector_store_idx %arg5[%add3A_22, %broadcast_in_dim3A_553], %gather3A_551 : memref<64x228xf32, #tpu.memory_space<vmem>>[vector<16xi32>, vector<16xi32>], vector<16xf32>,
        %broadcast_in_dim3A_554 = arith.constant 1531 : i32
        %broadcast_in_dim3A_555 = vector.broadcast %broadcast_in_dim3A_554 : i32 to vector<16xi32>
        %gather3A_556 = tpu.vector_load_idx %arg4[%add3A_22, %broadcast_in_dim3A_555] : memref<64x1629xf32, #tpu.memory_space<vmem>>[vector<16xi32>, vector<16xi32>], vector<16xf32>,
        %broadcast_in_dim3A_557 = arith.constant 130 : i32
        %broadcast_in_dim3A_558 = vector.broadcast %broadcast_in_dim3A_557 : i32 to vector<16xi32>
        tpu.vector_store_idx %arg5[%add3A_22, %broadcast_in_dim3A_558], %gather3A_556 : memref<64x228xf32, #tpu.memory_space<vmem>>[vector<16xi32>, vector<16xi32>], vector<16xf32>,
        %broadcast_in_dim3A_559 = arith.constant 1533 : i32
        %broadcast_in_dim3A_560 = vector.broadcast %broadcast_in_dim3A_559 : i32 to vector<16xi32>
        %gather3A_561 = tpu.vector_load_idx %arg4[%add3A_22, %broadcast_in_dim3A_560] : memref<64x1629xf32, #tpu.memory_space<vmem>>[vector<16xi32>, vector<16xi32>], vector<16xf32>,
        %broadcast_in_dim3A_562 = arith.constant 132 : i32
        %broadcast_in_dim3A_563 = vector.broadcast %broadcast_in_dim3A_562 : i32 to vector<16xi32>
        tpu.vector_store_idx %arg5[%add3A_22, %broadcast_in_dim3A_563], %gather3A_561 : memref<64x228xf32, #tpu.memory_space<vmem>>[vector<16xi32>, vector<16xi32>], vector<16xf32>,
        %broadcast_in_dim3A_564 = arith.constant 1534 : i32
        %broadcast_in_dim3A_565 = vector.broadcast %broadcast_in_dim3A_564 : i32 to vector<16xi32>
        %gather3A_566 = tpu.vector_load_idx %arg4[%add3A_22, %broadcast_in_dim3A_565] : memref<64x1629xf32, #tpu.memory_space<vmem>>[vector<16xi32>, vector<16xi32>], vector<16xf32>,
        %broadcast_in_dim3A_567 = arith.constant 133 : i32
        %broadcast_in_dim3A_568 = vector.broadcast %broadcast_in_dim3A_567 : i32 to vector<16xi32>
        tpu.vector_store_idx %arg5[%add3A_22, %broadcast_in_dim3A_568], %gather3A_566 : memref<64x228xf32, #tpu.memory_space<vmem>>[vector<16xi32>, vector<16xi32>], vector<16xf32>,
        %broadcast_in_dim3A_569 = arith.constant 1536 : i32
        %broadcast_in_dim3A_570 = vector.broadcast %broadcast_in_dim3A_569 : i32 to vector<16xi32>
        %gather3A_571 = tpu.vector_load_idx %arg4[%add3A_22, %broadcast_in_dim3A_570] : memref<64x1629xf32, #tpu.memory_space<vmem>>[vector<16xi32>, vector<16xi32>], vector<16xf32>,
        %broadcast_in_dim3A_572 = arith.constant 135 : i32
        %broadcast_in_dim3A_573 = vector.broadcast %broadcast_in_dim3A_572 : i32 to vector<16xi32>
        tpu.vector_store_idx %arg5[%add3A_22, %broadcast_in_dim3A_573], %gather3A_571 : memref<64x228xf32, #tpu.memory_space<vmem>>[vector<16xi32>, vector<16xi32>], vector<16xf32>,
        %broadcast_in_dim3A_574 = arith.constant 1537 : i32
        %broadcast_in_dim3A_575 = vector.broadcast %broadcast_in_dim3A_574 : i32 to vector<16xi32>
        %gather3A_576 = tpu.vector_load_idx %arg4[%add3A_22, %broadcast_in_dim3A_575] : memref<64x1629xf32, #tpu.memory_space<vmem>>[vector<16xi32>, vector<16xi32>], vector<16xf32>,
        %broadcast_in_dim3A_577 = arith.constant 136 : i32
        %broadcast_in_dim3A_578 = vector.broadcast %broadcast_in_dim3A_577 : i32 to vector<16xi32>
        tpu.vector_store_idx %arg5[%add3A_22, %broadcast_in_dim3A_578], %gather3A_576 : memref<64x228xf32, #tpu.memory_space<vmem>>[vector<16xi32>, vector<16xi32>], vector<16xf32>,
        %broadcast_in_dim3A_579 = arith.constant 1539 : i32
        %broadcast_in_dim3A_580 = vector.broadcast %broadcast_in_dim3A_579 : i32 to vector<16xi32>
        %gather3A_581 = tpu.vector_load_idx %arg4[%add3A_22, %broadcast_in_dim3A_580] : memref<64x1629xf32, #tpu.memory_space<vmem>>[vector<16xi32>, vector<16xi32>], vector<16xf32>,
        %broadcast_in_dim3A_582 = arith.constant 138 : i32
        %broadcast_in_dim3A_583 = vector.broadcast %broadcast_in_dim3A_582 : i32 to vector<16xi32>
        tpu.vector_store_idx %arg5[%add3A_22, %broadcast_in_dim3A_583], %gather3A_581 : memref<64x228xf32, #tpu.memory_space<vmem>>[vector<16xi32>, vector<16xi32>], vector<16xf32>,
        %broadcast_in_dim3A_584 = arith.constant 1540 : i32
        %broadcast_in_dim3A_585 = vector.broadcast %broadcast_in_dim3A_584 : i32 to vector<16xi32>
        %gather3A_586 = tpu.vector_load_idx %arg4[%add3A_22, %broadcast_in_dim3A_585] : memref<64x1629xf32, #tpu.memory_space<vmem>>[vector<16xi32>, vector<16xi32>], vector<16xf32>,
        %broadcast_in_dim3A_587 = arith.constant 139 : i32
        %broadcast_in_dim3A_588 = vector.broadcast %broadcast_in_dim3A_587 : i32 to vector<16xi32>
        tpu.vector_store_idx %arg5[%add3A_22, %broadcast_in_dim3A_588], %gather3A_586 : memref<64x228xf32, #tpu.memory_space<vmem>>[vector<16xi32>, vector<16xi32>], vector<16xf32>,
        %broadcast_in_dim3A_589 = arith.constant 1542 : i32
        %broadcast_in_dim3A_590 = vector.broadcast %broadcast_in_dim3A_589 : i32 to vector<16xi32>
        %gather3A_591 = tpu.vector_load_idx %arg4[%add3A_22, %broadcast_in_dim3A_590] : memref<64x1629xf32, #tpu.memory_space<vmem>>[vector<16xi32>, vector<16xi32>], vector<16xf32>,
        %broadcast_in_dim3A_592 = arith.constant 141 : i32
        %broadcast_in_dim3A_593 = vector.broadcast %broadcast_in_dim3A_592 : i32 to vector<16xi32>
        tpu.vector_store_idx %arg5[%add3A_22, %broadcast_in_dim3A_593], %gather3A_591 : memref<64x228xf32, #tpu.memory_space<vmem>>[vector<16xi32>, vector<16xi32>], vector<16xf32>,
        %broadcast_in_dim3A_594 = arith.constant 1543 : i32
        %broadcast_in_dim3A_595 = vector.broadcast %broadcast_in_dim3A_594 : i32 to vector<16xi32>
        %gather3A_596 = tpu.vector_load_idx %arg4[%add3A_22, %broadcast_in_dim3A_595] : memref<64x1629xf32, #tpu.memory_space<vmem>>[vector<16xi32>, vector<16xi32>], vector<16xf32>,
        %broadcast_in_dim3A_597 = arith.constant 142 : i32
        %broadcast_in_dim3A_598 = vector.broadcast %broadcast_in_dim3A_597 : i32 to vector<16xi32>
        tpu.vector_store_idx %arg5[%add3A_22, %broadcast_in_dim3A_598], %gather3A_596 : memref<64x228xf32, #tpu.memory_space<vmem>>[vector<16xi32>, vector<16xi32>], vector<16xf32>,
        %broadcast_in_dim3A_599 = arith.constant 1545 : i32
        %broadcast_in_dim3A_600 = vector.broadcast %broadcast_in_dim3A_599 : i32 to vector<16xi32>
        %gather3A_601 = tpu.vector_load_idx %arg4[%add3A_22, %broadcast_in_dim3A_600] : memref<64x1629xf32, #tpu.memory_space<vmem>>[vector<16xi32>, vector<16xi32>], vector<16xf32>,
        %broadcast_in_dim3A_602 = arith.constant 144 : i32
        %broadcast_in_dim3A_603 = vector.broadcast %broadcast_in_dim3A_602 : i32 to vector<16xi32>
        tpu.vector_store_idx %arg5[%add3A_22, %broadcast_in_dim3A_603], %gather3A_601 : memref<64x228xf32, #tpu.memory_space<vmem>>[vector<16xi32>, vector<16xi32>], vector<16xf32>,
        %broadcast_in_dim3A_604 = arith.constant 1546 : i32
        %broadcast_in_dim3A_605 = vector.broadcast %broadcast_in_dim3A_604 : i32 to vector<16xi32>
        %gather3A_606 = tpu.vector_load_idx %arg4[%add3A_22, %broadcast_in_dim3A_605] : memref<64x1629xf32, #tpu.memory_space<vmem>>[vector<16xi32>, vector<16xi32>], vector<16xf32>,
        %broadcast_in_dim3A_607 = arith.constant 145 : i32
        %broadcast_in_dim3A_608 = vector.broadcast %broadcast_in_dim3A_607 : i32 to vector<16xi32>
        tpu.vector_store_idx %arg5[%add3A_22, %broadcast_in_dim3A_608], %gather3A_606 : memref<64x228xf32, #tpu.memory_space<vmem>>[vector<16xi32>, vector<16xi32>], vector<16xf32>,
        %broadcast_in_dim3A_609 = arith.constant 1548 : i32
        %broadcast_in_dim3A_610 = vector.broadcast %broadcast_in_dim3A_609 : i32 to vector<16xi32>
        %gather3A_611 = tpu.vector_load_idx %arg4[%add3A_22, %broadcast_in_dim3A_610] : memref<64x1629xf32, #tpu.memory_space<vmem>>[vector<16xi32>, vector<16xi32>], vector<16xf32>,
        %broadcast_in_dim3A_612 = arith.constant 147 : i32
        %broadcast_in_dim3A_613 = vector.broadcast %broadcast_in_dim3A_612 : i32 to vector<16xi32>
        tpu.vector_store_idx %arg5[%add3A_22, %broadcast_in_dim3A_613], %gather3A_611 : memref<64x228xf32, #tpu.memory_space<vmem>>[vector<16xi32>, vector<16xi32>], vector<16xf32>,
        %broadcast_in_dim3A_614 = arith.constant 1549 : i32
        %broadcast_in_dim3A_615 = vector.broadcast %broadcast_in_dim3A_614 : i32 to vector<16xi32>
        %gather3A_616 = tpu.vector_load_idx %arg4[%add3A_22, %broadcast_in_dim3A_615] : memref<64x1629xf32, #tpu.memory_space<vmem>>[vector<16xi32>, vector<16xi32>], vector<16xf32>,
        %broadcast_in_dim3A_617 = arith.constant 148 : i32
        %broadcast_in_dim3A_618 = vector.broadcast %broadcast_in_dim3A_617 : i32 to vector<16xi32>
        tpu.vector_store_idx %arg5[%add3A_22, %broadcast_in_dim3A_618], %gather3A_616 : memref<64x228xf32, #tpu.memory_space<vmem>>[vector<16xi32>, vector<16xi32>], vector<16xf32>,
        %broadcast_in_dim3A_619 = arith.constant 1551 : i32
        %broadcast_in_dim3A_620 = vector.broadcast %broadcast_in_dim3A_619 : i32 to vector<16xi32>
        %gather3A_621 = tpu.vector_load_idx %arg4[%add3A_22, %broadcast_in_dim3A_620] : memref<64x1629xf32, #tpu.memory_space<vmem>>[vector<16xi32>, vector<16xi32>], vector<16xf32>,
        %broadcast_in_dim3A_622 = arith.constant 150 : i32
        %broadcast_in_dim3A_623 = vector.broadcast %broadcast_in_dim3A_622 : i32 to vector<16xi32>
        tpu.vector_store_idx %arg5[%add3A_22, %broadcast_in_dim3A_623], %gather3A_621 : memref<64x228xf32, #tpu.memory_space<vmem>>[vector<16xi32>, vector<16xi32>], vector<16xf32>,
        %broadcast_in_dim3A_624 = arith.constant 1552 : i32
        %broadcast_in_dim3A_625 = vector.broadcast %broadcast_in_dim3A_624 : i32 to vector<16xi32>
        %gather3A_626 = tpu.vector_load_idx %arg4[%add3A_22, %broadcast_in_dim3A_625] : memref<64x1629xf32, #tpu.memory_space<vmem>>[vector<16xi32>, vector<16xi32>], vector<16xf32>,
        %broadcast_in_dim3A_627 = arith.constant 151 : i32
        %broadcast_in_dim3A_628 = vector.broadcast %broadcast_in_dim3A_627 : i32 to vector<16xi32>
        tpu.vector_store_idx %arg5[%add3A_22, %broadcast_in_dim3A_628], %gather3A_626 : memref<64x228xf32, #tpu.memory_space<vmem>>[vector<16xi32>, vector<16xi32>], vector<16xf32>,
        %broadcast_in_dim3A_629 = arith.constant 1554 : i32
        %broadcast_in_dim3A_630 = vector.broadcast %broadcast_in_dim3A_629 : i32 to vector<16xi32>
        %gather3A_631 = tpu.vector_load_idx %arg4[%add3A_22, %broadcast_in_dim3A_630] : memref<64x1629xf32, #tpu.memory_space<vmem>>[vector<16xi32>, vector<16xi32>], vector<16xf32>,
        %broadcast_in_dim3A_632 = arith.constant 153 : i32
        %broadcast_in_dim3A_633 = vector.broadcast %broadcast_in_dim3A_632 : i32 to vector<16xi32>
        tpu.vector_store_idx %arg5[%add3A_22, %broadcast_in_dim3A_633], %gather3A_631 : memref<64x228xf32, #tpu.memory_space<vmem>>[vector<16xi32>, vector<16xi32>], vector<16xf32>,
        %broadcast_in_dim3A_634 = arith.constant 1555 : i32
        %broadcast_in_dim3A_635 = vector.broadcast %broadcast_in_dim3A_634 : i32 to vector<16xi32>
        %gather3A_636 = tpu.vector_load_idx %arg4[%add3A_22, %broadcast_in_dim3A_635] : memref<64x1629xf32, #tpu.memory_space<vmem>>[vector<16xi32>, vector<16xi32>], vector<16xf32>,
        %broadcast_in_dim3A_637 = arith.constant 154 : i32
        %broadcast_in_dim3A_638 = vector.broadcast %broadcast_in_dim3A_637 : i32 to vector<16xi32>
        tpu.vector_store_idx %arg5[%add3A_22, %broadcast_in_dim3A_638], %gather3A_636 : memref<64x228xf32, #tpu.memory_space<vmem>>[vector<16xi32>, vector<16xi32>], vector<16xf32>,
        %broadcast_in_dim3A_639 = arith.constant 1557 : i32
        %broadcast_in_dim3A_640 = vector.broadcast %broadcast_in_dim3A_639 : i32 to vector<16xi32>
        %gather3A_641 = tpu.vector_load_idx %arg4[%add3A_22, %broadcast_in_dim3A_640] : memref<64x1629xf32, #tpu.memory_space<vmem>>[vector<16xi32>, vector<16xi32>], vector<16xf32>,
        %broadcast_in_dim3A_642 = arith.constant 156 : i32
        %broadcast_in_dim3A_643 = vector.broadcast %broadcast_in_dim3A_642 : i32 to vector<16xi32>
        tpu.vector_store_idx %arg5[%add3A_22, %broadcast_in_dim3A_643], %gather3A_641 : memref<64x228xf32, #tpu.memory_space<vmem>>[vector<16xi32>, vector<16xi32>], vector<16xf32>,
        %broadcast_in_dim3A_644 = arith.constant 1558 : i32
        %broadcast_in_dim3A_645 = vector.broadcast %broadcast_in_dim3A_644 : i32 to vector<16xi32>
        %gather3A_646 = tpu.vector_load_idx %arg4[%add3A_22, %broadcast_in_dim3A_645] : memref<64x1629xf32, #tpu.memory_space<vmem>>[vector<16xi32>, vector<16xi32>], vector<16xf32>,
        %broadcast_in_dim3A_647 = arith.constant 157 : i32
        %broadcast_in_dim3A_648 = vector.broadcast %broadcast_in_dim3A_647 : i32 to vector<16xi32>
        tpu.vector_store_idx %arg5[%add3A_22, %broadcast_in_dim3A_648], %gather3A_646 : memref<64x228xf32, #tpu.memory_space<vmem>>[vector<16xi32>, vector<16xi32>], vector<16xf32>,
        %broadcast_in_dim3A_649 = arith.constant 1560 : i32
        %broadcast_in_dim3A_650 = vector.broadcast %broadcast_in_dim3A_649 : i32 to vector<16xi32>
        %gather3A_651 = tpu.vector_load_idx %arg4[%add3A_22, %broadcast_in_dim3A_650] : memref<64x1629xf32, #tpu.memory_space<vmem>>[vector<16xi32>, vector<16xi32>], vector<16xf32>,
        %broadcast_in_dim3A_652 = arith.constant 159 : i32
        %broadcast_in_dim3A_653 = vector.broadcast %broadcast_in_dim3A_652 : i32 to vector<16xi32>
        tpu.vector_store_idx %arg5[%add3A_22, %broadcast_in_dim3A_653], %gather3A_651 : memref<64x228xf32, #tpu.memory_space<vmem>>[vector<16xi32>, vector<16xi32>], vector<16xf32>,
        %broadcast_in_dim3A_654 = arith.constant 1561 : i32
        %broadcast_in_dim3A_655 = vector.broadcast %broadcast_in_dim3A_654 : i32 to vector<16xi32>
        %gather3A_656 = tpu.vector_load_idx %arg4[%add3A_22, %broadcast_in_dim3A_655] : memref<64x1629xf32, #tpu.memory_space<vmem>>[vector<16xi32>, vector<16xi32>], vector<16xf32>,
        %broadcast_in_dim3A_657 = arith.constant 160 : i32
        %broadcast_in_dim3A_658 = vector.broadcast %broadcast_in_dim3A_657 : i32 to vector<16xi32>
        tpu.vector_store_idx %arg5[%add3A_22, %broadcast_in_dim3A_658], %gather3A_656 : memref<64x228xf32, #tpu.memory_space<vmem>>[vector<16xi32>, vector<16xi32>], vector<16xf32>,
        %broadcast_in_dim3A_659 = arith.constant 1563 : i32
        %broadcast_in_dim3A_660 = vector.broadcast %broadcast_in_dim3A_659 : i32 to vector<16xi32>
        %gather3A_661 = tpu.vector_load_idx %arg4[%add3A_22, %broadcast_in_dim3A_660] : memref<64x1629xf32, #tpu.memory_space<vmem>>[vector<16xi32>, vector<16xi32>], vector<16xf32>,
        %broadcast_in_dim3A_662 = arith.constant 162 : i32
        %broadcast_in_dim3A_663 = vector.broadcast %broadcast_in_dim3A_662 : i32 to vector<16xi32>
        tpu.vector_store_idx %arg5[%add3A_22, %broadcast_in_dim3A_663], %gather3A_661 : memref<64x228xf32, #tpu.memory_space<vmem>>[vector<16xi32>, vector<16xi32>], vector<16xf32>,
        %broadcast_in_dim3A_664 = arith.constant 1564 : i32
        %broadcast_in_dim3A_665 = vector.broadcast %broadcast_in_dim3A_664 : i32 to vector<16xi32>
        %gather3A_666 = tpu.vector_load_idx %arg4[%add3A_22, %broadcast_in_dim3A_665] : memref<64x1629xf32, #tpu.memory_space<vmem>>[vector<16xi32>, vector<16xi32>], vector<16xf32>,
        %broadcast_in_dim3A_667 = arith.constant 163 : i32
        %broadcast_in_dim3A_668 = vector.broadcast %broadcast_in_dim3A_667 : i32 to vector<16xi32>
        tpu.vector_store_idx %arg5[%add3A_22, %broadcast_in_dim3A_668], %gather3A_666 : memref<64x228xf32, #tpu.memory_space<vmem>>[vector<16xi32>, vector<16xi32>], vector<16xf32>,
        %broadcast_in_dim3A_669 = arith.constant 1566 : i32
        %broadcast_in_dim3A_670 = vector.broadcast %broadcast_in_dim3A_669 : i32 to vector<16xi32>
        %gather3A_671 = tpu.vector_load_idx %arg4[%add3A_22, %broadcast_in_dim3A_670] : memref<64x1629xf32, #tpu.memory_space<vmem>>[vector<16xi32>, vector<16xi32>], vector<16xf32>,
        %ne3A_672 = arith.cmpf one, %gather3A_671, %gather3A_671 : vector<16xf32>
        %select_n3A_673 = arith.select %ne3A_672, %gather3A_29, %gather3A_671 : vector<16xi1>, vector<16xf32>
        %broadcast_in_dim3A_674 = arith.constant 165 : i32
        %broadcast_in_dim3A_675 = vector.broadcast %broadcast_in_dim3A_674 : i32 to vector<16xi32>
        tpu.vector_store_idx %arg5[%add3A_22, %broadcast_in_dim3A_675], %select_n3A_673 : memref<64x228xf32, #tpu.memory_space<vmem>>[vector<16xi32>, vector<16xi32>], vector<16xf32>,
        %broadcast_in_dim3A_676 = arith.constant 1567 : i32
        %broadcast_in_dim3A_677 = vector.broadcast %broadcast_in_dim3A_676 : i32 to vector<16xi32>
        %gather3A_678 = tpu.vector_load_idx %arg4[%add3A_22, %broadcast_in_dim3A_677] : memref<64x1629xf32, #tpu.memory_space<vmem>>[vector<16xi32>, vector<16xi32>], vector<16xf32>,
        %ne3A_679 = arith.cmpf one, %gather3A_678, %gather3A_678 : vector<16xf32>
        %select_n3A_680 = arith.select %ne3A_679, %gather3A_32, %gather3A_678 : vector<16xi1>, vector<16xf32>
        %broadcast_in_dim3A_681 = arith.constant 166 : i32
        %broadcast_in_dim3A_682 = vector.broadcast %broadcast_in_dim3A_681 : i32 to vector<16xi32>
        tpu.vector_store_idx %arg5[%add3A_22, %broadcast_in_dim3A_682], %select_n3A_680 : memref<64x228xf32, #tpu.memory_space<vmem>>[vector<16xi32>, vector<16xi32>], vector<16xf32>,
        %broadcast_in_dim3A_683 = arith.constant 1569 : i32
        %broadcast_in_dim3A_684 = vector.broadcast %broadcast_in_dim3A_683 : i32 to vector<16xi32>
        %gather3A_685 = tpu.vector_load_idx %arg4[%add3A_22, %broadcast_in_dim3A_684] : memref<64x1629xf32, #tpu.memory_space<vmem>>[vector<16xi32>, vector<16xi32>], vector<16xf32>,
        %ne3A_686 = arith.cmpf one, %gather3A_685, %gather3A_685 : vector<16xf32>
        %select_n3A_687 = arith.select %ne3A_686, %gather3A_29, %gather3A_685 : vector<16xi1>, vector<16xf32>
        %broadcast_in_dim3A_688 = arith.constant 168 : i32
        %broadcast_in_dim3A_689 = vector.broadcast %broadcast_in_dim3A_688 : i32 to vector<16xi32>
        tpu.vector_store_idx %arg5[%add3A_22, %broadcast_in_dim3A_689], %select_n3A_687 : memref<64x228xf32, #tpu.memory_space<vmem>>[vector<16xi32>, vector<16xi32>], vector<16xf32>,
        %broadcast_in_dim3A_690 = arith.constant 1570 : i32
        %broadcast_in_dim3A_691 = vector.broadcast %broadcast_in_dim3A_690 : i32 to vector<16xi32>
        %gather3A_692 = tpu.vector_load_idx %arg4[%add3A_22, %broadcast_in_dim3A_691] : memref<64x1629xf32, #tpu.memory_space<vmem>>[vector<16xi32>, vector<16xi32>], vector<16xf32>,
        %ne3A_693 = arith.cmpf one, %gather3A_692, %gather3A_692 : vector<16xf32>
        %select_n3A_694 = arith.select %ne3A_693, %gather3A_32, %gather3A_692 : vector<16xi1>, vector<16xf32>
        %broadcast_in_dim3A_695 = arith.constant 169 : i32
        %broadcast_in_dim3A_696 = vector.broadcast %broadcast_in_dim3A_695 : i32 to vector<16xi32>
        tpu.vector_store_idx %arg5[%add3A_22, %broadcast_in_dim3A_696], %select_n3A_694 : memref<64x228xf32, #tpu.memory_space<vmem>>[vector<16xi32>, vector<16xi32>], vector<16xf32>,
        %broadcast_in_dim3A_697 = arith.constant 1572 : i32
        %broadcast_in_dim3A_698 = vector.broadcast %broadcast_in_dim3A_697 : i32 to vector<16xi32>
        %gather3A_699 = tpu.vector_load_idx %arg4[%add3A_22, %broadcast_in_dim3A_698] : memref<64x1629xf32, #tpu.memory_space<vmem>>[vector<16xi32>, vector<16xi32>], vector<16xf32>,
        %ne3A_700 = arith.cmpf one, %gather3A_699, %gather3A_699 : vector<16xf32>
        %select_n3A_701 = arith.select %ne3A_700, %gather3A_29, %gather3A_699 : vector<16xi1>, vector<16xf32>
        %broadcast_in_dim3A_702 = arith.constant 171 : i32
        %broadcast_in_dim3A_703 = vector.broadcast %broadcast_in_dim3A_702 : i32 to vector<16xi32>
        tpu.vector_store_idx %arg5[%add3A_22, %broadcast_in_dim3A_703], %select_n3A_701 : memref<64x228xf32, #tpu.memory_space<vmem>>[vector<16xi32>, vector<16xi32>], vector<16xf32>,
        %broadcast_in_dim3A_704 = arith.constant 1573 : i32
        %broadcast_in_dim3A_705 = vector.broadcast %broadcast_in_dim3A_704 : i32 to vector<16xi32>
        %gather3A_706 = tpu.vector_load_idx %arg4[%add3A_22, %broadcast_in_dim3A_705] : memref<64x1629xf32, #tpu.memory_space<vmem>>[vector<16xi32>, vector<16xi32>], vector<16xf32>,
        %ne3A_707 = arith.cmpf one, %gather3A_706, %gather3A_706 : vector<16xf32>
        %select_n3A_708 = arith.select %ne3A_707, %gather3A_32, %gather3A_706 : vector<16xi1>, vector<16xf32>
        %broadcast_in_dim3A_709 = arith.constant 172 : i32
        %broadcast_in_dim3A_710 = vector.broadcast %broadcast_in_dim3A_709 : i32 to vector<16xi32>
        tpu.vector_store_idx %arg5[%add3A_22, %broadcast_in_dim3A_710], %select_n3A_708 : memref<64x228xf32, #tpu.memory_space<vmem>>[vector<16xi32>, vector<16xi32>], vector<16xf32>,
        %broadcast_in_dim3A_711 = arith.constant 1575 : i32
        %broadcast_in_dim3A_712 = vector.broadcast %broadcast_in_dim3A_711 : i32 to vector<16xi32>
        %gather3A_713 = tpu.vector_load_idx %arg4[%add3A_22, %broadcast_in_dim3A_712] : memref<64x1629xf32, #tpu.memory_space<vmem>>[vector<16xi32>, vector<16xi32>], vector<16xf32>,
        %ne3A_714 = arith.cmpf one, %gather3A_713, %gather3A_713 : vector<16xf32>
        %select_n3A_715 = arith.select %ne3A_714, %gather3A_29, %gather3A_713 : vector<16xi1>, vector<16xf32>
        %broadcast_in_dim3A_716 = arith.constant 174 : i32
        %broadcast_in_dim3A_717 = vector.broadcast %broadcast_in_dim3A_716 : i32 to vector<16xi32>
        tpu.vector_store_idx %arg5[%add3A_22, %broadcast_in_dim3A_717], %select_n3A_715 : memref<64x228xf32, #tpu.memory_space<vmem>>[vector<16xi32>, vector<16xi32>], vector<16xf32>,
        %broadcast_in_dim3A_718 = arith.constant 1576 : i32
        %broadcast_in_dim3A_719 = vector.broadcast %broadcast_in_dim3A_718 : i32 to vector<16xi32>
        %gather3A_720 = tpu.vector_load_idx %arg4[%add3A_22, %broadcast_in_dim3A_719] : memref<64x1629xf32, #tpu.memory_space<vmem>>[vector<16xi32>, vector<16xi32>], vector<16xf32>,
        %ne3A_721 = arith.cmpf one, %gather3A_720, %gather3A_720 : vector<16xf32>
        %select_n3A_722 = arith.select %ne3A_721, %gather3A_32, %gather3A_720 : vector<16xi1>, vector<16xf32>
        %broadcast_in_dim3A_723 = arith.constant 175 : i32
        %broadcast_in_dim3A_724 = vector.broadcast %broadcast_in_dim3A_723 : i32 to vector<16xi32>
        tpu.vector_store_idx %arg5[%add3A_22, %broadcast_in_dim3A_724], %select_n3A_722 : memref<64x228xf32, #tpu.memory_space<vmem>>[vector<16xi32>, vector<16xi32>], vector<16xf32>,
        %broadcast_in_dim3A_725 = arith.constant 1578 : i32
        %broadcast_in_dim3A_726 = vector.broadcast %broadcast_in_dim3A_725 : i32 to vector<16xi32>
        %gather3A_727 = tpu.vector_load_idx %arg4[%add3A_22, %broadcast_in_dim3A_726] : memref<64x1629xf32, #tpu.memory_space<vmem>>[vector<16xi32>, vector<16xi32>], vector<16xf32>,
        %ne3A_728 = arith.cmpf one, %gather3A_727, %gather3A_727 : vector<16xf32>
        %select_n3A_729 = arith.select %ne3A_728, %gather3A_29, %gather3A_727 : vector<16xi1>, vector<16xf32>
        %broadcast_in_dim3A_730 = arith.constant 177 : i32
        %broadcast_in_dim3A_731 = vector.broadcast %broadcast_in_dim3A_730 : i32 to vector<16xi32>
        tpu.vector_store_idx %arg5[%add3A_22, %broadcast_in_dim3A_731], %select_n3A_729 : memref<64x228xf32, #tpu.memory_space<vmem>>[vector<16xi32>, vector<16xi32>], vector<16xf32>,
        %broadcast_in_dim3A_732 = arith.constant 1579 : i32
        %broadcast_in_dim3A_733 = vector.broadcast %broadcast_in_dim3A_732 : i32 to vector<16xi32>
        %gather3A_734 = tpu.vector_load_idx %arg4[%add3A_22, %broadcast_in_dim3A_733] : memref<64x1629xf32, #tpu.memory_space<vmem>>[vector<16xi32>, vector<16xi32>], vector<16xf32>,
        %ne3A_735 = arith.cmpf one, %gather3A_734, %gather3A_734 : vector<16xf32>
        %select_n3A_736 = arith.select %ne3A_735, %gather3A_32, %gather3A_734 : vector<16xi1>, vector<16xf32>
        %broadcast_in_dim3A_737 = arith.constant 178 : i32
        %broadcast_in_dim3A_738 = vector.broadcast %broadcast_in_dim3A_737 : i32 to vector<16xi32>
        tpu.vector_store_idx %arg5[%add3A_22, %broadcast_in_dim3A_738], %select_n3A_736 : memref<64x228xf32, #tpu.memory_space<vmem>>[vector<16xi32>, vector<16xi32>], vector<16xf32>,
        %broadcast_in_dim3A_739 = arith.constant 1581 : i32
        %broadcast_in_dim3A_740 = vector.broadcast %broadcast_in_dim3A_739 : i32 to vector<16xi32>
        %gather3A_741 = tpu.vector_load_idx %arg4[%add3A_22, %broadcast_in_dim3A_740] : memref<64x1629xf32, #tpu.memory_space<vmem>>[vector<16xi32>, vector<16xi32>], vector<16xf32>,
        %ne3A_742 = arith.cmpf one, %gather3A_741, %gather3A_741 : vector<16xf32>
        %select_n3A_743 = arith.select %ne3A_742, %gather3A_29, %gather3A_741 : vector<16xi1>, vector<16xf32>
        %broadcast_in_dim3A_744 = arith.constant 180 : i32
        %broadcast_in_dim3A_745 = vector.broadcast %broadcast_in_dim3A_744 : i32 to vector<16xi32>
        tpu.vector_store_idx %arg5[%add3A_22, %broadcast_in_dim3A_745], %select_n3A_743 : memref<64x228xf32, #tpu.memory_space<vmem>>[vector<16xi32>, vector<16xi32>], vector<16xf32>,
        %broadcast_in_dim3A_746 = arith.constant 1582 : i32
        %broadcast_in_dim3A_747 = vector.broadcast %broadcast_in_dim3A_746 : i32 to vector<16xi32>
        %gather3A_748 = tpu.vector_load_idx %arg4[%add3A_22, %broadcast_in_dim3A_747] : memref<64x1629xf32, #tpu.memory_space<vmem>>[vector<16xi32>, vector<16xi32>], vector<16xf32>,
        %ne3A_749 = arith.cmpf one, %gather3A_748, %gather3A_748 : vector<16xf32>
        %select_n3A_750 = arith.select %ne3A_749, %gather3A_32, %gather3A_748 : vector<16xi1>, vector<16xf32>
        %broadcast_in_dim3A_751 = arith.constant 181 : i32
        %broadcast_in_dim3A_752 = vector.broadcast %broadcast_in_dim3A_751 : i32 to vector<16xi32>
        tpu.vector_store_idx %arg5[%add3A_22, %broadcast_in_dim3A_752], %select_n3A_750 : memref<64x228xf32, #tpu.memory_space<vmem>>[vector<16xi32>, vector<16xi32>], vector<16xf32>,
        %broadcast_in_dim3A_753 = arith.constant 1584 : i32
        %broadcast_in_dim3A_754 = vector.broadcast %broadcast_in_dim3A_753 : i32 to vector<16xi32>
        %gather3A_755 = tpu.vector_load_idx %arg4[%add3A_22, %broadcast_in_dim3A_754] : memref<64x1629xf32, #tpu.memory_space<vmem>>[vector<16xi32>, vector<16xi32>], vector<16xf32>,
        %ne3A_756 = arith.cmpf one, %gather3A_755, %gather3A_755 : vector<16xf32>
        %select_n3A_757 = arith.select %ne3A_756, %gather3A_29, %gather3A_755 : vector<16xi1>, vector<16xf32>
        %broadcast_in_dim3A_758 = arith.constant 183 : i32
        %broadcast_in_dim3A_759 = vector.broadcast %broadcast_in_dim3A_758 : i32 to vector<16xi32>
        tpu.vector_store_idx %arg5[%add3A_22, %broadcast_in_dim3A_759], %select_n3A_757 : memref<64x228xf32, #tpu.memory_space<vmem>>[vector<16xi32>, vector<16xi32>], vector<16xf32>,
        %broadcast_in_dim3A_760 = arith.constant 1585 : i32
        %broadcast_in_dim3A_761 = vector.broadcast %broadcast_in_dim3A_760 : i32 to vector<16xi32>
        %gather3A_762 = tpu.vector_load_idx %arg4[%add3A_22, %broadcast_in_dim3A_761] : memref<64x1629xf32, #tpu.memory_space<vmem>>[vector<16xi32>, vector<16xi32>], vector<16xf32>,
        %ne3A_763 = arith.cmpf one, %gather3A_762, %gather3A_762 : vector<16xf32>
        %select_n3A_764 = arith.select %ne3A_763, %gather3A_32, %gather3A_762 : vector<16xi1>, vector<16xf32>
        %broadcast_in_dim3A_765 = arith.constant 184 : i32
        %broadcast_in_dim3A_766 = vector.broadcast %broadcast_in_dim3A_765 : i32 to vector<16xi32>
        tpu.vector_store_idx %arg5[%add3A_22, %broadcast_in_dim3A_766], %select_n3A_764 : memref<64x228xf32, #tpu.memory_space<vmem>>[vector<16xi32>, vector<16xi32>], vector<16xf32>,
        %broadcast_in_dim3A_767 = arith.constant 1587 : i32
        %broadcast_in_dim3A_768 = vector.broadcast %broadcast_in_dim3A_767 : i32 to vector<16xi32>
        %gather3A_769 = tpu.vector_load_idx %arg4[%add3A_22, %broadcast_in_dim3A_768] : memref<64x1629xf32, #tpu.memory_space<vmem>>[vector<16xi32>, vector<16xi32>], vector<16xf32>,
        %ne3A_770 = arith.cmpf one, %gather3A_769, %gather3A_769 : vector<16xf32>
        %select_n3A_771 = arith.select %ne3A_770, %gather3A_29, %gather3A_769 : vector<16xi1>, vector<16xf32>
        %broadcast_in_dim3A_772 = arith.constant 186 : i32
        %broadcast_in_dim3A_773 = vector.broadcast %broadcast_in_dim3A_772 : i32 to vector<16xi32>
        tpu.vector_store_idx %arg5[%add3A_22, %broadcast_in_dim3A_773], %select_n3A_771 : memref<64x228xf32, #tpu.memory_space<vmem>>[vector<16xi32>, vector<16xi32>], vector<16xf32>,
        %broadcast_in_dim3A_774 = arith.constant 1588 : i32
        %broadcast_in_dim3A_775 = vector.broadcast %broadcast_in_dim3A_774 : i32 to vector<16xi32>
        %gather3A_776 = tpu.vector_load_idx %arg4[%add3A_22, %broadcast_in_dim3A_775] : memref<64x1629xf32, #tpu.memory_space<vmem>>[vector<16xi32>, vector<16xi32>], vector<16xf32>,
        %ne3A_777 = arith.cmpf one, %gather3A_776, %gather3A_776 : vector<16xf32>
        %select_n3A_778 = arith.select %ne3A_777, %gather3A_32, %gather3A_776 : vector<16xi1>, vector<16xf32>
        %broadcast_in_dim3A_779 = arith.constant 187 : i32
        %broadcast_in_dim3A_780 = vector.broadcast %broadcast_in_dim3A_779 : i32 to vector<16xi32>
        tpu.vector_store_idx %arg5[%add3A_22, %broadcast_in_dim3A_780], %select_n3A_778 : memref<64x228xf32, #tpu.memory_space<vmem>>[vector<16xi32>, vector<16xi32>], vector<16xf32>,
        %broadcast_in_dim3A_781 = arith.constant 1590 : i32
        %broadcast_in_dim3A_782 = vector.broadcast %broadcast_in_dim3A_781 : i32 to vector<16xi32>
        %gather3A_783 = tpu.vector_load_idx %arg4[%add3A_22, %broadcast_in_dim3A_782] : memref<64x1629xf32, #tpu.memory_space<vmem>>[vector<16xi32>, vector<16xi32>], vector<16xf32>,
        %ne3A_784 = arith.cmpf one, %gather3A_783, %gather3A_783 : vector<16xf32>
        %select_n3A_785 = arith.select %ne3A_784, %gather3A_29, %gather3A_783 : vector<16xi1>, vector<16xf32>
        %broadcast_in_dim3A_786 = arith.constant 189 : i32
        %broadcast_in_dim3A_787 = vector.broadcast %broadcast_in_dim3A_786 : i32 to vector<16xi32>
        tpu.vector_store_idx %arg5[%add3A_22, %broadcast_in_dim3A_787], %select_n3A_785 : memref<64x228xf32, #tpu.memory_space<vmem>>[vector<16xi32>, vector<16xi32>], vector<16xf32>,
        %broadcast_in_dim3A_788 = arith.constant 1591 : i32
        %broadcast_in_dim3A_789 = vector.broadcast %broadcast_in_dim3A_788 : i32 to vector<16xi32>
        %gather3A_790 = tpu.vector_load_idx %arg4[%add3A_22, %broadcast_in_dim3A_789] : memref<64x1629xf32, #tpu.memory_space<vmem>>[vector<16xi32>, vector<16xi32>], vector<16xf32>,
        %ne3A_791 = arith.cmpf one, %gather3A_790, %gather3A_790 : vector<16xf32>
        %select_n3A_792 = arith.select %ne3A_791, %gather3A_32, %gather3A_790 : vector<16xi1>, vector<16xf32>
        %broadcast_in_dim3A_793 = arith.constant 190 : i32
        %broadcast_in_dim3A_794 = vector.broadcast %broadcast_in_dim3A_793 : i32 to vector<16xi32>
        tpu.vector_store_idx %arg5[%add3A_22, %broadcast_in_dim3A_794], %select_n3A_792 : memref<64x228xf32, #tpu.memory_space<vmem>>[vector<16xi32>, vector<16xi32>], vector<16xf32>,
        %broadcast_in_dim3A_795 = arith.constant 1593 : i32
        %broadcast_in_dim3A_796 = vector.broadcast %broadcast_in_dim3A_795 : i32 to vector<16xi32>
        %gather3A_797 = tpu.vector_load_idx %arg4[%add3A_22, %broadcast_in_dim3A_796] : memref<64x1629xf32, #tpu.memory_space<vmem>>[vector<16xi32>, vector<16xi32>], vector<16xf32>,
        %ne3A_798 = arith.cmpf one, %gather3A_797, %gather3A_797 : vector<16xf32>
        %select_n3A_799 = arith.select %ne3A_798, %gather3A_29, %gather3A_797 : vector<16xi1>, vector<16xf32>
        %broadcast_in_dim3A_800 = arith.constant 192 : i32
        %broadcast_in_dim3A_801 = vector.broadcast %broadcast_in_dim3A_800 : i32 to vector<16xi32>
        tpu.vector_store_idx %arg5[%add3A_22, %broadcast_in_dim3A_801], %select_n3A_799 : memref<64x228xf32, #tpu.memory_space<vmem>>[vector<16xi32>, vector<16xi32>], vector<16xf32>,
        %broadcast_in_dim3A_802 = arith.constant 1594 : i32
        %broadcast_in_dim3A_803 = vector.broadcast %broadcast_in_dim3A_802 : i32 to vector<16xi32>
        %gather3A_804 = tpu.vector_load_idx %arg4[%add3A_22, %broadcast_in_dim3A_803] : memref<64x1629xf32, #tpu.memory_space<vmem>>[vector<16xi32>, vector<16xi32>], vector<16xf32>,
        %ne3A_805 = arith.cmpf one, %gather3A_804, %gather3A_804 : vector<16xf32>
        %select_n3A_806 = arith.select %ne3A_805, %gather3A_32, %gather3A_804 : vector<16xi1>, vector<16xf32>
        %broadcast_in_dim3A_807 = arith.constant 193 : i32
        %broadcast_in_dim3A_808 = vector.broadcast %broadcast_in_dim3A_807 : i32 to vector<16xi32>
        tpu.vector_store_idx %arg5[%add3A_22, %broadcast_in_dim3A_808], %select_n3A_806 : memref<64x228xf32, #tpu.memory_space<vmem>>[vector<16xi32>, vector<16xi32>], vector<16xf32>,
        %broadcast_in_dim3A_809 = arith.constant 1596 : i32
        %broadcast_in_dim3A_810 = vector.broadcast %broadcast_in_dim3A_809 : i32 to vector<16xi32>
        %gather3A_811 = tpu.vector_load_idx %arg4[%add3A_22, %broadcast_in_dim3A_810] : memref<64x1629xf32, #tpu.memory_space<vmem>>[vector<16xi32>, vector<16xi32>], vector<16xf32>,
        %ne3A_812 = arith.cmpf one, %gather3A_811, %gather3A_811 : vector<16xf32>
        %select_n3A_813 = arith.select %ne3A_812, %gather3A_29, %gather3A_811 : vector<16xi1>, vector<16xf32>
        %broadcast_in_dim3A_814 = arith.constant 195 : i32
        %broadcast_in_dim3A_815 = vector.broadcast %broadcast_in_dim3A_814 : i32 to vector<16xi32>
        tpu.vector_store_idx %arg5[%add3A_22, %broadcast_in_dim3A_815], %select_n3A_813 : memref<64x228xf32, #tpu.memory_space<vmem>>[vector<16xi32>, vector<16xi32>], vector<16xf32>,
        %broadcast_in_dim3A_816 = arith.constant 1597 : i32
        %broadcast_in_dim3A_817 = vector.broadcast %broadcast_in_dim3A_816 : i32 to vector<16xi32>
        %gather3A_818 = tpu.vector_load_idx %arg4[%add3A_22, %broadcast_in_dim3A_817] : memref<64x1629xf32, #tpu.memory_space<vmem>>[vector<16xi32>, vector<16xi32>], vector<16xf32>,
        %ne3A_819 = arith.cmpf one, %gather3A_818, %gather3A_818 : vector<16xf32>
        %select_n3A_820 = arith.select %ne3A_819, %gather3A_32, %gather3A_818 : vector<16xi1>, vector<16xf32>
        %broadcast_in_dim3A_821 = arith.constant 196 : i32
        %broadcast_in_dim3A_822 = vector.broadcast %broadcast_in_dim3A_821 : i32 to vector<16xi32>
        tpu.vector_store_idx %arg5[%add3A_22, %broadcast_in_dim3A_822], %select_n3A_820 : memref<64x228xf32, #tpu.memory_space<vmem>>[vector<16xi32>, vector<16xi32>], vector<16xf32>,
        %broadcast_in_dim3A_823 = arith.constant 1599 : i32
        %broadcast_in_dim3A_824 = vector.broadcast %broadcast_in_dim3A_823 : i32 to vector<16xi32>
        %gather3A_825 = tpu.vector_load_idx %arg4[%add3A_22, %broadcast_in_dim3A_824] : memref<64x1629xf32, #tpu.memory_space<vmem>>[vector<16xi32>, vector<16xi32>], vector<16xf32>,
        %ne3A_826 = arith.cmpf one, %gather3A_825, %gather3A_825 : vector<16xf32>
        %select_n3A_827 = arith.select %ne3A_826, %gather3A_29, %gather3A_825 : vector<16xi1>, vector<16xf32>
        %broadcast_in_dim3A_828 = arith.constant 198 : i32
        %broadcast_in_dim3A_829 = vector.broadcast %broadcast_in_dim3A_828 : i32 to vector<16xi32>
        tpu.vector_store_idx %arg5[%add3A_22, %broadcast_in_dim3A_829], %select_n3A_827 : memref<64x228xf32, #tpu.memory_space<vmem>>[vector<16xi32>, vector<16xi32>], vector<16xf32>,
        %broadcast_in_dim3A_830 = arith.constant 1600 : i32
        %broadcast_in_dim3A_831 = vector.broadcast %broadcast_in_dim3A_830 : i32 to vector<16xi32>
        %gather3A_832 = tpu.vector_load_idx %arg4[%add3A_22, %broadcast_in_dim3A_831] : memref<64x1629xf32, #tpu.memory_space<vmem>>[vector<16xi32>, vector<16xi32>], vector<16xf32>,
        %ne3A_833 = arith.cmpf one, %gather3A_832, %gather3A_832 : vector<16xf32>
        %select_n3A_834 = arith.select %ne3A_833, %gather3A_32, %gather3A_832 : vector<16xi1>, vector<16xf32>
        %broadcast_in_dim3A_835 = arith.constant 199 : i32
        %broadcast_in_dim3A_836 = vector.broadcast %broadcast_in_dim3A_835 : i32 to vector<16xi32>
        tpu.vector_store_idx %arg5[%add3A_22, %broadcast_in_dim3A_836], %select_n3A_834 : memref<64x228xf32, #tpu.memory_space<vmem>>[vector<16xi32>, vector<16xi32>], vector<16xf32>,
        %broadcast_in_dim3A_837 = arith.constant 1602 : i32
        %broadcast_in_dim3A_838 = vector.broadcast %broadcast_in_dim3A_837 : i32 to vector<16xi32>
        %gather3A_839 = tpu.vector_load_idx %arg4[%add3A_22, %broadcast_in_dim3A_838] : memref<64x1629xf32, #tpu.memory_space<vmem>>[vector<16xi32>, vector<16xi32>], vector<16xf32>,
        %ne3A_840 = arith.cmpf one, %gather3A_839, %gather3A_839 : vector<16xf32>
        %select_n3A_841 = arith.select %ne3A_840, %gather3A_29, %gather3A_839 : vector<16xi1>, vector<16xf32>
        %broadcast_in_dim3A_842 = arith.constant 201 : i32
        %broadcast_in_dim3A_843 = vector.broadcast %broadcast_in_dim3A_842 : i32 to vector<16xi32>
        tpu.vector_store_idx %arg5[%add3A_22, %broadcast_in_dim3A_843], %select_n3A_841 : memref<64x228xf32, #tpu.memory_space<vmem>>[vector<16xi32>, vector<16xi32>], vector<16xf32>,
        %broadcast_in_dim3A_844 = arith.constant 1603 : i32
        %broadcast_in_dim3A_845 = vector.broadcast %broadcast_in_dim3A_844 : i32 to vector<16xi32>
        %gather3A_846 = tpu.vector_load_idx %arg4[%add3A_22, %broadcast_in_dim3A_845] : memref<64x1629xf32, #tpu.memory_space<vmem>>[vector<16xi32>, vector<16xi32>], vector<16xf32>,
        %ne3A_847 = arith.cmpf one, %gather3A_846, %gather3A_846 : vector<16xf32>
        %select_n3A_848 = arith.select %ne3A_847, %gather3A_32, %gather3A_846 : vector<16xi1>, vector<16xf32>
        %broadcast_in_dim3A_849 = arith.constant 202 : i32
        %broadcast_in_dim3A_850 = vector.broadcast %broadcast_in_dim3A_849 : i32 to vector<16xi32>
        tpu.vector_store_idx %arg5[%add3A_22, %broadcast_in_dim3A_850], %select_n3A_848 : memref<64x228xf32, #tpu.memory_space<vmem>>[vector<16xi32>, vector<16xi32>], vector<16xf32>,
        %broadcast_in_dim3A_851 = arith.constant 1605 : i32
        %broadcast_in_dim3A_852 = vector.broadcast %broadcast_in_dim3A_851 : i32 to vector<16xi32>
        %gather3A_853 = tpu.vector_load_idx %arg4[%add3A_22, %broadcast_in_dim3A_852] : memref<64x1629xf32, #tpu.memory_space<vmem>>[vector<16xi32>, vector<16xi32>], vector<16xf32>,
        %ne3A_854 = arith.cmpf one, %gather3A_853, %gather3A_853 : vector<16xf32>
        %select_n3A_855 = arith.select %ne3A_854, %gather3A_29, %gather3A_853 : vector<16xi1>, vector<16xf32>
        %broadcast_in_dim3A_856 = arith.constant 204 : i32
        %broadcast_in_dim3A_857 = vector.broadcast %broadcast_in_dim3A_856 : i32 to vector<16xi32>
        tpu.vector_store_idx %arg5[%add3A_22, %broadcast_in_dim3A_857], %select_n3A_855 : memref<64x228xf32, #tpu.memory_space<vmem>>[vector<16xi32>, vector<16xi32>], vector<16xf32>,
        %broadcast_in_dim3A_858 = arith.constant 1606 : i32
        %broadcast_in_dim3A_859 = vector.broadcast %broadcast_in_dim3A_858 : i32 to vector<16xi32>
        %gather3A_860 = tpu.vector_load_idx %arg4[%add3A_22, %broadcast_in_dim3A_859] : memref<64x1629xf32, #tpu.memory_space<vmem>>[vector<16xi32>, vector<16xi32>], vector<16xf32>,
        %ne3A_861 = arith.cmpf one, %gather3A_860, %gather3A_860 : vector<16xf32>
        %select_n3A_862 = arith.select %ne3A_861, %gather3A_32, %gather3A_860 : vector<16xi1>, vector<16xf32>
        %broadcast_in_dim3A_863 = arith.constant 205 : i32
        %broadcast_in_dim3A_864 = vector.broadcast %broadcast_in_dim3A_863 : i32 to vector<16xi32>
        tpu.vector_store_idx %arg5[%add3A_22, %broadcast_in_dim3A_864], %select_n3A_862 : memref<64x228xf32, #tpu.memory_space<vmem>>[vector<16xi32>, vector<16xi32>], vector<16xf32>,
        %broadcast_in_dim3A_865 = arith.constant 1608 : i32
        %broadcast_in_dim3A_866 = vector.broadcast %broadcast_in_dim3A_865 : i32 to vector<16xi32>
        %gather3A_867 = tpu.vector_load_idx %arg4[%add3A_22, %broadcast_in_dim3A_866] : memref<64x1629xf32, #tpu.memory_space<vmem>>[vector<16xi32>, vector<16xi32>], vector<16xf32>,
        %ne3A_868 = arith.cmpf one, %gather3A_867, %gather3A_867 : vector<16xf32>
        %select_n3A_869 = arith.select %ne3A_868, %gather3A_29, %gather3A_867 : vector<16xi1>, vector<16xf32>
        %broadcast_in_dim3A_870 = arith.constant 207 : i32
        %broadcast_in_dim3A_871 = vector.broadcast %broadcast_in_dim3A_870 : i32 to vector<16xi32>
        tpu.vector_store_idx %arg5[%add3A_22, %broadcast_in_dim3A_871], %select_n3A_869 : memref<64x228xf32, #tpu.memory_space<vmem>>[vector<16xi32>, vector<16xi32>], vector<16xf32>,
        %broadcast_in_dim3A_872 = arith.constant 1609 : i32
        %broadcast_in_dim3A_873 = vector.broadcast %broadcast_in_dim3A_872 : i32 to vector<16xi32>
        %gather3A_874 = tpu.vector_load_idx %arg4[%add3A_22, %broadcast_in_dim3A_873] : memref<64x1629xf32, #tpu.memory_space<vmem>>[vector<16xi32>, vector<16xi32>], vector<16xf32>,
        %ne3A_875 = arith.cmpf one, %gather3A_874, %gather3A_874 : vector<16xf32>
        %select_n3A_876 = arith.select %ne3A_875, %gather3A_32, %gather3A_874 : vector<16xi1>, vector<16xf32>
        %broadcast_in_dim3A_877 = arith.constant 208 : i32
        %broadcast_in_dim3A_878 = vector.broadcast %broadcast_in_dim3A_877 : i32 to vector<16xi32>
        tpu.vector_store_idx %arg5[%add3A_22, %broadcast_in_dim3A_878], %select_n3A_876 : memref<64x228xf32, #tpu.memory_space<vmem>>[vector<16xi32>, vector<16xi32>], vector<16xf32>,
        %broadcast_in_dim3A_879 = arith.constant 1611 : i32
        %broadcast_in_dim3A_880 = vector.broadcast %broadcast_in_dim3A_879 : i32 to vector<16xi32>
        %gather3A_881 = tpu.vector_load_idx %arg4[%add3A_22, %broadcast_in_dim3A_880] : memref<64x1629xf32, #tpu.memory_space<vmem>>[vector<16xi32>, vector<16xi32>], vector<16xf32>,
        %ne3A_882 = arith.cmpf one, %gather3A_881, %gather3A_881 : vector<16xf32>
        %select_n3A_883 = arith.select %ne3A_882, %gather3A_29, %gather3A_881 : vector<16xi1>, vector<16xf32>
        %broadcast_in_dim3A_884 = arith.constant 210 : i32
        %broadcast_in_dim3A_885 = vector.broadcast %broadcast_in_dim3A_884 : i32 to vector<16xi32>
        tpu.vector_store_idx %arg5[%add3A_22, %broadcast_in_dim3A_885], %select_n3A_883 : memref<64x228xf32, #tpu.memory_space<vmem>>[vector<16xi32>, vector<16xi32>], vector<16xf32>,
        %broadcast_in_dim3A_886 = arith.constant 1612 : i32
        %broadcast_in_dim3A_887 = vector.broadcast %broadcast_in_dim3A_886 : i32 to vector<16xi32>
        %gather3A_888 = tpu.vector_load_idx %arg4[%add3A_22, %broadcast_in_dim3A_887] : memref<64x1629xf32, #tpu.memory_space<vmem>>[vector<16xi32>, vector<16xi32>], vector<16xf32>,
        %ne3A_889 = arith.cmpf one, %gather3A_888, %gather3A_888 : vector<16xf32>
        %select_n3A_890 = arith.select %ne3A_889, %gather3A_32, %gather3A_888 : vector<16xi1>, vector<16xf32>
        %broadcast_in_dim3A_891 = arith.constant 211 : i32
        %broadcast_in_dim3A_892 = vector.broadcast %broadcast_in_dim3A_891 : i32 to vector<16xi32>
        tpu.vector_store_idx %arg5[%add3A_22, %broadcast_in_dim3A_892], %select_n3A_890 : memref<64x228xf32, #tpu.memory_space<vmem>>[vector<16xi32>, vector<16xi32>], vector<16xf32>,
        %broadcast_in_dim3A_893 = arith.constant 1614 : i32
        %broadcast_in_dim3A_894 = vector.broadcast %broadcast_in_dim3A_893 : i32 to vector<16xi32>
        %gather3A_895 = tpu.vector_load_idx %arg4[%add3A_22, %broadcast_in_dim3A_894] : memref<64x1629xf32, #tpu.memory_space<vmem>>[vector<16xi32>, vector<16xi32>], vector<16xf32>,
        %ne3A_896 = arith.cmpf one, %gather3A_895, %gather3A_895 : vector<16xf32>
        %select_n3A_897 = arith.select %ne3A_896, %gather3A_29, %gather3A_895 : vector<16xi1>, vector<16xf32>
        %broadcast_in_dim3A_898 = arith.constant 213 : i32
        %broadcast_in_dim3A_899 = vector.broadcast %broadcast_in_dim3A_898 : i32 to vector<16xi32>
        tpu.vector_store_idx %arg5[%add3A_22, %broadcast_in_dim3A_899], %select_n3A_897 : memref<64x228xf32, #tpu.memory_space<vmem>>[vector<16xi32>, vector<16xi32>], vector<16xf32>,
        %broadcast_in_dim3A_900 = arith.constant 1615 : i32
        %broadcast_in_dim3A_901 = vector.broadcast %broadcast_in_dim3A_900 : i32 to vector<16xi32>
        %gather3A_902 = tpu.vector_load_idx %arg4[%add3A_22, %broadcast_in_dim3A_901] : memref<64x1629xf32, #tpu.memory_space<vmem>>[vector<16xi32>, vector<16xi32>], vector<16xf32>,
        %ne3A_903 = arith.cmpf one, %gather3A_902, %gather3A_902 : vector<16xf32>
        %select_n3A_904 = arith.select %ne3A_903, %gather3A_32, %gather3A_902 : vector<16xi1>, vector<16xf32>
        %broadcast_in_dim3A_905 = arith.constant 214 : i32
        %broadcast_in_dim3A_906 = vector.broadcast %broadcast_in_dim3A_905 : i32 to vector<16xi32>
        tpu.vector_store_idx %arg5[%add3A_22, %broadcast_in_dim3A_906], %select_n3A_904 : memref<64x228xf32, #tpu.memory_space<vmem>>[vector<16xi32>, vector<16xi32>], vector<16xf32>,
        %broadcast_in_dim3A_907 = arith.constant 1617 : i32
        %broadcast_in_dim3A_908 = vector.broadcast %broadcast_in_dim3A_907 : i32 to vector<16xi32>
        %gather3A_909 = tpu.vector_load_idx %arg4[%add3A_22, %broadcast_in_dim3A_908] : memref<64x1629xf32, #tpu.memory_space<vmem>>[vector<16xi32>, vector<16xi32>], vector<16xf32>,
        %ne3A_910 = arith.cmpf one, %gather3A_909, %gather3A_909 : vector<16xf32>
        %select_n3A_911 = arith.select %ne3A_910, %gather3A_29, %gather3A_909 : vector<16xi1>, vector<16xf32>
        %broadcast_in_dim3A_912 = arith.constant 216 : i32
        %broadcast_in_dim3A_913 = vector.broadcast %broadcast_in_dim3A_912 : i32 to vector<16xi32>
        tpu.vector_store_idx %arg5[%add3A_22, %broadcast_in_dim3A_913], %select_n3A_911 : memref<64x228xf32, #tpu.memory_space<vmem>>[vector<16xi32>, vector<16xi32>], vector<16xf32>,
        %broadcast_in_dim3A_914 = arith.constant 1618 : i32
        %broadcast_in_dim3A_915 = vector.broadcast %broadcast_in_dim3A_914 : i32 to vector<16xi32>
        %gather3A_916 = tpu.vector_load_idx %arg4[%add3A_22, %broadcast_in_dim3A_915] : memref<64x1629xf32, #tpu.memory_space<vmem>>[vector<16xi32>, vector<16xi32>], vector<16xf32>,
        %ne3A_917 = arith.cmpf one, %gather3A_916, %gather3A_916 : vector<16xf32>
        %select_n3A_918 = arith.select %ne3A_917, %gather3A_32, %gather3A_916 : vector<16xi1>, vector<16xf32>
        %broadcast_in_dim3A_919 = arith.constant 217 : i32
        %broadcast_in_dim3A_920 = vector.broadcast %broadcast_in_dim3A_919 : i32 to vector<16xi32>
        tpu.vector_store_idx %arg5[%add3A_22, %broadcast_in_dim3A_920], %select_n3A_918 : memref<64x228xf32, #tpu.memory_space<vmem>>[vector<16xi32>, vector<16xi32>], vector<16xf32>,
        %broadcast_in_dim3A_921 = arith.constant 1620 : i32
        %broadcast_in_dim3A_922 = vector.broadcast %broadcast_in_dim3A_921 : i32 to vector<16xi32>
        %gather3A_923 = tpu.vector_load_idx %arg4[%add3A_22, %broadcast_in_dim3A_922] : memref<64x1629xf32, #tpu.memory_space<vmem>>[vector<16xi32>, vector<16xi32>], vector<16xf32>,
        %ne3A_924 = arith.cmpf one, %gather3A_923, %gather3A_923 : vector<16xf32>
        %select_n3A_925 = arith.select %ne3A_924, %gather3A_29, %gather3A_923 : vector<16xi1>, vector<16xf32>
        %broadcast_in_dim3A_926 = arith.constant 219 : i32
        %broadcast_in_dim3A_927 = vector.broadcast %broadcast_in_dim3A_926 : i32 to vector<16xi32>
        tpu.vector_store_idx %arg5[%add3A_22, %broadcast_in_dim3A_927], %select_n3A_925 : memref<64x228xf32, #tpu.memory_space<vmem>>[vector<16xi32>, vector<16xi32>], vector<16xf32>,
        %broadcast_in_dim3A_928 = arith.constant 1621 : i32
        %broadcast_in_dim3A_929 = vector.broadcast %broadcast_in_dim3A_928 : i32 to vector<16xi32>
        %gather3A_930 = tpu.vector_load_idx %arg4[%add3A_22, %broadcast_in_dim3A_929] : memref<64x1629xf32, #tpu.memory_space<vmem>>[vector<16xi32>, vector<16xi32>], vector<16xf32>,
        %ne3A_931 = arith.cmpf one, %gather3A_930, %gather3A_930 : vector<16xf32>
        %select_n3A_932 = arith.select %ne3A_931, %gather3A_32, %gather3A_930 : vector<16xi1>, vector<16xf32>
        %broadcast_in_dim3A_933 = arith.constant 220 : i32
        %broadcast_in_dim3A_934 = vector.broadcast %broadcast_in_dim3A_933 : i32 to vector<16xi32>
        tpu.vector_store_idx %arg5[%add3A_22, %broadcast_in_dim3A_934], %select_n3A_932 : memref<64x228xf32, #tpu.memory_space<vmem>>[vector<16xi32>, vector<16xi32>], vector<16xf32>,
        %broadcast_in_dim3A_935 = arith.constant 1623 : i32
        %broadcast_in_dim3A_936 = vector.broadcast %broadcast_in_dim3A_935 : i32 to vector<16xi32>
        %gather3A_937 = tpu.vector_load_idx %arg4[%add3A_22, %broadcast_in_dim3A_936] : memref<64x1629xf32, #tpu.memory_space<vmem>>[vector<16xi32>, vector<16xi32>], vector<16xf32>,
        %ne3A_938 = arith.cmpf one, %gather3A_937, %gather3A_937 : vector<16xf32>
        %select_n3A_939 = arith.select %ne3A_938, %gather3A_29, %gather3A_937 : vector<16xi1>, vector<16xf32>
        %broadcast_in_dim3A_940 = arith.constant 222 : i32
        %broadcast_in_dim3A_941 = vector.broadcast %broadcast_in_dim3A_940 : i32 to vector<16xi32>
        tpu.vector_store_idx %arg5[%add3A_22, %broadcast_in_dim3A_941], %select_n3A_939 : memref<64x228xf32, #tpu.memory_space<vmem>>[vector<16xi32>, vector<16xi32>], vector<16xf32>,
        %broadcast_in_dim3A_942 = arith.constant 1624 : i32
        %broadcast_in_dim3A_943 = vector.broadcast %broadcast_in_dim3A_942 : i32 to vector<16xi32>
        %gather3A_944 = tpu.vector_load_idx %arg4[%add3A_22, %broadcast_in_dim3A_943] : memref<64x1629xf32, #tpu.memory_space<vmem>>[vector<16xi32>, vector<16xi32>], vector<16xf32>,
        %ne3A_945 = arith.cmpf one, %gather3A_944, %gather3A_944 : vector<16xf32>
        %select_n3A_946 = arith.select %ne3A_945, %gather3A_32, %gather3A_944 : vector<16xi1>, vector<16xf32>
        %broadcast_in_dim3A_947 = arith.constant 223 : i32
        %broadcast_in_dim3A_948 = vector.broadcast %broadcast_in_dim3A_947 : i32 to vector<16xi32>
        tpu.vector_store_idx %arg5[%add3A_22, %broadcast_in_dim3A_948], %select_n3A_946 : memref<64x228xf32, #tpu.memory_space<vmem>>[vector<16xi32>, vector<16xi32>], vector<16xf32>,
        %broadcast_in_dim3A_949 = arith.constant 1626 : i32
        %broadcast_in_dim3A_950 = vector.broadcast %broadcast_in_dim3A_949 : i32 to vector<16xi32>
        %gather3A_951 = tpu.vector_load_idx %arg4[%add3A_22, %broadcast_in_dim3A_950] : memref<64x1629xf32, #tpu.memory_space<vmem>>[vector<16xi32>, vector<16xi32>], vector<16xf32>,
        %ne3A_952 = arith.cmpf one, %gather3A_951, %gather3A_951 : vector<16xf32>
        %select_n3A_953 = arith.select %ne3A_952, %gather3A_29, %gather3A_951 : vector<16xi1>, vector<16xf32>
        %broadcast_in_dim3A_954 = arith.constant 225 : i32
        %broadcast_in_dim3A_955 = vector.broadcast %broadcast_in_dim3A_954 : i32 to vector<16xi32>
        tpu.vector_store_idx %arg5[%add3A_22, %broadcast_in_dim3A_955], %select_n3A_953 : memref<64x228xf32, #tpu.memory_space<vmem>>[vector<16xi32>, vector<16xi32>], vector<16xf32>,
        %broadcast_in_dim3A_956 = arith.constant 1627 : i32
        %broadcast_in_dim3A_957 = vector.broadcast %broadcast_in_dim3A_956 : i32 to vector<16xi32>
        %gather3A_958 = tpu.vector_load_idx %arg4[%add3A_22, %broadcast_in_dim3A_957] : memref<64x1629xf32, #tpu.memory_space<vmem>>[vector<16xi32>, vector<16xi32>], vector<16xf32>,
        %ne3A_959 = arith.cmpf one, %gather3A_958, %gather3A_958 : vector<16xf32>
        %select_n3A_960 = arith.select %ne3A_959, %gather3A_32, %gather3A_958 : vector<16xi1>, vector<16xf32>
        %broadcast_in_dim3A_961 = arith.constant 226 : i32
        %broadcast_in_dim3A_962 = vector.broadcast %broadcast_in_dim3A_961 : i32 to vector<16xi32>
        tpu.vector_store_idx %arg5[%add3A_22, %broadcast_in_dim3A_962], %select_n3A_960 : memref<64x228xf32, #tpu.memory_space<vmem>>[vector<16xi32>, vector<16xi32>], vector<16xf32>,
        %broadcast_in_dim3A_963 = arith.constant 2 : i32
        %broadcast_in_dim3A_964 = vector.broadcast %broadcast_in_dim3A_963 : i32 to vector<16xi32>
        tpu.vector_store_idx %arg5[%add3A_22, %broadcast_in_dim3A_964], %broadcast_in_dim3A_34 : memref<64x228xf32, #tpu.memory_space<vmem>>[vector<16xi32>, vector<16xi32>], vector<16xf32>,
        %broadcast_in_dim3A_965 = arith.constant 5 : i32
        %broadcast_in_dim3A_966 = vector.broadcast %broadcast_in_dim3A_965 : i32 to vector<16xi32>
        tpu.vector_store_idx %arg5[%add3A_22, %broadcast_in_dim3A_966], %broadcast_in_dim3A_34 : memref<64x228xf32, #tpu.memory_space<vmem>>[vector<16xi32>, vector<16xi32>], vector<16xf32>,
        %broadcast_in_dim3A_967 = arith.constant 8 : i32
        %broadcast_in_dim3A_968 = vector.broadcast %broadcast_in_dim3A_967 : i32 to vector<16xi32>
        tpu.vector_store_idx %arg5[%add3A_22, %broadcast_in_dim3A_968], %broadcast_in_dim3A_34 : memref<64x228xf32, #tpu.memory_space<vmem>>[vector<16xi32>, vector<16xi32>], vector<16xf32>,
        %broadcast_in_dim3A_969 = arith.constant 11 : i32
        %broadcast_in_dim3A_970 = vector.broadcast %broadcast_in_dim3A_969 : i32 to vector<16xi32>
        tpu.vector_store_idx %arg5[%add3A_22, %broadcast_in_dim3A_970], %broadcast_in_dim3A_34 : memref<64x228xf32, #tpu.memory_space<vmem>>[vector<16xi32>, vector<16xi32>], vector<16xf32>,
        %broadcast_in_dim3A_971 = arith.constant 14 : i32
        %broadcast_in_dim3A_972 = vector.broadcast %broadcast_in_dim3A_971 : i32 to vector<16xi32>
        tpu.vector_store_idx %arg5[%add3A_22, %broadcast_in_dim3A_972], %broadcast_in_dim3A_34 : memref<64x228xf32, #tpu.memory_space<vmem>>[vector<16xi32>, vector<16xi32>], vector<16xf32>,
        %broadcast_in_dim3A_973 = arith.constant 17 : i32
        %broadcast_in_dim3A_974 = vector.broadcast %broadcast_in_dim3A_973 : i32 to vector<16xi32>
        tpu.vector_store_idx %arg5[%add3A_22, %broadcast_in_dim3A_974], %broadcast_in_dim3A_34 : memref<64x228xf32, #tpu.memory_space<vmem>>[vector<16xi32>, vector<16xi32>], vector<16xf32>,
        %broadcast_in_dim3A_975 = arith.constant 20 : i32
        %broadcast_in_dim3A_976 = vector.broadcast %broadcast_in_dim3A_975 : i32 to vector<16xi32>
        tpu.vector_store_idx %arg5[%add3A_22, %broadcast_in_dim3A_976], %broadcast_in_dim3A_34 : memref<64x228xf32, #tpu.memory_space<vmem>>[vector<16xi32>, vector<16xi32>], vector<16xf32>,
        %broadcast_in_dim3A_977 = arith.constant 23 : i32
        %broadcast_in_dim3A_978 = vector.broadcast %broadcast_in_dim3A_977 : i32 to vector<16xi32>
        tpu.vector_store_idx %arg5[%add3A_22, %broadcast_in_dim3A_978], %broadcast_in_dim3A_34 : memref<64x228xf32, #tpu.memory_space<vmem>>[vector<16xi32>, vector<16xi32>], vector<16xf32>,
        %broadcast_in_dim3A_979 = arith.constant 26 : i32
        %broadcast_in_dim3A_980 = vector.broadcast %broadcast_in_dim3A_979 : i32 to vector<16xi32>
        tpu.vector_store_idx %arg5[%add3A_22, %broadcast_in_dim3A_980], %broadcast_in_dim3A_34 : memref<64x228xf32, #tpu.memory_space<vmem>>[vector<16xi32>, vector<16xi32>], vector<16xf32>,
        %broadcast_in_dim3A_981 = arith.constant 29 : i32
        %broadcast_in_dim3A_982 = vector.broadcast %broadcast_in_dim3A_981 : i32 to vector<16xi32>
        tpu.vector_store_idx %arg5[%add3A_22, %broadcast_in_dim3A_982], %broadcast_in_dim3A_34 : memref<64x228xf32, #tpu.memory_space<vmem>>[vector<16xi32>, vector<16xi32>], vector<16xf32>,
        %broadcast_in_dim3A_983 = arith.constant 32 : i32
        %broadcast_in_dim3A_984 = vector.broadcast %broadcast_in_dim3A_983 : i32 to vector<16xi32>
        tpu.vector_store_idx %arg5[%add3A_22, %broadcast_in_dim3A_984], %broadcast_in_dim3A_34 : memref<64x228xf32, #tpu.memory_space<vmem>>[vector<16xi32>, vector<16xi32>], vector<16xf32>,
        %broadcast_in_dim3A_985 = arith.constant 35 : i32
        %broadcast_in_dim3A_986 = vector.broadcast %broadcast_in_dim3A_985 : i32 to vector<16xi32>
        tpu.vector_store_idx %arg5[%add3A_22, %broadcast_in_dim3A_986], %broadcast_in_dim3A_34 : memref<64x228xf32, #tpu.memory_space<vmem>>[vector<16xi32>, vector<16xi32>], vector<16xf32>,
        %broadcast_in_dim3A_987 = arith.constant 38 : i32
        %broadcast_in_dim3A_988 = vector.broadcast %broadcast_in_dim3A_987 : i32 to vector<16xi32>
        tpu.vector_store_idx %arg5[%add3A_22, %broadcast_in_dim3A_988], %broadcast_in_dim3A_34 : memref<64x228xf32, #tpu.memory_space<vmem>>[vector<16xi32>, vector<16xi32>], vector<16xf32>,
        %broadcast_in_dim3A_989 = arith.constant 41 : i32
        %broadcast_in_dim3A_990 = vector.broadcast %broadcast_in_dim3A_989 : i32 to vector<16xi32>
        tpu.vector_store_idx %arg5[%add3A_22, %broadcast_in_dim3A_990], %broadcast_in_dim3A_34 : memref<64x228xf32, #tpu.memory_space<vmem>>[vector<16xi32>, vector<16xi32>], vector<16xf32>,
        %broadcast_in_dim3A_991 = arith.constant 44 : i32
        %broadcast_in_dim3A_992 = vector.broadcast %broadcast_in_dim3A_991 : i32 to vector<16xi32>
        tpu.vector_store_idx %arg5[%add3A_22, %broadcast_in_dim3A_992], %broadcast_in_dim3A_34 : memref<64x228xf32, #tpu.memory_space<vmem>>[vector<16xi32>, vector<16xi32>], vector<16xf32>,
        %broadcast_in_dim3A_993 = arith.constant 47 : i32
        %broadcast_in_dim3A_994 = vector.broadcast %broadcast_in_dim3A_993 : i32 to vector<16xi32>
        tpu.vector_store_idx %arg5[%add3A_22, %broadcast_in_dim3A_994], %broadcast_in_dim3A_34 : memref<64x228xf32, #tpu.memory_space<vmem>>[vector<16xi32>, vector<16xi32>], vector<16xf32>,
        %broadcast_in_dim3A_995 = arith.constant 50 : i32
        %broadcast_in_dim3A_996 = vector.broadcast %broadcast_in_dim3A_995 : i32 to vector<16xi32>
        tpu.vector_store_idx %arg5[%add3A_22, %broadcast_in_dim3A_996], %broadcast_in_dim3A_34 : memref<64x228xf32, #tpu.memory_space<vmem>>[vector<16xi32>, vector<16xi32>], vector<16xf32>,
        %broadcast_in_dim3A_997 = arith.constant 53 : i32
        %broadcast_in_dim3A_998 = vector.broadcast %broadcast_in_dim3A_997 : i32 to vector<16xi32>
        tpu.vector_store_idx %arg5[%add3A_22, %broadcast_in_dim3A_998], %broadcast_in_dim3A_34 : memref<64x228xf32, #tpu.memory_space<vmem>>[vector<16xi32>, vector<16xi32>], vector<16xf32>,
        %broadcast_in_dim3A_999 = arith.constant 56 : i32
        %broadcast_in_dim3A_1000 = vector.broadcast %broadcast_in_dim3A_999 : i32 to vector<16xi32>
        tpu.vector_store_idx %arg5[%add3A_22, %broadcast_in_dim3A_1000], %broadcast_in_dim3A_34 : memref<64x228xf32, #tpu.memory_space<vmem>>[vector<16xi32>, vector<16xi32>], vector<16xf32>,
        %broadcast_in_dim3A_1001 = arith.constant 59 : i32
        %broadcast_in_dim3A_1002 = vector.broadcast %broadcast_in_dim3A_1001 : i32 to vector<16xi32>
        tpu.vector_store_idx %arg5[%add3A_22, %broadcast_in_dim3A_1002], %broadcast_in_dim3A_34 : memref<64x228xf32, #tpu.memory_space<vmem>>[vector<16xi32>, vector<16xi32>], vector<16xf32>,
        %broadcast_in_dim3A_1003 = arith.constant 62 : i32
        %broadcast_in_dim3A_1004 = vector.broadcast %broadcast_in_dim3A_1003 : i32 to vector<16xi32>
        tpu.vector_store_idx %arg5[%add3A_22, %broadcast_in_dim3A_1004], %broadcast_in_dim3A_34 : memref<64x228xf32, #tpu.memory_space<vmem>>[vector<16xi32>, vector<16xi32>], vector<16xf32>,
        %broadcast_in_dim3A_1005 = arith.constant 65 : i32
        %broadcast_in_dim3A_1006 = vector.broadcast %broadcast_in_dim3A_1005 : i32 to vector<16xi32>
        tpu.vector_store_idx %arg5[%add3A_22, %broadcast_in_dim3A_1006], %broadcast_in_dim3A_34 : memref<64x228xf32, #tpu.memory_space<vmem>>[vector<16xi32>, vector<16xi32>], vector<16xf32>,
        %broadcast_in_dim3A_1007 = arith.constant 68 : i32
        %broadcast_in_dim3A_1008 = vector.broadcast %broadcast_in_dim3A_1007 : i32 to vector<16xi32>
        tpu.vector_store_idx %arg5[%add3A_22, %broadcast_in_dim3A_1008], %broadcast_in_dim3A_34 : memref<64x228xf32, #tpu.memory_space<vmem>>[vector<16xi32>, vector<16xi32>], vector<16xf32>,
        %broadcast_in_dim3A_1009 = arith.constant 71 : i32
        %broadcast_in_dim3A_1010 = vector.broadcast %broadcast_in_dim3A_1009 : i32 to vector<16xi32>
        tpu.vector_store_idx %arg5[%add3A_22, %broadcast_in_dim3A_1010], %broadcast_in_dim3A_34 : memref<64x228xf32, #tpu.memory_space<vmem>>[vector<16xi32>, vector<16xi32>], vector<16xf32>,
        %broadcast_in_dim3A_1011 = arith.constant 74 : i32
        %broadcast_in_dim3A_1012 = vector.broadcast %broadcast_in_dim3A_1011 : i32 to vector<16xi32>
        tpu.vector_store_idx %arg5[%add3A_22, %broadcast_in_dim3A_1012], %broadcast_in_dim3A_34 : memref<64x228xf32, #tpu.memory_space<vmem>>[vector<16xi32>, vector<16xi32>], vector<16xf32>,
        %broadcast_in_dim3A_1013 = arith.constant 77 : i32
        %broadcast_in_dim3A_1014 = vector.broadcast %broadcast_in_dim3A_1013 : i32 to vector<16xi32>
        tpu.vector_store_idx %arg5[%add3A_22, %broadcast_in_dim3A_1014], %broadcast_in_dim3A_34 : memref<64x228xf32, #tpu.memory_space<vmem>>[vector<16xi32>, vector<16xi32>], vector<16xf32>,
        %broadcast_in_dim3A_1015 = arith.constant 80 : i32
        %broadcast_in_dim3A_1016 = vector.broadcast %broadcast_in_dim3A_1015 : i32 to vector<16xi32>
        tpu.vector_store_idx %arg5[%add3A_22, %broadcast_in_dim3A_1016], %broadcast_in_dim3A_34 : memref<64x228xf32, #tpu.memory_space<vmem>>[vector<16xi32>, vector<16xi32>], vector<16xf32>,
        %broadcast_in_dim3A_1017 = arith.constant 83 : i32
        %broadcast_in_dim3A_1018 = vector.broadcast %broadcast_in_dim3A_1017 : i32 to vector<16xi32>
        tpu.vector_store_idx %arg5[%add3A_22, %broadcast_in_dim3A_1018], %broadcast_in_dim3A_34 : memref<64x228xf32, #tpu.memory_space<vmem>>[vector<16xi32>, vector<16xi32>], vector<16xf32>,
        %broadcast_in_dim3A_1019 = arith.constant 86 : i32
        %broadcast_in_dim3A_1020 = vector.broadcast %broadcast_in_dim3A_1019 : i32 to vector<16xi32>
        tpu.vector_store_idx %arg5[%add3A_22, %broadcast_in_dim3A_1020], %broadcast_in_dim3A_34 : memref<64x228xf32, #tpu.memory_space<vmem>>[vector<16xi32>, vector<16xi32>], vector<16xf32>,
        %broadcast_in_dim3A_1021 = arith.constant 89 : i32
        %broadcast_in_dim3A_1022 = vector.broadcast %broadcast_in_dim3A_1021 : i32 to vector<16xi32>
        tpu.vector_store_idx %arg5[%add3A_22, %broadcast_in_dim3A_1022], %broadcast_in_dim3A_34 : memref<64x228xf32, #tpu.memory_space<vmem>>[vector<16xi32>, vector<16xi32>], vector<16xf32>,
        %broadcast_in_dim3A_1023 = arith.constant 92 : i32
        %broadcast_in_dim3A_1024 = vector.broadcast %broadcast_in_dim3A_1023 : i32 to vector<16xi32>
        tpu.vector_store_idx %arg5[%add3A_22, %broadcast_in_dim3A_1024], %broadcast_in_dim3A_34 : memref<64x228xf32, #tpu.memory_space<vmem>>[vector<16xi32>, vector<16xi32>], vector<16xf32>,
        %broadcast_in_dim3A_1025 = arith.constant 95 : i32
        %broadcast_in_dim3A_1026 = vector.broadcast %broadcast_in_dim3A_1025 : i32 to vector<16xi32>
        tpu.vector_store_idx %arg5[%add3A_22, %broadcast_in_dim3A_1026], %broadcast_in_dim3A_34 : memref<64x228xf32, #tpu.memory_space<vmem>>[vector<16xi32>, vector<16xi32>], vector<16xf32>,
        %broadcast_in_dim3A_1027 = arith.constant 98 : i32
        %broadcast_in_dim3A_1028 = vector.broadcast %broadcast_in_dim3A_1027 : i32 to vector<16xi32>
        tpu.vector_store_idx %arg5[%add3A_22, %broadcast_in_dim3A_1028], %broadcast_in_dim3A_34 : memref<64x228xf32, #tpu.memory_space<vmem>>[vector<16xi32>, vector<16xi32>], vector<16xf32>,
        %broadcast_in_dim3A_1029 = arith.constant 101 : i32
        %broadcast_in_dim3A_1030 = vector.broadcast %broadcast_in_dim3A_1029 : i32 to vector<16xi32>
        tpu.vector_store_idx %arg5[%add3A_22, %broadcast_in_dim3A_1030], %broadcast_in_dim3A_34 : memref<64x228xf32, #tpu.memory_space<vmem>>[vector<16xi32>, vector<16xi32>], vector<16xf32>,
        %broadcast_in_dim3A_1031 = arith.constant 104 : i32
        %broadcast_in_dim3A_1032 = vector.broadcast %broadcast_in_dim3A_1031 : i32 to vector<16xi32>
        tpu.vector_store_idx %arg5[%add3A_22, %broadcast_in_dim3A_1032], %broadcast_in_dim3A_34 : memref<64x228xf32, #tpu.memory_space<vmem>>[vector<16xi32>, vector<16xi32>], vector<16xf32>,
        %broadcast_in_dim3A_1033 = arith.constant 107 : i32
        %broadcast_in_dim3A_1034 = vector.broadcast %broadcast_in_dim3A_1033 : i32 to vector<16xi32>
        tpu.vector_store_idx %arg5[%add3A_22, %broadcast_in_dim3A_1034], %broadcast_in_dim3A_34 : memref<64x228xf32, #tpu.memory_space<vmem>>[vector<16xi32>, vector<16xi32>], vector<16xf32>,
        %broadcast_in_dim3A_1035 = arith.constant 110 : i32
        %broadcast_in_dim3A_1036 = vector.broadcast %broadcast_in_dim3A_1035 : i32 to vector<16xi32>
        tpu.vector_store_idx %arg5[%add3A_22, %broadcast_in_dim3A_1036], %broadcast_in_dim3A_34 : memref<64x228xf32, #tpu.memory_space<vmem>>[vector<16xi32>, vector<16xi32>], vector<16xf32>,
        %broadcast_in_dim3A_1037 = arith.constant 113 : i32
        %broadcast_in_dim3A_1038 = vector.broadcast %broadcast_in_dim3A_1037 : i32 to vector<16xi32>
        tpu.vector_store_idx %arg5[%add3A_22, %broadcast_in_dim3A_1038], %broadcast_in_dim3A_34 : memref<64x228xf32, #tpu.memory_space<vmem>>[vector<16xi32>, vector<16xi32>], vector<16xf32>,
        %broadcast_in_dim3A_1039 = arith.constant 116 : i32
        %broadcast_in_dim3A_1040 = vector.broadcast %broadcast_in_dim3A_1039 : i32 to vector<16xi32>
        tpu.vector_store_idx %arg5[%add3A_22, %broadcast_in_dim3A_1040], %broadcast_in_dim3A_34 : memref<64x228xf32, #tpu.memory_space<vmem>>[vector<16xi32>, vector<16xi32>], vector<16xf32>,
        %broadcast_in_dim3A_1041 = arith.constant 119 : i32
        %broadcast_in_dim3A_1042 = vector.broadcast %broadcast_in_dim3A_1041 : i32 to vector<16xi32>
        tpu.vector_store_idx %arg5[%add3A_22, %broadcast_in_dim3A_1042], %broadcast_in_dim3A_34 : memref<64x228xf32, #tpu.memory_space<vmem>>[vector<16xi32>, vector<16xi32>], vector<16xf32>,
        %broadcast_in_dim3A_1043 = arith.constant 122 : i32
        %broadcast_in_dim3A_1044 = vector.broadcast %broadcast_in_dim3A_1043 : i32 to vector<16xi32>
        tpu.vector_store_idx %arg5[%add3A_22, %broadcast_in_dim3A_1044], %broadcast_in_dim3A_34 : memref<64x228xf32, #tpu.memory_space<vmem>>[vector<16xi32>, vector<16xi32>], vector<16xf32>,
        %broadcast_in_dim3A_1045 = arith.constant 125 : i32
        %broadcast_in_dim3A_1046 = vector.broadcast %broadcast_in_dim3A_1045 : i32 to vector<16xi32>
        tpu.vector_store_idx %arg5[%add3A_22, %broadcast_in_dim3A_1046], %broadcast_in_dim3A_34 : memref<64x228xf32, #tpu.memory_space<vmem>>[vector<16xi32>, vector<16xi32>], vector<16xf32>,
        %broadcast_in_dim3A_1047 = arith.constant 128 : i32
        %broadcast_in_dim3A_1048 = vector.broadcast %broadcast_in_dim3A_1047 : i32 to vector<16xi32>
        tpu.vector_store_idx %arg5[%add3A_22, %broadcast_in_dim3A_1048], %broadcast_in_dim3A_34 : memref<64x228xf32, #tpu.memory_space<vmem>>[vector<16xi32>, vector<16xi32>], vector<16xf32>,
        %broadcast_in_dim3A_1049 = arith.constant 131 : i32
        %broadcast_in_dim3A_1050 = vector.broadcast %broadcast_in_dim3A_1049 : i32 to vector<16xi32>
        tpu.vector_store_idx %arg5[%add3A_22, %broadcast_in_dim3A_1050], %broadcast_in_dim3A_34 : memref<64x228xf32, #tpu.memory_space<vmem>>[vector<16xi32>, vector<16xi32>], vector<16xf32>,
        %broadcast_in_dim3A_1051 = arith.constant 134 : i32
        %broadcast_in_dim3A_1052 = vector.broadcast %broadcast_in_dim3A_1051 : i32 to vector<16xi32>
        tpu.vector_store_idx %arg5[%add3A_22, %broadcast_in_dim3A_1052], %broadcast_in_dim3A_34 : memref<64x228xf32, #tpu.memory_space<vmem>>[vector<16xi32>, vector<16xi32>], vector<16xf32>,
        %broadcast_in_dim3A_1053 = arith.constant 137 : i32
        %broadcast_in_dim3A_1054 = vector.broadcast %broadcast_in_dim3A_1053 : i32 to vector<16xi32>
        tpu.vector_store_idx %arg5[%add3A_22, %broadcast_in_dim3A_1054], %broadcast_in_dim3A_34 : memref<64x228xf32, #tpu.memory_space<vmem>>[vector<16xi32>, vector<16xi32>], vector<16xf32>,
        %broadcast_in_dim3A_1055 = arith.constant 140 : i32
        %broadcast_in_dim3A_1056 = vector.broadcast %broadcast_in_dim3A_1055 : i32 to vector<16xi32>
        tpu.vector_store_idx %arg5[%add3A_22, %broadcast_in_dim3A_1056], %broadcast_in_dim3A_34 : memref<64x228xf32, #tpu.memory_space<vmem>>[vector<16xi32>, vector<16xi32>], vector<16xf32>,
        %broadcast_in_dim3A_1057 = arith.constant 143 : i32
        %broadcast_in_dim3A_1058 = vector.broadcast %broadcast_in_dim3A_1057 : i32 to vector<16xi32>
        tpu.vector_store_idx %arg5[%add3A_22, %broadcast_in_dim3A_1058], %broadcast_in_dim3A_34 : memref<64x228xf32, #tpu.memory_space<vmem>>[vector<16xi32>, vector<16xi32>], vector<16xf32>,
        %broadcast_in_dim3A_1059 = arith.constant 146 : i32
        %broadcast_in_dim3A_1060 = vector.broadcast %broadcast_in_dim3A_1059 : i32 to vector<16xi32>
        tpu.vector_store_idx %arg5[%add3A_22, %broadcast_in_dim3A_1060], %broadcast_in_dim3A_34 : memref<64x228xf32, #tpu.memory_space<vmem>>[vector<16xi32>, vector<16xi32>], vector<16xf32>,
        %broadcast_in_dim3A_1061 = arith.constant 149 : i32
        %broadcast_in_dim3A_1062 = vector.broadcast %broadcast_in_dim3A_1061 : i32 to vector<16xi32>
        tpu.vector_store_idx %arg5[%add3A_22, %broadcast_in_dim3A_1062], %broadcast_in_dim3A_34 : memref<64x228xf32, #tpu.memory_space<vmem>>[vector<16xi32>, vector<16xi32>], vector<16xf32>,
        %broadcast_in_dim3A_1063 = arith.constant 152 : i32
        %broadcast_in_dim3A_1064 = vector.broadcast %broadcast_in_dim3A_1063 : i32 to vector<16xi32>
        tpu.vector_store_idx %arg5[%add3A_22, %broadcast_in_dim3A_1064], %broadcast_in_dim3A_34 : memref<64x228xf32, #tpu.memory_space<vmem>>[vector<16xi32>, vector<16xi32>], vector<16xf32>,
        %broadcast_in_dim3A_1065 = arith.constant 155 : i32
        %broadcast_in_dim3A_1066 = vector.broadcast %broadcast_in_dim3A_1065 : i32 to vector<16xi32>
        tpu.vector_store_idx %arg5[%add3A_22, %broadcast_in_dim3A_1066], %broadcast_in_dim3A_34 : memref<64x228xf32, #tpu.memory_space<vmem>>[vector<16xi32>, vector<16xi32>], vector<16xf32>,
        %broadcast_in_dim3A_1067 = arith.constant 158 : i32
        %broadcast_in_dim3A_1068 = vector.broadcast %broadcast_in_dim3A_1067 : i32 to vector<16xi32>
        tpu.vector_store_idx %arg5[%add3A_22, %broadcast_in_dim3A_1068], %broadcast_in_dim3A_34 : memref<64x228xf32, #tpu.memory_space<vmem>>[vector<16xi32>, vector<16xi32>], vector<16xf32>,
        %broadcast_in_dim3A_1069 = arith.constant 161 : i32
        %broadcast_in_dim3A_1070 = vector.broadcast %broadcast_in_dim3A_1069 : i32 to vector<16xi32>
        tpu.vector_store_idx %arg5[%add3A_22, %broadcast_in_dim3A_1070], %broadcast_in_dim3A_34 : memref<64x228xf32, #tpu.memory_space<vmem>>[vector<16xi32>, vector<16xi32>], vector<16xf32>,
        %broadcast_in_dim3A_1071 = arith.constant 164 : i32
        %broadcast_in_dim3A_1072 = vector.broadcast %broadcast_in_dim3A_1071 : i32 to vector<16xi32>
        tpu.vector_store_idx %arg5[%add3A_22, %broadcast_in_dim3A_1072], %broadcast_in_dim3A_34 : memref<64x228xf32, #tpu.memory_space<vmem>>[vector<16xi32>, vector<16xi32>], vector<16xf32>,
        %broadcast_in_dim3A_1073 = arith.constant 167 : i32
        %broadcast_in_dim3A_1074 = vector.broadcast %broadcast_in_dim3A_1073 : i32 to vector<16xi32>
        tpu.vector_store_idx %arg5[%add3A_22, %broadcast_in_dim3A_1074], %broadcast_in_dim3A_34 : memref<64x228xf32, #tpu.memory_space<vmem>>[vector<16xi32>, vector<16xi32>], vector<16xf32>,
        %broadcast_in_dim3A_1075 = arith.constant 170 : i32
        %broadcast_in_dim3A_1076 = vector.broadcast %broadcast_in_dim3A_1075 : i32 to vector<16xi32>
        tpu.vector_store_idx %arg5[%add3A_22, %broadcast_in_dim3A_1076], %broadcast_in_dim3A_34 : memref<64x228xf32, #tpu.memory_space<vmem>>[vector<16xi32>, vector<16xi32>], vector<16xf32>,
        %broadcast_in_dim3A_1077 = arith.constant 173 : i32
        %broadcast_in_dim3A_1078 = vector.broadcast %broadcast_in_dim3A_1077 : i32 to vector<16xi32>
        tpu.vector_store_idx %arg5[%add3A_22, %broadcast_in_dim3A_1078], %broadcast_in_dim3A_34 : memref<64x228xf32, #tpu.memory_space<vmem>>[vector<16xi32>, vector<16xi32>], vector<16xf32>,
        %broadcast_in_dim3A_1079 = arith.constant 176 : i32
        %broadcast_in_dim3A_1080 = vector.broadcast %broadcast_in_dim3A_1079 : i32 to vector<16xi32>
        tpu.vector_store_idx %arg5[%add3A_22, %broadcast_in_dim3A_1080], %broadcast_in_dim3A_34 : memref<64x228xf32, #tpu.memory_space<vmem>>[vector<16xi32>, vector<16xi32>], vector<16xf32>,
        %broadcast_in_dim3A_1081 = arith.constant 179 : i32
        %broadcast_in_dim3A_1082 = vector.broadcast %broadcast_in_dim3A_1081 : i32 to vector<16xi32>
        tpu.vector_store_idx %arg5[%add3A_22, %broadcast_in_dim3A_1082], %broadcast_in_dim3A_34 : memref<64x228xf32, #tpu.memory_space<vmem>>[vector<16xi32>, vector<16xi32>], vector<16xf32>,
        %broadcast_in_dim3A_1083 = arith.constant 182 : i32
        %broadcast_in_dim3A_1084 = vector.broadcast %broadcast_in_dim3A_1083 : i32 to vector<16xi32>
        tpu.vector_store_idx %arg5[%add3A_22, %broadcast_in_dim3A_1084], %broadcast_in_dim3A_34 : memref<64x228xf32, #tpu.memory_space<vmem>>[vector<16xi32>, vector<16xi32>], vector<16xf32>,
        %broadcast_in_dim3A_1085 = arith.constant 185 : i32
        %broadcast_in_dim3A_1086 = vector.broadcast %broadcast_in_dim3A_1085 : i32 to vector<16xi32>
        tpu.vector_store_idx %arg5[%add3A_22, %broadcast_in_dim3A_1086], %broadcast_in_dim3A_34 : memref<64x228xf32, #tpu.memory_space<vmem>>[vector<16xi32>, vector<16xi32>], vector<16xf32>,
        %broadcast_in_dim3A_1087 = arith.constant 188 : i32
        %broadcast_in_dim3A_1088 = vector.broadcast %broadcast_in_dim3A_1087 : i32 to vector<16xi32>
        tpu.vector_store_idx %arg5[%add3A_22, %broadcast_in_dim3A_1088], %broadcast_in_dim3A_34 : memref<64x228xf32, #tpu.memory_space<vmem>>[vector<16xi32>, vector<16xi32>], vector<16xf32>,
        %broadcast_in_dim3A_1089 = arith.constant 191 : i32
        %broadcast_in_dim3A_1090 = vector.broadcast %broadcast_in_dim3A_1089 : i32 to vector<16xi32>
        tpu.vector_store_idx %arg5[%add3A_22, %broadcast_in_dim3A_1090], %broadcast_in_dim3A_34 : memref<64x228xf32, #tpu.memory_space<vmem>>[vector<16xi32>, vector<16xi32>], vector<16xf32>,
        %broadcast_in_dim3A_1091 = arith.constant 194 : i32
        %broadcast_in_dim3A_1092 = vector.broadcast %broadcast_in_dim3A_1091 : i32 to vector<16xi32>
        tpu.vector_store_idx %arg5[%add3A_22, %broadcast_in_dim3A_1092], %broadcast_in_dim3A_34 : memref<64x228xf32, #tpu.memory_space<vmem>>[vector<16xi32>, vector<16xi32>], vector<16xf32>,
        %broadcast_in_dim3A_1093 = arith.constant 197 : i32
        %broadcast_in_dim3A_1094 = vector.broadcast %broadcast_in_dim3A_1093 : i32 to vector<16xi32>
        tpu.vector_store_idx %arg5[%add3A_22, %broadcast_in_dim3A_1094], %broadcast_in_dim3A_34 : memref<64x228xf32, #tpu.memory_space<vmem>>[vector<16xi32>, vector<16xi32>], vector<16xf32>,
        %broadcast_in_dim3A_1095 = arith.constant 200 : i32
        %broadcast_in_dim3A_1096 = vector.broadcast %broadcast_in_dim3A_1095 : i32 to vector<16xi32>
        tpu.vector_store_idx %arg5[%add3A_22, %broadcast_in_dim3A_1096], %broadcast_in_dim3A_34 : memref<64x228xf32, #tpu.memory_space<vmem>>[vector<16xi32>, vector<16xi32>], vector<16xf32>,
        %broadcast_in_dim3A_1097 = arith.constant 203 : i32
        %broadcast_in_dim3A_1098 = vector.broadcast %broadcast_in_dim3A_1097 : i32 to vector<16xi32>
        tpu.vector_store_idx %arg5[%add3A_22, %broadcast_in_dim3A_1098], %broadcast_in_dim3A_34 : memref<64x228xf32, #tpu.memory_space<vmem>>[vector<16xi32>, vector<16xi32>], vector<16xf32>,
        %broadcast_in_dim3A_1099 = arith.constant 206 : i32
        %broadcast_in_dim3A_1100 = vector.broadcast %broadcast_in_dim3A_1099 : i32 to vector<16xi32>
        tpu.vector_store_idx %arg5[%add3A_22, %broadcast_in_dim3A_1100], %broadcast_in_dim3A_34 : memref<64x228xf32, #tpu.memory_space<vmem>>[vector<16xi32>, vector<16xi32>], vector<16xf32>,
        %broadcast_in_dim3A_1101 = arith.constant 209 : i32
        %broadcast_in_dim3A_1102 = vector.broadcast %broadcast_in_dim3A_1101 : i32 to vector<16xi32>
        tpu.vector_store_idx %arg5[%add3A_22, %broadcast_in_dim3A_1102], %broadcast_in_dim3A_34 : memref<64x228xf32, #tpu.memory_space<vmem>>[vector<16xi32>, vector<16xi32>], vector<16xf32>,
        %broadcast_in_dim3A_1103 = arith.constant 212 : i32
        %broadcast_in_dim3A_1104 = vector.broadcast %broadcast_in_dim3A_1103 : i32 to vector<16xi32>
        tpu.vector_store_idx %arg5[%add3A_22, %broadcast_in_dim3A_1104], %broadcast_in_dim3A_34 : memref<64x228xf32, #tpu.memory_space<vmem>>[vector<16xi32>, vector<16xi32>], vector<16xf32>,
        %broadcast_in_dim3A_1105 = arith.constant 215 : i32
        %broadcast_in_dim3A_1106 = vector.broadcast %broadcast_in_dim3A_1105 : i32 to vector<16xi32>
        tpu.vector_store_idx %arg5[%add3A_22, %broadcast_in_dim3A_1106], %broadcast_in_dim3A_34 : memref<64x228xf32, #tpu.memory_space<vmem>>[vector<16xi32>, vector<16xi32>], vector<16xf32>,
        %broadcast_in_dim3A_1107 = arith.constant 218 : i32
        %broadcast_in_dim3A_1108 = vector.broadcast %broadcast_in_dim3A_1107 : i32 to vector<16xi32>
        tpu.vector_store_idx %arg5[%add3A_22, %broadcast_in_dim3A_1108], %broadcast_in_dim3A_34 : memref<64x228xf32, #tpu.memory_space<vmem>>[vector<16xi32>, vector<16xi32>], vector<16xf32>,
        %broadcast_in_dim3A_1109 = arith.constant 221 : i32
        %broadcast_in_dim3A_1110 = vector.broadcast %broadcast_in_dim3A_1109 : i32 to vector<16xi32>
        tpu.vector_store_idx %arg5[%add3A_22, %broadcast_in_dim3A_1110], %broadcast_in_dim3A_34 : memref<64x228xf32, #tpu.memory_space<vmem>>[vector<16xi32>, vector<16xi32>], vector<16xf32>,
        %broadcast_in_dim3A_1111 = arith.constant 224 : i32
        %broadcast_in_dim3A_1112 = vector.broadcast %broadcast_in_dim3A_1111 : i32 to vector<16xi32>
        tpu.vector_store_idx %arg5[%add3A_22, %broadcast_in_dim3A_1112], %broadcast_in_dim3A_34 : memref<64x228xf32, #tpu.memory_space<vmem>>[vector<16xi32>, vector<16xi32>], vector<16xf32>,
        %broadcast_in_dim3A_1113 = arith.constant 227 : i32
        %broadcast_in_dim3A_1114 = vector.broadcast %broadcast_in_dim3A_1113 : i32 to vector<16xi32>
        tpu.vector_store_idx %arg5[%add3A_22, %broadcast_in_dim3A_1114], %broadcast_in_dim3A_34 : memref<64x228xf32, #tpu.memory_space<vmem>>[vector<16xi32>, vector<16xi32>], vector<16xf32>,
      }
      %scan3A_17 = arith.constant 4 : i32
      "tpu.region"() ({
        %run_scoped3A = tpu.sem_alloc : memref<!tpu.dma_semaphore, #tpu.memory_space<semaphore_mem>>
        %dma_start3A = arith.constant 0 : i32
        %dma_start3A_18 = tpu.memref_slice %arg3[%add3A_11, %dma_start3A] : memref<8192x228xf32, #tpu.memory_space<hbm>> -> memref<64x228xf32, #tpu.memory_space<hbm>>
        %dma_start3A_19 = arith.constant 0 : i32
        %dma_start3A_20 = tpu.memref_slice %arg3[%add3A_11, %dma_start3A_19] : memref<8192x228xf32, #tpu.memory_space<hbm>> -> memref<64x228xf32, #tpu.memory_space<hbm>>
        tpu.enqueue_dma source(%arg5 : memref<64x228xf32, #tpu.memory_space<vmem>>) target(%dma_start3A_20 : memref<64x228xf32, #tpu.memory_space<hbm>>) target_semaphore(%run_scoped3A : memref<!tpu.dma_semaphore, #tpu.memory_space<semaphore_mem>>)
        %dma_wait3A = arith.constant 0 : i32
        %dma_wait3A_21 = tpu.memref_slice %arg3[%add3A_11, %dma_wait3A] : memref<8192x228xf32, #tpu.memory_space<hbm>> -> memref<64x228xf32, #tpu.memory_space<hbm>>
        %dma_wait3A_22 = arith.constant 0 : i32
        %dma_wait3A_23 = tpu.memref_slice %arg3[%add3A_11, %dma_wait3A_22] : memref<8192x228xf32, #tpu.memory_space<hbm>> -> memref<64x228xf32, #tpu.memory_space<hbm>>
        tpu.wait_dma2 semaphore(%run_scoped3A : memref<!tpu.dma_semaphore, #tpu.memory_space<semaphore_mem>>) src(%arg5 : memref<64x228xf32, #tpu.memory_space<vmem>>) dst(%dma_wait3A_23 : memref<64x228xf32, #tpu.memory_space<hbm>>)
        tpu.yield
      }) : () -> ()
    }
    %scan3A_5 = arith.constant 4 : i32
    return
  }
}

</mosaic_0001>

<sc_bundles>
// kernel: kernel.3.cloned.1.call-start
scs
__scs_entry_jumppad:
0x0: {  	(pc) =	sbr.rel $0x88, $3  }
0x1: {  	(tag) =	ssettag $0x0;
	lr =	simm.s32 $0x1  }
0x2: {  	[smem:$0x3FA0] =	sst lr;
	_ =	strace $0xD0000000  }
0x3: {  	_ = 	snop  }
0x4: {  	_ = 	snop  }
0x5: {  	_ = 	snop  }
0x6: {  	_ = 	snop  }
0x7: {  	_ = 	snop  }
__scs_overlays_trampoline_lowered:
0x8: {  	[smem:$0x3FAF] =	sst s0  }
0x9: {  	[smem:$0x3FB0] =	sst s1  }
0xa: {  	[smem:$0x3FB1] =	sst s2  }
0xb: {  	[smem:$0x3FB2] =	sst s3  }
0xc: {  	[smem:$0x3FB3] =	sst s4  }
0xd: {  	[smem:$0x3FB4] =	sst s5  }
0xe: {  	[smem:$0x3FB5] =	sst s6  }
0xf: {  	[smem:$0x3FB6] =	sst s7  }
0x10: {  	[smem:$0x3FB7] =	sst s8  }
0x11: {  	[smem:$0x3FB8] =	sst s9;
	s0 =	simm.s32 @!p0 $0x0  }
0x12: {  	s1 =	sld [smem:$0x3F9E];
	s0 =	simm.s32 @p0 $0x1  }
0x13: {  	[smem:$0x3FB9] =	sst s0;
	s0 =	simm.s32 @!p1 $0x0  }
0x14: {  	s2 =	sld [smem:$0x3F9D];
	s0 =	simm.s32 @p1 $0x1  }
0x15: {  	[smem:$0x3FBA] =	sst s0;
	s0 =	simm.s32 @!p2 $0x0  }
0x16: {  	s3 =	sld [smem:$0x3FDB];
	s0 =	simm.s32 @p2 $0x1  }
0x17: {  	s4 =	simm.s32 $0x1BF5;
	[smem:$0x3FBC] =	sst s0  }
0x18: {  	s0 =	sld [smem:$0x3F9F];
	_ =	swait.ge [sflag:s4], $0x0  }
0x19: {  	s7 =	sld [smem:$0x3FA0]  }
0x1a: {  	s8 =	sadd.s32 $0xFFFFE003, lr  }
0x1b: {  	s9 =	sadd.s32 $0xFFFFFEF7, lr;
	s5 =	simm.s32 $0xFFFFFFFF;
	p2 =	slt.u32 s8, $0xFFFFF086  }
0x1c: {  	p1 =	slt.u32 s9, $0xF7A;
	s5 =	simm.s32 @!p2 $0x0  }
0x1d: {  	s5 =	simm.s32 @p1 $0x1;
	p0 =	seq.s32 s7, s2  }
0x1e: {  	s7 =	smul.u32 @!p0 $0xF7A, s2;
	p2 =	seq.s32 @!p0 s5, $0x0  }
0x1f: {  	s9 =	smul.u32 $0xF7A, s1;
	s8 =	simm.s32 @!p0 $0x1BF5;
	p2 =	por !p2, p0  }
0x20: {  	[sflag:s8] =	ssyncset.s32 @!p0 $0xFFFFF086;
	s6 =	sadd.s32 @!p0 s3, s7;
	s7 =	simm.s32 @!p0 $0x108  }
0x21: {  	s3 =	sadd.s32 s3, s9;
	s6 =	sadd.s32 @!p0 $0x88, s6;
	s7 =	simm.s32 @p2 $0x1082  }
0x22: {  	[simem:s7], [sflag:s8] =	dma.local @!p0 [hbm:s6], $0xF7A  }
0x23: {  	s9 =	sor.u32 $0xD0000000, s2;
	s6 =	simm.s32 $0x108;
	_ =	swait.ge @!p0 [sflag:s8], $0x0  }
0x24: {  	s3 =	sadd.s32 $0x88, s3;
	s6 =	simm.s32 @!p1 $0x1082;
	[sflag:s4] =	ssyncset.s32 $0xFFFFF086  }
0x25: {  	[simem:s6], [sflag:s4] =	dma.local [hbm:s3], $0xF7A  }
0x26: {  	[smem:$0x3FA0] =	sst s1;
	(tag) =	ssettag s2;
	_ =	strace s9  }
0x27: {  	s1 =	sld [smem:$0x3FB0]  }
0x28: {  	s2 =	sld [smem:$0x3FB1]  }
0x29: {  	s4 =	sld [smem:$0x3FB3]  }
0x2a: {  	p0 =	seq.s32 s5, $0x0;
	s5 =	sld [smem:$0x3FB4]  }
0x2b: {  	s6 =	sld [smem:$0x3FB5]  }
0x2c: {  	s7 =	sld [smem:$0x3FB6]  }
0x2d: {  	s3 =	simm.s32 $0x108;
	s8 =	sld [smem:$0x3FB7]  }
0x2e: {  	s3 =	simm.s32 @!p0 $0x1082;
	s9 =	sld [smem:$0x3FB8]  }
0x2f: {  	lr =	sadd.s32 s0, s3;
	s0 =	sld [smem:$0x3FAF]  }
0x30: {  	s3 =	sld [smem:$0x3FB2]  }
0x31: {  	[smem:$0x3FBB] =	sst s10  }
0x32: {  	s10 =	sld [smem:$0x3FB9];
	_ =	sdelay $0x3  }
0x33: {  	p0 =	seq.s32 s10, $0x1;
	s10 =	sld [smem:$0x3FBB];
	_ =	sdelay $0x3  }
0x34: {  	[smem:$0x3FBB] =	sst s10  }
0x35: {  	s10 =	sld [smem:$0x3FBA];
	_ =	sdelay $0x3  }
0x36: {  	p1 =	seq.s32 s10, $0x1;
	s10 =	sld [smem:$0x3FBB];
	_ =	sdelay $0x3  }
0x37: {  	[smem:$0x3FBB] =	sst s10  }
0x38: {  	s10 =	sld [smem:$0x3FBC]  }
0x39: {  	_ = 	snop;
	(pc) =	sbr.ind lr, $3  }
0x3a: {  	_ = 	snop  }
0x3b: {  	_ = 	snop  }
0x3c: {  	p2 =	seq.s32 s10, $0x1;
	s10 =	sld [smem:$0x3FBB]  }
0x3d: {  	_ =	shalt  }
0x3e: {  	_ =	shalt  }
0x3f: {  	_ =	shalt  }
0x40: {  	_ =	shalt  }
0x41: {  	_ =	shalt  }
0x42: {  	_ =	shalt  }
0x43: {  	_ =	shalt  }
0x44: {  	_ =	shalt  }
0x45: {  	_ =	shalt  }
0x46: {  	_ =	shalt  }
0x47: {  	_ =	shalt  }
0x48: {  	_ =	shalt  }
0x49: {  	_ =	shalt  }
0x4a: {  	_ =	shalt  }
0x4b: {  	_ =	shalt  }
0x4c: {  	_ =	shalt  }
0x4d: {  	_ =	shalt  }
0x4e: {  	_ =	shalt  }
0x4f: {  	_ =	shalt  }
0x50: {  	_ =	shalt  }
0x51: {  	_ =	shalt  }
0x52: {  	_ =	shalt  }
0x53: {  	_ =	shalt  }
0x54: {  	_ =	shalt  }
0x55: {  	_ =	shalt  }
0x56: {  	_ =	shalt  }
0x57: {  	_ =	shalt  }
0x58: {  	_ =	shalt  }
0x59: {  	_ =	shalt  }
0x5a: {  	_ =	shalt  }
0x5b: {  	_ =	shalt  }
0x5c: {  	_ =	shalt  }
0x5d: {  	_ =	shalt  }
0x5e: {  	_ =	shalt  }
0x5f: {  	_ =	shalt  }
0x60: {  	_ =	shalt  }
0x61: {  	_ =	shalt  }
0x62: {  	_ =	shalt  }
0x63: {  	_ =	shalt  }
0x64: {  	_ =	shalt  }
0x65: {  	_ =	shalt  }
0x66: {  	_ =	shalt  }
0x67: {  	_ =	shalt  }
0x68: {  	_ =	shalt  }
0x69: {  	_ =	shalt  }
0x6a: {  	_ =	shalt  }
0x6b: {  	_ =	shalt  }
0x6c: {  	_ =	shalt  }
0x6d: {  	_ =	shalt  }
0x6e: {  	_ =	shalt  }
0x6f: {  	_ =	shalt  }
0x70: {  	_ =	shalt  }
0x71: {  	_ =	shalt  }
0x72: {  	_ =	shalt  }
0x73: {  	_ =	shalt  }
0x74: {  	_ =	shalt  }
0x75: {  	_ =	shalt  }
0x76: {  	_ =	shalt  }
0x77: {  	_ =	shalt  }
0x78: {  	_ =	shalt  }
0x79: {  	_ =	shalt  }
0x7a: {  	_ =	shalt  }
0x7b: {  	_ =	shalt  }
0x7c: {  	_ =	shalt  }
0x7d: {  	_ =	shalt  }
0x7e: {  	_ =	shalt  }
0x7f: {  	_ =	shalt  }
0x80: {  	_ =	shalt  }
0x81: {  	_ =	shalt  }
0x82: {  	_ =	shalt  }
0x83: {  	_ =	shalt  }
0x84: {  	_ =	shalt  }
0x85: {  	_ =	shalt  }
0x86: {  	_ =	shalt  }
0x87: {  	_ =	shalt  }
.Lfunc_end0:
.L_simem_size_0:
called_computation.1_lowered:
.L_overlay_start_0:
0x88: {  	s2 =	sld [smem:$0x3FD9]  }
0x89: {  	s3 =	sld [smem:$0x3FFE];
	_ =	sdelay $0x1  }
0x8a: {  	s1 =	srdreg.scid  }
0x8b: {  	s0 =	sand.u32 $0x1, s1  }
0x8c: {  	s16 =	sshll.u32 s0, $0xA;
	s2 =	sadd.s32 s3, s2  }
0x8d: {  	s2 =	sadd.s32 s2, s16  }
0x8e: {  	[smem:$0x3FC7] =	sst s2  }
0x8f: {  	_ = 	snop  }
0x90: {  	(tm) =	ssettm $0x1  }
0x91: {  	s17 =	sld [smem:$0x3FFB];
	_ =	sdelay $0x3  }
0x92: {  	_ =	strace s17  }
0x93: {  	s2 =	sld [smem:$0x3FFC];
	_ =	sdelay $0x3  }
0x94: {  	_ =	strace s2  }
0x95: {  	s2 =	sld [smem:$0x3FFD];
	_ =	sdelay $0x3  }
0x96: {  	_ =	strace s2  }
0x97: {  	_ =	strace $0x8FFFFFFF  }
0x98: {  	s18 =	sld [smem:$0x3FDB];
	_ =	sdelay $0x1  }
0x99: {  	s19 =	simm.s32 $_scs_section_size  }
0x9a: {  	s4 =	simm.s32 $_size__tile_overlayer_lowered;
	s5 =	simm.s32 $_tile_overlayer_lowered  }
0x9b: {  	s22 =	simm.s32 $0x1BFF;
	s21 =	sshll.u32 s5, $0x1;
	s2 =	sadd.s32 s19, s18  }
0x9c: {  	s6 =	simm.s32 $0x0;
	s20 =	sshll.u32 s4, $0x1;
	s4 =	sadd.s32 s21, s2  }
0x9d: {  	[timem:s6], [sflag:s22] =	dma.local [hbm:s4], s20  }
0x9e: {  	_ =	swait.ge [sflag:s22], s20  }
0x9f: {  	s3 =	ssub.s32 $0x0, s20;
	[sflag:s22] =	ssyncset.done $0x0  }
0xa0: {  	[sflag:s22] =	ssyncadd.s32 s3;
	_ =	sdelay $0x1  }
0xa1: {  	s23 =	simm.s32 $0x1B8B  }
0xa2: {  	_ =	swait.ge [sflag:s23], $0x1  }
0xa3: {  	[sflag:s23] =	ssyncset.done $0x0  }
0xa4: {  	s25 =	simm.s32 $0x1B8E;
	s24 =	sld [smem:$0x3FFE];
	[sflag:s23] =	ssyncadd.s32 $0xFFFFFFFF  }
0xa5: {  	s26 =	simm.s32 $execute0_lowered;
	[smem:$0x3FD2] =	sst s25  }
0xa6: {  	s4 =	sshll.u32 s26, $0x1;
	_ =	strace $0x80000049;
	[dreg:$0x1] =	wrdreg $0xFFFFFFFF  }
0xa7: {  	s28 =	simm.s32 $_size_execute0_lowered;
	s2 =	sadd.s32 s2, s4;
	[dreg:$0x0] =	wrdreg $0x0  }
0xa8: {  	s4 =	sshll.u32 s28, $0x1;
	[dreg:$0x2] =	wrdreg s2  }
0xa9: {  	[dreg:$0x3] =	wrdreg s4  }
0xaa: {  	[dreg:$0x4] =	wrdreg $0xC0  }
0xab: {  	_ =	task [dreg:s6], $0x5FFFF  }
0xac: {  	[dreg:$0x1] =	wrdreg $0xFFFFFFFF  }
0xad: {  	[dreg:$0x0] =	wrdreg $0x60  }
0xae: {  	[dreg:$0x2] =	wrdreg s24  }
0xaf: {  	[dreg:$0x3] =	wrdreg $0x9  }
0xb0: {  	_ =	task.clear_ibuf [dreg:s6], $0x4FFFF;
	_ =	strace $0x90000049  }
0xb1: {  	s29 =	simm.s32 $0x9;
	_ =	strace $0x8000004B  }
0xb2: {  	_ =	swait.ge [sflag:s29], $0x1  }
0xb3: {  	[sflag:s29] =	ssyncadd.s32 $0xFFFFFFFF  }
0xb4: {  	_ =	strace $0x9000004B  }
0xb5: {  	_ =	sfence  }
0xb6: {  	s30 =	sld [smem:$0x0];
	_ =	sdelay $0x2  }
0xb7: {  	s31 =	sshll.u32 s1, $0xD;
	s1 =	sshrl.u32 s1, $0x2  }
0xb8: {  	s3 =	sand.u32 $0x4000, s31;
	s1 =	sadd.s32 s1, s30  }
0xb9: {  	s0 =	sor.u32 s3, s0;
	s1 =	sshll.u32 s1, $0x11  }
0xba: {  	s0 =	sor.u32 s1, s0  }
0xbb: {  	s0 =	sadd.s32 $0x8F2B, s0  }
0xbc: {  	[sflag:s0] =	ssyncadd.remote.s32 $0x1  }
0xbd: {  	_ =	sfence.sel $0xFFFF  }
0xbe: {  	[dreg:$0x0] =	wrdreg $0xFFFFFFFF;
	(pc) =	sbr.abs _section_cstart, $3  }
0xbf: {  	[dreg:$0x1] =	wrdreg $0xFFFFFFFF  }
0xc0: {  	_ =	task.clear_ibuf [dreg:s6], $0x2FFFF;
	_ =	strace $0x9FFFFFFF  }
0xc1: {  	(tm) =	ssettm $0x7FFFFFFF  }
tec
execute0_lowered:
.L_overlay_start_1:
0x0: {  	(tag) =	ssettag $0x1  }
0x1: {  	v0 =	vlaneseq.u32  }
0x2: {  	v0 =	vand.u32 $0x7, v0  }
0x3: {  	v1 =	vmul.u32 $0x80, v0;
	_ =	sdelay $0x1  }
0x4: {  	v63 =	vimm.f32 $0.0e+00;
	v11 =	vor.u32 $0x2C00, v1;
	v4 =	vor.u32 $0x2C68, v1  }
0x5: {  	v9 =	vor.u32 $0x2C69, v1;
	v16 =	vor.u32 $0x2C6B, v1;
	v17 =	vor.u32 $0x2C6C, v1  }
0x6: {  	v0 =	vor.u32 $0x1, v1;
	v12 =	vor.u32 $0x3, v1;
	v13 =	vor.u32 $0x287D, v1  }
0x7: {  	v20 =	vor.u32 $0x4, v1;
	v21 =	vor.u32 $0x287F, v1;
	v22 =	vor.u32 $0x6, v1  }
0x8: {  	v23 =	vor.u32 $0x7, v1;
	v24 =	vor.u32 $0x2C02, v1;
	v25 =	vor.u32 $0x9, v1  }
0x9: {  	v26 =	vor.u32 $0x2C03, v1;
	v27 =	vor.u32 $0xA, v1;
	v28 =	vor.u32 $0x2C05, v1  }
0xa: {  	v29 =	vor.u32 $0xC, v1;
	v30 =	vor.u32 $0x2C06, v1;
	v31 =	vor.u32 $0xD, v1  }
0xb: {  	v32 =	vor.u32 $0x2C08, v1;
	v33 =	vor.u32 $0xF, v1;
	v34 =	vor.u32 $0x2C09, v1  }
0xc: {  	v35 =	vor.u32 $0x10, v1;
	v36 =	vor.u32 $0x2C0B, v1;
	v37 =	vor.u32 $0x12, v1  }
0xd: {  	v38 =	vor.u32 $0x2C0C, v1;
	v39 =	vor.u32 $0x13, v1;
	v40 =	vor.u32 $0x2C0E, v1  }
0xe: {  	s4 =	rddreg [dreg:$0x0];
	s1 =	simm.s32 $0x0;
	v41 =	vor.u32 $0x15, v1;
	v42 =	vor.u32 $0x2C0F, v1;
	[tilespmem:$0x1FF50] =	vst v0;
	v0 =	vor.u32 $0x287C, v1  }
0xf: {  	[smem:$0x7FF] =	sst s1;
	v43 =	vor.u32 $0x16, v1;
	v44 =	vor.u32 $0x2C11, v1;
	v2 =	vor.u32 $0x2C21, v1;
	[tilespmem:$0x1FF60] =	vst v0  }
0x10: {  	s0 =	rddreg [dreg:$0x1];
	v45 =	vor.u32 $0x18, v1;
	v46 =	vor.u32 $0x2C12, v1;
	v47 =	vor.u32 $0x19, v1;
	_ =	strace $0x8000004A;
	[tilespmem:$0x1FF70] =	vst v2  }
0x11: {  	v48 =	vor.u32 $0x2C14, v1;
	v49 =	vor.u32 $0x1B, v1;
	v50 =	vor.u32 $0x2C15, v1;
	[tilespmem:$0x1FFE0] =	vst v4  }
0x12: {  	v51 =	vor.u32 $0x1C, v1;
	v52 =	vor.u32 $0x2C17, v1;
	v2 =	vor.u32 $0x28, v1;
	[tilespmem:$0x1FFF0] =	vst v9  }
0x13: {  	s2 =	srdreg.scid;
	v53 =	vor.u32 $0x1E, v1;
	v54 =	vor.u32 $0x2C18, v1;
	[tilespmem:$0x1FF80] =	vst v2;
	v2 =	vor.u32 $0x2C23, v1  }
0x14: {  	s8 =	simm.s32 $0x1A000;
	s5 =	sand.u32 $0x1, s2;
	v55 =	vor.u32 $0x1F, v1;
	v56 =	vor.u32 $0x2C1A, v1;
	[tilespmem:$0x1FF90] =	vst v2;
	v2 =	vor.u32 $0x2A, v1  }
0x15: {  	s9 =	simm.s32 $0x0;
	s3 =	sadd.s32 $0x330800, s4;
	s6 =	ssub.s32 $0x2, s5;
	v57 =	vor.u32 $0x21, v1;
	v58 =	vor.u32 $0x2C1B, v1;
	[tilespmem:$0x1FFA0] =	vst v2;
	v2 =	vor.u32 $0x2C24, v1  }
0x16: {  	s2 =	stileid.u32;
	s4 =	sadd.s32 $0x800, s4;
	s7 =	sshrl.u32 s6, $0x1;
	v59 =	vor.u32 $0x22, v1;
	v60 =	vor.u32 $0x2C1D, v1;
	[tilespmem:$0x1FFB0] =	vst v2;
	v2 =	vor.u32 $0x2B, v1  }
0x17: {  	s31 =	sshll.u32 s2, $0x9;
	s5 =	sshll.u32 s5, $0x8;
	v61 =	vor.u32 $0x24, v1;
	v62 =	vor.u32 $0x2C1E, v1;
	s6 =	ssub.s32 s6, s7;
	[tilespmem:$0x1FFC0] =	vst v2;
	v2 =	vor.u32 $0x2C26, v1  }
0x18: {  	s5 =	sor.u32 s5, s31;
	v18 =	vor.u32 $0x25, v1;
	v19 =	vor.u32 $0x2C20, v1;
	s7 =	simm.s32 $0x1;
	s6 =	smax.u32 s6, $0x1;
	v0 =	vor.u32 $0x27, v1;
	[tilespmem:$0x1FFD0] =	vst v2  }
.LBB2_1:
0x19: {  	s10 =	simm.s32 $0x0  }
.LBB2_2:
0x1a: {  	s11 =	sshll.u32 s10, $0x6  }
0x1b: {  	s11 =	sadd.s32 s5, s11  }
0x1c: {  	s12 =	sshrl.u32 s11, $0x3  }
0x1d: {  	s12 =	smul.u32 $0x680, s12;
	_ =	sdelay $0x1  }
0x1e: {  	s13 =	sadd.s32 s3, s12;
	s12 =	simm.s32 $0x0  }
0x1f: {  	[tilespmem:s12], [sflag:$0x1] =	stream.linear.gather [hbm4b:s13+s12], $0x1A000, $0x38;
	[tilespmem:$0x1E000] =	vst v63  }
0x20: {  	_ =	swait.ge [sflag:s7], $0x1A000  }
0x21: {  	[sflag:s7] =	ssyncset.done $0x0  }
0x22: {  	[sflag:s7] =	ssyncadd.s32 $0xFFFE6000  }
.LBB2_3:
0x23: {  	v2 =	vlaneseq.u32  }
0x24: {  	v2 =	vor.u32 s12, v2  }
0x25: {  	v2 =	vshrl.u32 v2, $0x3  }
0x26: {  	v3 =	vmul.u32 $0x3400, v2;
	_ =	sdelay $0x1  }
0x27: {  	v7 =	vadd.s32 v4, v3  }
0x28: {  	v6 =	vadd.s32 v9, v3  }
0x29: {  	v14 =	vadd.s32 v16, v3  }
0x2a: {  	v15 =	vadd.s32 v17, v3  }
0x2b: {  	v5 =	vmov v61;
	v61 =	vmov v59;
	v59 =	vmov v57  }
0x2c: {  	v57 =	vmovc v55;
	v55 =	vmovc v53;
	v53 =	vmov v51;
	v51 =	vmov v49;
	v49 =	vmov v47;
	v8 =	vld.idx.msk [tilespmem:v7+s1+$0x0], $0xffff  }
0x2d: {  	v47 =	vmovc v45;
	v45 =	vmovc v43;
	v43 =	vmov v41;
	v41 =	vmov v39;
	v39 =	vmov v37;
	v9 =	vld.idx.msk [tilespmem:v6+s1+$0x0], $0xffff  }
0x2e: {  	v37 =	vmovc v35;
	v35 =	vmovc v33;
	v33 =	vmov v31;
	v31 =	vmov v29;
	v29 =	vmov v27;
	v10 =	vld.idx.msk [tilespmem:v14+s1+$0x0], $0xffff  }
0x2f: {  	v27 =	vmovc v25;
	v25 =	vmovc v23;
	v23 =	vmov v21;
	v21 =	vmov v13;
	v13 =	vmov v11;
	v11 =	vld.idx.msk [tilespmem:v15+s1+$0x0], $0xffff;
	_ =	sdelay $0x2  }
0x30: {  	v2 =	vshll.u32 v2, $0xB;
	v4 =	vmov v0  }
0x31: {  	v0 =	vmovc v19;
	v19 =	vmovc v18;
	v18 =	vmov v62;
	v62 =	vmov v60;
	v8 =	vadd.f32 v10, v8;
	v10 =	vld [tilespmem:$0x1FF50]  }
0x32: {  	v60 =	vmovc v58;
	v58 =	vmovc v56;
	v56 =	vmov v54;
	v54 =	vmov v52;
	v9 =	vadd.f32 v11, v9;
	v11 =	vld [tilespmem:$0x1FF60]  }
0x33: {  	v52 =	vmovc v50;
	v50 =	vmovc v48;
	v48 =	vmov v46;
	v46 =	vmov v44;
	v44 =	vmov v42  }
0x34: {  	v42 =	vmovc v40;
	v40 =	vmovc v38;
	v38 =	vmov v36;
	v36 =	vmov v34;
	v34 =	vmov v32  }
0x35: {  	v32 =	vmovc v24;
	v24 =	vmovc v22;
	v22 =	vmov v20;
	v20 =	vmov v12;
	v12 =	vor.u32 v1, v2  }
0x36: {  	v10 =	vor.u32 v10, v2  }
0x37: {  	v11 =	vadd.s32 v11, v3  }
0x38: {  	v8 =	vmul.f32 $5.000000000e-01, v8  }
0x39: {  	v9 =	vmul.f32 $5.000000000e-01, v9  }
0x3a: {  	[tilespmem:v12+s8+$0x0] =	vst.idx.msk $0xffff, v8  }
0x3b: {  	v12 =	vmov v20;
	[tilespmem:v10+s8+$0x0] =	vst.idx.msk $0xffff, v9  }
0x3c: {  	v9 =	vor.u32 v12, v2;
	v8 =	vld.idx.msk [tilespmem:v11+s1+$0x0], $0xffff;
	v11 =	vmov v13;
	v13 =	vmov v21  }
0x3d: {  	v10 =	vadd.s32 v13, v3;
	_ =	sdelay $0x3  }
0x3e: {  	v20 =	vmov v22;
	[tilespmem:v9+s8+$0x0] =	vst.idx.msk $0xffff, v8  }
0x3f: {  	v21 =	vmov v23;
	v9 =	vor.u32 v20, v2;
	v8 =	vld.idx.msk [tilespmem:v10+s1+$0x0], $0xffff  }
0x40: {  	v10 =	vadd.s32 v21, v3;
	_ =	sdelay $0x3  }
0x41: {  	v22 =	vmov v24;
	[tilespmem:v9+s8+$0x0] =	vst.idx.msk $0xffff, v8  }
0x42: {  	v9 =	vor.u32 v22, v2;
	v8 =	vld.idx.msk [tilespmem:v10+s1+$0x0], $0xffff  }
0x43: {  	v10 =	vadd.s32 v11, v3;
	_ =	sdelay $0x3  }
0x44: {  	v23 =	vmov v25;
	[tilespmem:v9+s8+$0x0] =	vst.idx.msk $0xffff, v8  }
0x45: {  	v24 =	vmov v32;
	v9 =	vor.u32 v23, v2;
	v8 =	vld.idx.msk [tilespmem:v10+s1+$0x0], $0xffff  }
0x46: {  	v10 =	vadd.s32 v24, v3;
	_ =	sdelay $0x3  }
0x47: {  	v25 =	vmov v27;
	[tilespmem:v9+s8+$0x0] =	vst.idx.msk $0xffff, v8  }
0x48: {  	v9 =	vor.u32 v25, v2;
	v8 =	vld.idx.msk [tilespmem:v10+s1+$0x0], $0xffff  }
0x49: {  	v10 =	vadd.s32 v26, v3;
	_ =	sdelay $0x3  }
0x4a: {  	v27 =	vmov v29;
	[tilespmem:v9+s8+$0x0] =	vst.idx.msk $0xffff, v8  }
0x4b: {  	v9 =	vor.u32 v27, v2;
	v8 =	vld.idx.msk [tilespmem:v10+s1+$0x0], $0xffff  }
0x4c: {  	v10 =	vadd.s32 v28, v3;
	_ =	sdelay $0x3  }
0x4d: {  	v29 =	vmov v31;
	[tilespmem:v9+s8+$0x0] =	vst.idx.msk $0xffff, v8  }
0x4e: {  	v9 =	vor.u32 v29, v2;
	v8 =	vld.idx.msk [tilespmem:v10+s1+$0x0], $0xffff  }
0x4f: {  	v10 =	vadd.s32 v30, v3;
	_ =	sdelay $0x3  }
0x50: {  	v31 =	vmov v33;
	[tilespmem:v9+s8+$0x0] =	vst.idx.msk $0xffff, v8  }
0x51: {  	v32 =	vmov v34;
	v9 =	vor.u32 v31, v2;
	v8 =	vld.idx.msk [tilespmem:v10+s1+$0x0], $0xffff  }
0x52: {  	v10 =	vadd.s32 v32, v3;
	_ =	sdelay $0x3  }
0x53: {  	v33 =	vmov v35;
	[tilespmem:v9+s8+$0x0] =	vst.idx.msk $0xffff, v8  }
0x54: {  	v34 =	vmov v36;
	v9 =	vor.u32 v33, v2;
	v8 =	vld.idx.msk [tilespmem:v10+s1+$0x0], $0xffff  }
0x55: {  	v10 =	vadd.s32 v34, v3;
	_ =	sdelay $0x3  }
0x56: {  	v35 =	vmov v37;
	[tilespmem:v9+s8+$0x0] =	vst.idx.msk $0xffff, v8  }
0x57: {  	v36 =	vmov v38;
	v9 =	vor.u32 v35, v2;
	v8 =	vld.idx.msk [tilespmem:v10+s1+$0x0], $0xffff  }
0x58: {  	v10 =	vadd.s32 v36, v3;
	_ =	sdelay $0x3  }
0x59: {  	v37 =	vmov v39;
	[tilespmem:v9+s8+$0x0] =	vst.idx.msk $0xffff, v8  }
0x5a: {  	v38 =	vmov v40;
	v9 =	vor.u32 v37, v2;
	v8 =	vld.idx.msk [tilespmem:v10+s1+$0x0], $0xffff  }
0x5b: {  	v10 =	vadd.s32 v38, v3;
	_ =	sdelay $0x3  }
0x5c: {  	v39 =	vmov v41;
	[tilespmem:v9+s8+$0x0] =	vst.idx.msk $0xffff, v8  }
0x5d: {  	v40 =	vmov v42;
	v9 =	vor.u32 v39, v2;
	v8 =	vld.idx.msk [tilespmem:v10+s1+$0x0], $0xffff  }
0x5e: {  	v10 =	vadd.s32 v40, v3;
	_ =	sdelay $0x3  }
0x5f: {  	v41 =	vmov v43;
	[tilespmem:v9+s8+$0x0] =	vst.idx.msk $0xffff, v8  }
0x60: {  	v42 =	vmov v44;
	v9 =	vor.u32 v41, v2;
	v8 =	vld.idx.msk [tilespmem:v10+s1+$0x0], $0xffff  }
0x61: {  	v10 =	vadd.s32 v42, v3;
	_ =	sdelay $0x3  }
0x62: {  	v43 =	vmov v45;
	[tilespmem:v9+s8+$0x0] =	vst.idx.msk $0xffff, v8  }
0x63: {  	v44 =	vmov v46;
	v9 =	vor.u32 v43, v2;
	v8 =	vld.idx.msk [tilespmem:v10+s1+$0x0], $0xffff  }
0x64: {  	v10 =	vadd.s32 v44, v3;
	_ =	sdelay $0x3  }
0x65: {  	v45 =	vmov v47;
	[tilespmem:v9+s8+$0x0] =	vst.idx.msk $0xffff, v8  }
0x66: {  	v46 =	vmov v48;
	v9 =	vor.u32 v45, v2;
	v8 =	vld.idx.msk [tilespmem:v10+s1+$0x0], $0xffff  }
0x67: {  	v10 =	vadd.s32 v46, v3;
	_ =	sdelay $0x3  }
0x68: {  	v47 =	vmov v49;
	[tilespmem:v9+s8+$0x0] =	vst.idx.msk $0xffff, v8  }
0x69: {  	v48 =	vmov v50;
	v9 =	vor.u32 v47, v2;
	v8 =	vld.idx.msk [tilespmem:v10+s1+$0x0], $0xffff  }
0x6a: {  	v10 =	vadd.s32 v48, v3;
	_ =	sdelay $0x3  }
0x6b: {  	v49 =	vmov v51;
	[tilespmem:v9+s8+$0x0] =	vst.idx.msk $0xffff, v8  }
0x6c: {  	v50 =	vmov v52;
	v9 =	vor.u32 v49, v2;
	v8 =	vld.idx.msk [tilespmem:v10+s1+$0x0], $0xffff  }
0x6d: {  	v10 =	vadd.s32 v50, v3;
	_ =	sdelay $0x3  }
0x6e: {  	v51 =	vmov v53;
	[tilespmem:v9+s8+$0x0] =	vst.idx.msk $0xffff, v8  }
0x6f: {  	v52 =	vmov v54;
	v9 =	vor.u32 v51, v2;
	v8 =	vld.idx.msk [tilespmem:v10+s1+$0x0], $0xffff  }
0x70: {  	v10 =	vadd.s32 v52, v3;
	_ =	sdelay $0x3  }
0x71: {  	v53 =	vmov v55;
	[tilespmem:v9+s8+$0x0] =	vst.idx.msk $0xffff, v8  }
0x72: {  	v54 =	vmov v56;
	v9 =	vor.u32 v53, v2;
	v8 =	vld.idx.msk [tilespmem:v10+s1+$0x0], $0xffff  }
0x73: {  	v10 =	vadd.s32 v54, v3;
	_ =	sdelay $0x3  }
0x74: {  	v55 =	vmov v57;
	[tilespmem:v9+s8+$0x0] =	vst.idx.msk $0xffff, v8  }
0x75: {  	v56 =	vmov v58;
	v9 =	vor.u32 v55, v2;
	v8 =	vld.idx.msk [tilespmem:v10+s1+$0x0], $0xffff  }
0x76: {  	v10 =	vadd.s32 v56, v3;
	_ =	sdelay $0x3  }
0x77: {  	v57 =	vmov v59;
	[tilespmem:v9+s8+$0x0] =	vst.idx.msk $0xffff, v8  }
0x78: {  	v58 =	vmov v60;
	v9 =	vor.u32 v57, v2;
	v8 =	vld.idx.msk [tilespmem:v10+s1+$0x0], $0xffff  }
0x79: {  	v10 =	vadd.s32 v58, v3;
	_ =	sdelay $0x3  }
0x7a: {  	v59 =	vmov v61;
	[tilespmem:v9+s8+$0x0] =	vst.idx.msk $0xffff, v8  }
0x7b: {  	v60 =	vmov v62;
	v9 =	vor.u32 v59, v2;
	v8 =	vld.idx.msk [tilespmem:v10+s1+$0x0], $0xffff  }
0x7c: {  	v10 =	vadd.s32 v60, v3;
	_ =	sdelay $0x3  }
0x7d: {  	[tilespmem:v9+s8+$0x0] =	vst.idx.msk $0xffff, v8  }
0x7e: {  	v62 =	vmov v18;
	v9 =	vor.u32 v5, v2;
	v8 =	vld.idx.msk [tilespmem:v10+s1+$0x0], $0xffff  }
0x7f: {  	v10 =	vadd.s32 v62, v3;
	_ =	sdelay $0x3  }
0x80: {  	v18 =	vmov v19;
	[tilespmem:v9+s8+$0x0] =	vst.idx.msk $0xffff, v8  }
0x81: {  	v9 =	vor.u32 v18, v2;
	v8 =	vld.idx.msk [tilespmem:v10+s1+$0x0], $0xffff;
	_ =	sdelay $0x2  }
0x82: {  	v19 =	vmov v0  }
0x83: {  	v10 =	vadd.s32 v19, v3  }
0x84: {  	v0 =	vmov v4;
	[tilespmem:v9+s8+$0x0] =	vst.idx.msk $0xffff, v8;
	v9 =	vor.u32 v4, v2;
	v4 =	vld [tilespmem:$0x1FF70];
	_ =	sdelay $0x3  }
0x85: {  	v8 =	vld.idx.msk [tilespmem:v10+s1+$0x0], $0xffff  }
0x86: {  	v10 =	vadd.s32 v4, v3;
	v4 =	vld [tilespmem:$0x1FF80];
	_ =	sdelay $0x4  }
0x87: {  	[tilespmem:v9+s8+$0x0] =	vst.idx.msk $0xffff, v8;
	v9 =	vor.u32 v4, v2;
	v4 =	vld [tilespmem:$0x1FF90];
	_ =	sdelay $0x3  }
0x88: {  	v8 =	vld.idx.msk [tilespmem:v10+s1+$0x0], $0xffff  }
0x89: {  	v10 =	vadd.s32 v4, v3;
	v4 =	vld [tilespmem:$0x1FFA0];
	_ =	sdelay $0x4  }
0x8a: {  	[tilespmem:v9+s8+$0x0] =	vst.idx.msk $0xffff, v8;
	v9 =	vor.u32 v4, v2;
	v4 =	vld [tilespmem:$0x1FFB0];
	_ =	sdelay $0x3  }
0x8b: {  	v8 =	vld.idx.msk [tilespmem:v10+s1+$0x0], $0xffff  }
0x8c: {  	v10 =	vadd.s32 v4, v3;
	v4 =	vld [tilespmem:$0x1FFC0];
	_ =	sdelay $0x4  }
0x8d: {  	[tilespmem:v9+s8+$0x0] =	vst.idx.msk $0xffff, v8;
	v9 =	vor.u32 v4, v2;
	v4 =	vld [tilespmem:$0x1FFD0];
	_ =	sdelay $0x3  }
0x8e: {  	v8 =	vld.idx.msk [tilespmem:v10+s1+$0x0], $0xffff  }
0x8f: {  	v10 =	vadd.s32 v4, v3;
	_ =	sdelay $0x3  }
0x90: {  	[tilespmem:v9+s8+$0x0] =	vst.idx.msk $0xffff, v8;
	v8 =	vor.u32 $0x2D, v1  }
0x91: {  	v8 =	vor.u32 v8, v2;
	v9 =	vld.idx.msk [tilespmem:v10+s1+$0x0], $0xffff;
	v10 =	vor.u32 $0x2C27, v1  }
0x92: {  	v10 =	vadd.s32 v10, v3;
	_ =	sdelay $0x3  }
0x93: {  	[tilespmem:v8+s8+$0x0] =	vst.idx.msk $0xffff, v9;
	v8 =	vor.u32 $0x2E, v1  }
0x94: {  	v9 =	vld.idx.msk [tilespmem:v10+s1+$0x0], $0xffff;
	v8 =	vor.u32 v8, v2;
	v10 =	vor.u32 $0x2C29, v1  }
0x95: {  	v10 =	vadd.s32 v10, v3;
	_ =	sdelay $0x3  }
0x96: {  	[tilespmem:v8+s8+$0x0] =	vst.idx.msk $0xffff, v9;
	v8 =	vor.u32 $0x30, v1  }
0x97: {  	v9 =	vld.idx.msk [tilespmem:v10+s1+$0x0], $0xffff;
	v8 =	vor.u32 v8, v2;
	v10 =	vor.u32 $0x2C2A, v1  }
0x98: {  	v10 =	vadd.s32 v10, v3;
	_ =	sdelay $0x3  }
0x99: {  	[tilespmem:v8+s8+$0x0] =	vst.idx.msk $0xffff, v9;
	v8 =	vor.u32 $0x31, v1  }
0x9a: {  	v9 =	vld.idx.msk [tilespmem:v10+s1+$0x0], $0xffff;
	v8 =	vor.u32 v8, v2;
	v10 =	vor.u32 $0x2C2C, v1  }
0x9b: {  	v10 =	vadd.s32 v10, v3;
	_ =	sdelay $0x3  }
0x9c: {  	[tilespmem:v8+s8+$0x0] =	vst.idx.msk $0xffff, v9;
	v8 =	vor.u32 $0x33, v1  }
0x9d: {  	v9 =	vld.idx.msk [tilespmem:v10+s1+$0x0], $0xffff;
	v8 =	vor.u32 v8, v2;
	v10 =	vor.u32 $0x2C2D, v1  }
0x9e: {  	v10 =	vadd.s32 v10, v3;
	_ =	sdelay $0x3  }
0x9f: {  	[tilespmem:v8+s8+$0x0] =	vst.idx.msk $0xffff, v9;
	v8 =	vor.u32 $0x34, v1  }
0xa0: {  	v9 =	vld.idx.msk [tilespmem:v10+s1+$0x0], $0xffff;
	v8 =	vor.u32 v8, v2;
	v10 =	vor.u32 $0x2C2F, v1  }
0xa1: {  	v10 =	vadd.s32 v10, v3;
	_ =	sdelay $0x3  }
0xa2: {  	[tilespmem:v8+s8+$0x0] =	vst.idx.msk $0xffff, v9;
	v8 =	vor.u32 $0x36, v1  }
0xa3: {  	v9 =	vld.idx.msk [tilespmem:v10+s1+$0x0], $0xffff;
	v8 =	vor.u32 v8, v2;
	v10 =	vor.u32 $0x2C30, v1  }
0xa4: {  	v10 =	vadd.s32 v10, v3;
	_ =	sdelay $0x3  }
0xa5: {  	[tilespmem:v8+s8+$0x0] =	vst.idx.msk $0xffff, v9;
	v8 =	vor.u32 $0x37, v1  }
0xa6: {  	v9 =	vld.idx.msk [tilespmem:v10+s1+$0x0], $0xffff;
	v8 =	vor.u32 v8, v2;
	v10 =	vor.u32 $0x2C32, v1  }
0xa7: {  	v10 =	vadd.s32 v10, v3;
	_ =	sdelay $0x3  }
0xa8: {  	[tilespmem:v8+s8+$0x0] =	vst.idx.msk $0xffff, v9;
	v8 =	vor.u32 $0x39, v1  }
0xa9: {  	v9 =	vld.idx.msk [tilespmem:v10+s1+$0x0], $0xffff;
	v8 =	vor.u32 v8, v2;
	v10 =	vor.u32 $0x2C33, v1  }
0xaa: {  	v10 =	vadd.s32 v10, v3;
	_ =	sdelay $0x3  }
0xab: {  	[tilespmem:v8+s8+$0x0] =	vst.idx.msk $0xffff, v9;
	v8 =	vor.u32 $0x3A, v1  }
0xac: {  	v9 =	vld.idx.msk [tilespmem:v10+s1+$0x0], $0xffff;
	v8 =	vor.u32 v8, v2;
	v10 =	vor.u32 $0x2C35, v1  }
0xad: {  	v10 =	vadd.s32 v10, v3;
	_ =	sdelay $0x3  }
0xae: {  	[tilespmem:v8+s8+$0x0] =	vst.idx.msk $0xffff, v9;
	v8 =	vor.u32 $0x3C, v1  }
0xaf: {  	v9 =	vld.idx.msk [tilespmem:v10+s1+$0x0], $0xffff;
	v8 =	vor.u32 v8, v2;
	v10 =	vor.u32 $0x2C36, v1  }
0xb0: {  	v10 =	vadd.s32 v10, v3;
	_ =	sdelay $0x3  }
0xb1: {  	[tilespmem:v8+s8+$0x0] =	vst.idx.msk $0xffff, v9;
	v8 =	vor.u32 $0x3D, v1  }
0xb2: {  	v9 =	vld.idx.msk [tilespmem:v10+s1+$0x0], $0xffff;
	v8 =	vor.u32 v8, v2;
	v10 =	vor.u32 $0x2C38, v1  }
0xb3: {  	v10 =	vadd.s32 v10, v3;
	_ =	sdelay $0x3  }
0xb4: {  	[tilespmem:v8+s8+$0x0] =	vst.idx.msk $0xffff, v9;
	v8 =	vor.u32 $0x3F, v1  }
0xb5: {  	v9 =	vld.idx.msk [tilespmem:v10+s1+$0x0], $0xffff;
	v8 =	vor.u32 v8, v2;
	v10 =	vor.u32 $0x2C39, v1  }
0xb6: {  	v10 =	vadd.s32 v10, v3;
	_ =	sdelay $0x3  }
0xb7: {  	[tilespmem:v8+s8+$0x0] =	vst.idx.msk $0xffff, v9;
	v8 =	vor.u32 $0x40, v1  }
0xb8: {  	v9 =	vld.idx.msk [tilespmem:v10+s1+$0x0], $0xffff;
	v8 =	vor.u32 v8, v2;
	v10 =	vor.u32 $0x2C3B, v1  }
0xb9: {  	v10 =	vadd.s32 v10, v3;
	_ =	sdelay $0x3  }
0xba: {  	[tilespmem:v8+s8+$0x0] =	vst.idx.msk $0xffff, v9;
	v8 =	vor.u32 $0x42, v1  }
0xbb: {  	v9 =	vld.idx.msk [tilespmem:v10+s1+$0x0], $0xffff;
	v8 =	vor.u32 v8, v2;
	v10 =	vor.u32 $0x2C3C, v1  }
0xbc: {  	v10 =	vadd.s32 v10, v3;
	_ =	sdelay $0x3  }
0xbd: {  	[tilespmem:v8+s8+$0x0] =	vst.idx.msk $0xffff, v9;
	v8 =	vor.u32 $0x43, v1  }
0xbe: {  	v9 =	vld.idx.msk [tilespmem:v10+s1+$0x0], $0xffff;
	v8 =	vor.u32 v8, v2;
	v10 =	vor.u32 $0x2C3E, v1  }
0xbf: {  	v10 =	vadd.s32 v10, v3;
	_ =	sdelay $0x3  }
0xc0: {  	[tilespmem:v8+s8+$0x0] =	vst.idx.msk $0xffff, v9;
	v8 =	vor.u32 $0x45, v1  }
0xc1: {  	v9 =	vld.idx.msk [tilespmem:v10+s1+$0x0], $0xffff;
	v8 =	vor.u32 v8, v2;
	v10 =	vor.u32 $0x2C3F, v1  }
0xc2: {  	v10 =	vadd.s32 v10, v3;
	_ =	sdelay $0x3  }
0xc3: {  	[tilespmem:v8+s8+$0x0] =	vst.idx.msk $0xffff, v9;
	v8 =	vor.u32 $0x46, v1  }
0xc4: {  	v9 =	vld.idx.msk [tilespmem:v10+s1+$0x0], $0xffff;
	v8 =	vor.u32 v8, v2;
	v10 =	vor.u32 $0x2C41, v1  }
0xc5: {  	v10 =	vadd.s32 v10, v3;
	_ =	sdelay $0x3  }
0xc6: {  	[tilespmem:v8+s8+$0x0] =	vst.idx.msk $0xffff, v9;
	v8 =	vor.u32 $0x48, v1  }
0xc7: {  	v9 =	vld.idx.msk [tilespmem:v10+s1+$0x0], $0xffff;
	v8 =	vor.u32 v8, v2;
	v10 =	vor.u32 $0x2C42, v1  }
0xc8: {  	v10 =	vadd.s32 v10, v3;
	_ =	sdelay $0x3  }
0xc9: {  	[tilespmem:v8+s8+$0x0] =	vst.idx.msk $0xffff, v9;
	v8 =	vor.u32 $0x49, v1  }
0xca: {  	v9 =	vld.idx.msk [tilespmem:v10+s1+$0x0], $0xffff;
	v8 =	vor.u32 v8, v2;
	v10 =	vor.u32 $0x2C44, v1  }
0xcb: {  	v10 =	vadd.s32 v10, v3;
	_ =	sdelay $0x3  }
0xcc: {  	[tilespmem:v8+s8+$0x0] =	vst.idx.msk $0xffff, v9;
	v8 =	vor.u32 $0x4B, v1  }
0xcd: {  	v9 =	vld.idx.msk [tilespmem:v10+s1+$0x0], $0xffff;
	v8 =	vor.u32 v8, v2;
	v10 =	vor.u32 $0x2C45, v1  }
0xce: {  	v10 =	vadd.s32 v10, v3;
	_ =	sdelay $0x3  }
0xcf: {  	[tilespmem:v8+s8+$0x0] =	vst.idx.msk $0xffff, v9;
	v8 =	vor.u32 $0x4C, v1  }
0xd0: {  	v9 =	vld.idx.msk [tilespmem:v10+s1+$0x0], $0xffff;
	v8 =	vor.u32 v8, v2;
	v10 =	vor.u32 $0x2C47, v1  }
0xd1: {  	v10 =	vadd.s32 v10, v3;
	_ =	sdelay $0x3  }
0xd2: {  	[tilespmem:v8+s8+$0x0] =	vst.idx.msk $0xffff, v9;
	v8 =	vor.u32 $0x4E, v1  }
0xd3: {  	v9 =	vld.idx.msk [tilespmem:v10+s1+$0x0], $0xffff;
	v8 =	vor.u32 v8, v2;
	v10 =	vor.u32 $0x2C48, v1  }
0xd4: {  	v10 =	vadd.s32 v10, v3;
	_ =	sdelay $0x3  }
0xd5: {  	[tilespmem:v8+s8+$0x0] =	vst.idx.msk $0xffff, v9;
	v8 =	vor.u32 $0x4F, v1  }
0xd6: {  	v9 =	vld.idx.msk [tilespmem:v10+s1+$0x0], $0xffff;
	v8 =	vor.u32 v8, v2;
	v10 =	vor.u32 $0x2C4A, v1  }
0xd7: {  	v10 =	vadd.s32 v10, v3;
	_ =	sdelay $0x3  }
0xd8: {  	[tilespmem:v8+s8+$0x0] =	vst.idx.msk $0xffff, v9;
	v8 =	vor.u32 $0x51, v1  }
0xd9: {  	v9 =	vld.idx.msk [tilespmem:v10+s1+$0x0], $0xffff;
	v8 =	vor.u32 v8, v2;
	v10 =	vor.u32 $0x2C4B, v1  }
0xda: {  	v10 =	vadd.s32 v10, v3;
	_ =	sdelay $0x3  }
0xdb: {  	[tilespmem:v8+s8+$0x0] =	vst.idx.msk $0xffff, v9;
	v8 =	vor.u32 $0x52, v1  }
0xdc: {  	v9 =	vld.idx.msk [tilespmem:v10+s1+$0x0], $0xffff;
	v8 =	vor.u32 v8, v2;
	v10 =	vor.u32 $0x2C4D, v1  }
0xdd: {  	v10 =	vadd.s32 v10, v3;
	_ =	sdelay $0x3  }
0xde: {  	[tilespmem:v8+s8+$0x0] =	vst.idx.msk $0xffff, v9;
	v8 =	vor.u32 $0x54, v1  }
0xdf: {  	v9 =	vld.idx.msk [tilespmem:v10+s1+$0x0], $0xffff;
	v8 =	vor.u32 v8, v2;
	v10 =	vor.u32 $0x2C4E, v1  }
0xe0: {  	v10 =	vadd.s32 v10, v3;
	_ =	sdelay $0x3  }
0xe1: {  	[tilespmem:v8+s8+$0x0] =	vst.idx.msk $0xffff, v9;
	v8 =	vor.u32 $0x55, v1  }
0xe2: {  	v9 =	vld.idx.msk [tilespmem:v10+s1+$0x0], $0xffff;
	v8 =	vor.u32 v8, v2;
	v10 =	vor.u32 $0x2C50, v1  }
0xe3: {  	v10 =	vadd.s32 v10, v3;
	_ =	sdelay $0x3  }
0xe4: {  	[tilespmem:v8+s8+$0x0] =	vst.idx.msk $0xffff, v9;
	v8 =	vor.u32 $0x57, v1  }
0xe5: {  	v9 =	vld.idx.msk [tilespmem:v10+s1+$0x0], $0xffff;
	v8 =	vor.u32 v8, v2;
	v10 =	vor.u32 $0x2C51, v1  }
0xe6: {  	v10 =	vadd.s32 v10, v3;
	_ =	sdelay $0x3  }
0xe7: {  	[tilespmem:v8+s8+$0x0] =	vst.idx.msk $0xffff, v9;
	v8 =	vor.u32 $0x58, v1  }
0xe8: {  	v9 =	vld.idx.msk [tilespmem:v10+s1+$0x0], $0xffff;
	v8 =	vor.u32 v8, v2;
	v10 =	vor.u32 $0x2C53, v1  }
0xe9: {  	v10 =	vadd.s32 v10, v3;
	_ =	sdelay $0x3  }
0xea: {  	[tilespmem:v8+s8+$0x0] =	vst.idx.msk $0xffff, v9;
	v8 =	vor.u32 $0x5A, v1  }
0xeb: {  	v9 =	vld.idx.msk [tilespmem:v10+s1+$0x0], $0xffff;
	v8 =	vor.u32 v8, v2;
	v10 =	vor.u32 $0x2C54, v1  }
0xec: {  	v10 =	vadd.s32 v10, v3;
	_ =	sdelay $0x3  }
0xed: {  	[tilespmem:v8+s8+$0x0] =	vst.idx.msk $0xffff, v9;
	v8 =	vor.u32 $0x5B, v1  }
0xee: {  	v9 =	vld.idx.msk [tilespmem:v10+s1+$0x0], $0xffff;
	v8 =	vor.u32 v8, v2;
	v10 =	vor.u32 $0x2C56, v1  }
0xef: {  	v10 =	vadd.s32 v10, v3;
	_ =	sdelay $0x3  }
0xf0: {  	[tilespmem:v8+s8+$0x0] =	vst.idx.msk $0xffff, v9;
	v8 =	vor.u32 $0x5D, v1  }
0xf1: {  	v9 =	vld.idx.msk [tilespmem:v10+s1+$0x0], $0xffff;
	v8 =	vor.u32 v8, v2;
	v10 =	vor.u32 $0x2C57, v1  }
0xf2: {  	v10 =	vadd.s32 v10, v3;
	_ =	sdelay $0x3  }
0xf3: {  	[tilespmem:v8+s8+$0x0] =	vst.idx.msk $0xffff, v9;
	v8 =	vor.u32 $0x5E, v1  }
0xf4: {  	v9 =	vld.idx.msk [tilespmem:v10+s1+$0x0], $0xffff;
	v8 =	vor.u32 v8, v2;
	v10 =	vor.u32 $0x2C59, v1  }
0xf5: {  	v10 =	vadd.s32 v10, v3;
	_ =	sdelay $0x3  }
0xf6: {  	[tilespmem:v8+s8+$0x0] =	vst.idx.msk $0xffff, v9;
	v8 =	vor.u32 $0x60, v1  }
0xf7: {  	v9 =	vld.idx.msk [tilespmem:v10+s1+$0x0], $0xffff;
	v8 =	vor.u32 v8, v2;
	v10 =	vor.u32 $0x2C5A, v1  }
0xf8: {  	v10 =	vadd.s32 v10, v3;
	_ =	sdelay $0x3  }
0xf9: {  	[tilespmem:v8+s8+$0x0] =	vst.idx.msk $0xffff, v9;
	v8 =	vor.u32 $0x61, v1  }
0xfa: {  	v9 =	vld.idx.msk [tilespmem:v10+s1+$0x0], $0xffff;
	v8 =	vor.u32 v8, v2;
	v10 =	vor.u32 $0x2C5C, v1  }
0xfb: {  	v10 =	vadd.s32 v10, v3;
	_ =	sdelay $0x3  }
0xfc: {  	[tilespmem:v8+s8+$0x0] =	vst.idx.msk $0xffff, v9;
	v8 =	vor.u32 $0x63, v1  }
0xfd: {  	v9 =	vld.idx.msk [tilespmem:v10+s1+$0x0], $0xffff;
	v8 =	vor.u32 v8, v2;
	v10 =	vor.u32 $0x2C5D, v1  }
0xfe: {  	v10 =	vadd.s32 v10, v3;
	_ =	sdelay $0x3  }
0xff: {  	[tilespmem:v8+s8+$0x0] =	vst.idx.msk $0xffff, v9;
	v8 =	vor.u32 $0x64, v1  }
0x100: {  	v9 =	vld.idx.msk [tilespmem:v10+s1+$0x0], $0xffff;
	v8 =	vor.u32 v8, v2;
	v10 =	vor.u32 $0x2C5F, v1  }
0x101: {  	v10 =	vadd.s32 v10, v3;
	_ =	sdelay $0x3  }
0x102: {  	[tilespmem:v8+s8+$0x0] =	vst.idx.msk $0xffff, v9;
	v8 =	vor.u32 $0x66, v1  }
0x103: {  	v9 =	vld.idx.msk [tilespmem:v10+s1+$0x0], $0xffff;
	v8 =	vor.u32 v8, v2;
	v10 =	vor.u32 $0x2C60, v1  }
0x104: {  	v10 =	vadd.s32 v10, v3;
	_ =	sdelay $0x3  }
0x105: {  	[tilespmem:v8+s8+$0x0] =	vst.idx.msk $0xffff, v9;
	v8 =	vor.u32 $0x67, v1  }
0x106: {  	v9 =	vld.idx.msk [tilespmem:v10+s1+$0x0], $0xffff;
	v8 =	vor.u32 v8, v2;
	v10 =	vor.u32 $0x2C62, v1  }
0x107: {  	v10 =	vadd.s32 v10, v3;
	_ =	sdelay $0x3  }
0x108: {  	[tilespmem:v8+s8+$0x0] =	vst.idx.msk $0xffff, v9;
	v8 =	vor.u32 $0x69, v1  }
0x109: {  	v9 =	vld.idx.msk [tilespmem:v10+s1+$0x0], $0xffff;
	v8 =	vor.u32 v8, v2;
	v10 =	vor.u32 $0x2C63, v1  }
0x10a: {  	v10 =	vadd.s32 v10, v3;
	_ =	sdelay $0x3  }
0x10b: {  	[tilespmem:v8+s8+$0x0] =	vst.idx.msk $0xffff, v9;
	v8 =	vor.u32 $0x6A, v1  }
0x10c: {  	v9 =	vld.idx.msk [tilespmem:v10+s1+$0x0], $0xffff;
	v8 =	vor.u32 v8, v2;
	v10 =	vor.u32 $0x2C65, v1  }
0x10d: {  	v10 =	vadd.s32 v10, v3;
	_ =	sdelay $0x3  }
0x10e: {  	[tilespmem:v8+s8+$0x0] =	vst.idx.msk $0xffff, v9;
	v8 =	vor.u32 $0x6C, v1  }
0x10f: {  	v9 =	vld.idx.msk [tilespmem:v10+s1+$0x0], $0xffff;
	v8 =	vor.u32 v8, v2;
	v10 =	vor.u32 $0x2C66, v1  }
0x110: {  	v10 =	vadd.s32 v10, v3;
	_ =	sdelay $0x3  }
0x111: {  	[tilespmem:v8+s8+$0x0] =	vst.idx.msk $0xffff, v9;
	v8 =	vor.u32 $0x6D, v1  }
0x112: {  	v9 =	vld.idx.msk [tilespmem:v10+s1+$0x0], $0xffff;
	v8 =	vor.u32 v8, v2;
	_ =	sdelay $0x4  }
0x113: {  	[tilespmem:v8+s8+$0x0] =	vst.idx.msk $0xffff, v9;
	v8 =	vor.u32 $0x6F, v1  }
0x114: {  	v7 =	vld.idx.msk [tilespmem:v7+s1+$0x0], $0xffff;
	v8 =	vor.u32 v8, v2;
	_ =	sdelay $0x4  }
0x115: {  	[tilespmem:v8+s8+$0x0] =	vst.idx.msk $0xffff, v7;
	v7 =	vor.u32 $0x70, v1  }
0x116: {  	v6 =	vld.idx.msk [tilespmem:v6+s1+$0x0], $0xffff;
	v7 =	vor.u32 v7, v2;
	_ =	sdelay $0x4  }
0x117: {  	[tilespmem:v7+s8+$0x0] =	vst.idx.msk $0xffff, v6;
	v6 =	vor.u32 $0x72, v1  }
0x118: {  	v61 =	vmov v5;
	v5 =	vld.idx.msk [tilespmem:v14+s1+$0x0], $0xffff;
	v6 =	vor.u32 v6, v2;
	_ =	sdelay $0x4  }
0x119: {  	[tilespmem:v6+s8+$0x0] =	vst.idx.msk $0xffff, v5;
	v5 =	vor.u32 $0x73, v1  }
0x11a: {  	v6 =	vor.u32 $0x2C6E, v1;
	v4 =	vld.idx.msk [tilespmem:v15+s1+$0x0], $0xffff;
	v5 =	vor.u32 v5, v2  }
0x11b: {  	v6 =	vadd.s32 v6, v3;
	_ =	sdelay $0x3  }
0x11c: {  	[tilespmem:v5+s8+$0x0] =	vst.idx.msk $0xffff, v4;
	v4 =	vor.u32 $0x75, v1  }
0x11d: {  	v5 =	vld.idx.msk [tilespmem:v6+s1+$0x0], $0xffff;
	v4 =	vor.u32 v4, v2;
	v6 =	vor.u32 $0x2C6F, v1  }
0x11e: {  	v6 =	vadd.s32 v6, v3;
	_ =	sdelay $0x3  }
0x11f: {  	[tilespmem:v4+s8+$0x0] =	vst.idx.msk $0xffff, v5;
	v4 =	vor.u32 $0x76, v1  }
0x120: {  	v5 =	vld.idx.msk [tilespmem:v6+s1+$0x0], $0xffff;
	v4 =	vor.u32 v4, v2;
	v6 =	vor.u32 $0x2C71, v1  }
0x121: {  	v6 =	vadd.s32 v6, v3;
	_ =	sdelay $0x3  }
0x122: {  	[tilespmem:v4+s8+$0x0] =	vst.idx.msk $0xffff, v5;
	v4 =	vor.u32 $0x78, v1  }
0x123: {  	v5 =	vld.idx.msk [tilespmem:v6+s1+$0x0], $0xffff;
	v4 =	vor.u32 v4, v2;
	v6 =	vor.u32 $0x2C72, v1  }
0x124: {  	v6 =	vadd.s32 v6, v3;
	_ =	sdelay $0x3  }
0x125: {  	[tilespmem:v4+s8+$0x0] =	vst.idx.msk $0xffff, v5;
	v4 =	vor.u32 $0x79, v1  }
0x126: {  	v5 =	vld.idx.msk [tilespmem:v6+s1+$0x0], $0xffff;
	v4 =	vor.u32 v4, v2;
	v6 =	vor.u32 $0x2C74, v1  }
0x127: {  	v6 =	vadd.s32 v6, v3;
	_ =	sdelay $0x3  }
0x128: {  	[tilespmem:v4+s8+$0x0] =	vst.idx.msk $0xffff, v5;
	v4 =	vor.u32 $0x7B, v1  }
0x129: {  	v5 =	vld.idx.msk [tilespmem:v6+s1+$0x0], $0xffff;
	v4 =	vor.u32 v4, v2;
	v6 =	vor.u32 $0x2C75, v1  }
0x12a: {  	v6 =	vadd.s32 v6, v3;
	_ =	sdelay $0x3  }
0x12b: {  	[tilespmem:v4+s8+$0x0] =	vst.idx.msk $0xffff, v5;
	v4 =	vor.u32 $0x7C, v1  }
0x12c: {  	v5 =	vld.idx.msk [tilespmem:v6+s1+$0x0], $0xffff;
	v4 =	vor.u32 v4, v2;
	v6 =	vor.u32 $0x2C77, v1  }
0x12d: {  	v6 =	vadd.s32 v6, v3;
	_ =	sdelay $0x3  }
0x12e: {  	[tilespmem:v4+s8+$0x0] =	vst.idx.msk $0xffff, v5;
	v4 =	vor.u32 $0x7E, v1  }
0x12f: {  	v5 =	vld.idx.msk [tilespmem:v6+s1+$0x0], $0xffff;
	v4 =	vor.u32 v4, v2;
	v6 =	vor.u32 $0x2C78, v1  }
0x130: {  	v6 =	vadd.s32 v6, v3;
	_ =	sdelay $0x3  }
0x131: {  	[tilespmem:v4+s8+$0x0] =	vst.idx.msk $0xffff, v5;
	v4 =	vor.u32 $0x7F, v1  }
0x132: {  	v5 =	vld.idx.msk [tilespmem:v6+s1+$0x0], $0xffff;
	v4 =	vor.u32 v4, v2;
	v6 =	vor.u32 $0x2C7A, v1  }
0x133: {  	v6 =	vadd.s32 v6, v3;
	_ =	sdelay $0x3  }
0x134: {  	[tilespmem:v4+s8+$0x0] =	vst.idx.msk $0xffff, v5;
	v4 =	vor.u32 $0x401, v1  }
0x135: {  	v5 =	vld.idx.msk [tilespmem:v6+s1+$0x0], $0xffff;
	v4 =	vor.u32 v4, v2;
	v6 =	vor.u32 $0x2C7B, v1  }
0x136: {  	v6 =	vadd.s32 v6, v3;
	_ =	sdelay $0x3  }
0x137: {  	[tilespmem:v4+s8+$0x0] =	vst.idx.msk $0xffff, v5;
	v4 =	vor.u32 $0x402, v1  }
0x138: {  	v5 =	vld.idx.msk [tilespmem:v6+s1+$0x0], $0xffff;
	v4 =	vor.u32 v4, v2;
	v6 =	vor.u32 $0x2C7D, v1  }
0x139: {  	v6 =	vadd.s32 v6, v3;
	_ =	sdelay $0x3  }
0x13a: {  	[tilespmem:v4+s8+$0x0] =	vst.idx.msk $0xffff, v5;
	v4 =	vor.u32 $0x404, v1  }
0x13b: {  	v5 =	vld.idx.msk [tilespmem:v6+s1+$0x0], $0xffff;
	v4 =	vor.u32 v4, v2;
	v6 =	vor.u32 $0x2C7E, v1  }
0x13c: {  	v6 =	vadd.s32 v6, v3;
	_ =	sdelay $0x3  }
0x13d: {  	[tilespmem:v4+s8+$0x0] =	vst.idx.msk $0xffff, v5;
	v4 =	vor.u32 $0x405, v1  }
0x13e: {  	v5 =	vld.idx.msk [tilespmem:v6+s1+$0x0], $0xffff;
	v4 =	vor.u32 v4, v2;
	v6 =	vor.u32 $0x3000, v1  }
0x13f: {  	v6 =	vadd.s32 v6, v3;
	_ =	sdelay $0x3  }
0x140: {  	[tilespmem:v4+s8+$0x0] =	vst.idx.msk $0xffff, v5;
	v4 =	vor.u32 $0x407, v1  }
0x141: {  	v5 =	vld.idx.msk [tilespmem:v6+s1+$0x0], $0xffff;
	v4 =	vor.u32 v4, v2;
	v6 =	vor.u32 $0x3001, v1  }
0x142: {  	v6 =	vadd.s32 v6, v3;
	_ =	sdelay $0x3  }
0x143: {  	[tilespmem:v4+s8+$0x0] =	vst.idx.msk $0xffff, v5;
	v4 =	vor.u32 $0x408, v1  }
0x144: {  	v5 =	vld.idx.msk [tilespmem:v6+s1+$0x0], $0xffff;
	v4 =	vor.u32 v4, v2;
	v6 =	vor.u32 $0x3003, v1  }
0x145: {  	v6 =	vadd.s32 v6, v3;
	_ =	sdelay $0x3  }
0x146: {  	[tilespmem:v4+s8+$0x0] =	vst.idx.msk $0xffff, v5;
	v4 =	vor.u32 $0x40A, v1  }
0x147: {  	v5 =	vld.idx.msk [tilespmem:v6+s1+$0x0], $0xffff;
	v4 =	vor.u32 v4, v2;
	v6 =	vor.u32 $0x3004, v1  }
0x148: {  	v6 =	vadd.s32 v6, v3;
	_ =	sdelay $0x3  }
0x149: {  	[tilespmem:v4+s8+$0x0] =	vst.idx.msk $0xffff, v5;
	v4 =	vor.u32 $0x40B, v1  }
0x14a: {  	v5 =	vld.idx.msk [tilespmem:v6+s1+$0x0], $0xffff;
	v4 =	vor.u32 v4, v2;
	v6 =	vor.u32 $0x3006, v1  }
0x14b: {  	v6 =	vadd.s32 v6, v3;
	_ =	sdelay $0x3  }
0x14c: {  	[tilespmem:v4+s8+$0x0] =	vst.idx.msk $0xffff, v5;
	v4 =	vor.u32 $0x40D, v1  }
0x14d: {  	v5 =	vld.idx.msk [tilespmem:v6+s1+$0x0], $0xffff;
	v4 =	vor.u32 v4, v2;
	v6 =	vor.u32 $0x3007, v1  }
0x14e: {  	v6 =	vadd.s32 v6, v3;
	_ =	sdelay $0x3  }
0x14f: {  	[tilespmem:v4+s8+$0x0] =	vst.idx.msk $0xffff, v5;
	v4 =	vor.u32 $0x40E, v1  }
0x150: {  	v5 =	vld.idx.msk [tilespmem:v6+s1+$0x0], $0xffff;
	v4 =	vor.u32 v4, v2;
	v6 =	vor.u32 $0x3009, v1  }
0x151: {  	v6 =	vadd.s32 v6, v3;
	_ =	sdelay $0x3  }
0x152: {  	[tilespmem:v4+s8+$0x0] =	vst.idx.msk $0xffff, v5;
	v4 =	vor.u32 $0x410, v1  }
0x153: {  	v5 =	vld.idx.msk [tilespmem:v6+s1+$0x0], $0xffff;
	v4 =	vor.u32 v4, v2;
	v6 =	vor.u32 $0x300A, v1  }
0x154: {  	v6 =	vadd.s32 v6, v3;
	_ =	sdelay $0x3  }
0x155: {  	[tilespmem:v4+s8+$0x0] =	vst.idx.msk $0xffff, v5;
	v4 =	vor.u32 $0x411, v1  }
0x156: {  	v5 =	vld.idx.msk [tilespmem:v6+s1+$0x0], $0xffff;
	v4 =	vor.u32 v4, v2;
	v6 =	vor.u32 $0x300C, v1  }
0x157: {  	v6 =	vadd.s32 v6, v3;
	_ =	sdelay $0x3  }
0x158: {  	[tilespmem:v4+s8+$0x0] =	vst.idx.msk $0xffff, v5;
	v4 =	vor.u32 $0x413, v1  }
0x159: {  	v5 =	vld.idx.msk [tilespmem:v6+s1+$0x0], $0xffff;
	v4 =	vor.u32 v4, v2;
	v6 =	vor.u32 $0x300D, v1  }
0x15a: {  	v6 =	vadd.s32 v6, v3;
	_ =	sdelay $0x3  }
0x15b: {  	[tilespmem:v4+s8+$0x0] =	vst.idx.msk $0xffff, v5;
	v4 =	vor.u32 $0x414, v1  }
0x15c: {  	v5 =	vld.idx.msk [tilespmem:v6+s1+$0x0], $0xffff;
	v4 =	vor.u32 v4, v2;
	v6 =	vor.u32 $0x300F, v1  }
0x15d: {  	v6 =	vadd.s32 v6, v3;
	_ =	sdelay $0x3  }
0x15e: {  	[tilespmem:v4+s8+$0x0] =	vst.idx.msk $0xffff, v5;
	v4 =	vor.u32 $0x416, v1  }
0x15f: {  	v5 =	vld.idx.msk [tilespmem:v6+s1+$0x0], $0xffff;
	v4 =	vor.u32 v4, v2;
	v6 =	vor.u32 $0x3010, v1  }
0x160: {  	v6 =	vadd.s32 v6, v3;
	_ =	sdelay $0x3  }
0x161: {  	[tilespmem:v4+s8+$0x0] =	vst.idx.msk $0xffff, v5;
	v4 =	vor.u32 $0x417, v1  }
0x162: {  	v5 =	vld.idx.msk [tilespmem:v6+s1+$0x0], $0xffff;
	v4 =	vor.u32 v4, v2;
	v6 =	vor.u32 $0x3012, v1  }
0x163: {  	v6 =	vadd.s32 v6, v3;
	_ =	sdelay $0x3  }
0x164: {  	[tilespmem:v4+s8+$0x0] =	vst.idx.msk $0xffff, v5;
	v4 =	vor.u32 $0x419, v1  }
0x165: {  	v5 =	vld.idx.msk [tilespmem:v6+s1+$0x0], $0xffff;
	v4 =	vor.u32 v4, v2;
	v6 =	vor.u32 $0x3013, v1  }
0x166: {  	v6 =	vadd.s32 v6, v3;
	_ =	sdelay $0x3  }
0x167: {  	[tilespmem:v4+s8+$0x0] =	vst.idx.msk $0xffff, v5;
	v4 =	vor.u32 $0x41A, v1  }
0x168: {  	v5 =	vld.idx.msk [tilespmem:v6+s1+$0x0], $0xffff;
	v4 =	vor.u32 v4, v2;
	v6 =	vor.u32 $0x3015, v1  }
0x169: {  	v6 =	vadd.s32 v6, v3;
	_ =	sdelay $0x3  }
0x16a: {  	[tilespmem:v4+s8+$0x0] =	vst.idx.msk $0xffff, v5;
	v4 =	vor.u32 $0x41C, v1  }
0x16b: {  	v5 =	vld.idx.msk [tilespmem:v6+s1+$0x0], $0xffff;
	v4 =	vor.u32 v4, v2;
	v6 =	vor.u32 $0x3016, v1  }
0x16c: {  	v6 =	vadd.s32 v6, v3;
	_ =	sdelay $0x3  }
0x16d: {  	[tilespmem:v4+s8+$0x0] =	vst.idx.msk $0xffff, v5;
	v4 =	vor.u32 $0x41D, v1  }
0x16e: {  	v5 =	vld.idx.msk [tilespmem:v6+s1+$0x0], $0xffff;
	v4 =	vor.u32 v4, v2;
	v6 =	vor.u32 $0x3018, v1  }
0x16f: {  	v6 =	vadd.s32 v6, v3;
	_ =	sdelay $0x3  }
0x170: {  	[tilespmem:v4+s8+$0x0] =	vst.idx.msk $0xffff, v5;
	v4 =	vor.u32 $0x41F, v1  }
0x171: {  	v5 =	vld.idx.msk [tilespmem:v6+s1+$0x0], $0xffff;
	v4 =	vor.u32 v4, v2;
	v6 =	vor.u32 $0x3019, v1  }
0x172: {  	v6 =	vadd.s32 v6, v3;
	_ =	sdelay $0x3  }
0x173: {  	[tilespmem:v4+s8+$0x0] =	vst.idx.msk $0xffff, v5;
	v4 =	vor.u32 $0x420, v1  }
0x174: {  	v5 =	vld.idx.msk [tilespmem:v6+s1+$0x0], $0xffff;
	v4 =	vor.u32 v4, v2;
	v6 =	vor.u32 $0x301B, v1  }
0x175: {  	v6 =	vadd.s32 v6, v3;
	_ =	sdelay $0x3  }
0x176: {  	[tilespmem:v4+s8+$0x0] =	vst.idx.msk $0xffff, v5;
	v4 =	vor.u32 $0x422, v1  }
0x177: {  	v5 =	vld.idx.msk [tilespmem:v6+s1+$0x0], $0xffff;
	v4 =	vor.u32 v4, v2;
	v6 =	vor.u32 $0x301C, v1  }
0x178: {  	v6 =	vadd.s32 v6, v3;
	_ =	sdelay $0x3  }
0x179: {  	[tilespmem:v4+s8+$0x0] =	vst.idx.msk $0xffff, v5;
	v4 =	vor.u32 $0x423, v1  }
0x17a: {  	v5 =	vld.idx.msk [tilespmem:v6+s1+$0x0], $0xffff;
	v4 =	vor.u32 v4, v2;
	v6 =	vor.u32 $0x301E, v1  }
0x17b: {  	v6 =	vadd.s32 v6, v3;
	_ =	sdelay $0x3  }
0x17c: {  	[tilespmem:v4+s8+$0x0] =	vst.idx.msk $0xffff, v5;
	v4 =	vor.u32 $0x425, v1  }
0x17d: {  	v5 =	vld.idx.msk [tilespmem:v6+s1+$0x0], $0xffff;
	v4 =	vor.u32 v4, v2;
	v6 =	vor.u32 $0x301F, v1  }
0x17e: {  	v6 =	vadd.s32 v6, v3;
	_ =	sdelay $0x3  }
0x17f: {  	[tilespmem:v4+s8+$0x0] =	vst.idx.msk $0xffff, v5;
	v4 =	vor.u32 $0x426, v1  }
0x180: {  	v5 =	vld.idx.msk [tilespmem:v6+s1+$0x0], $0xffff;
	v4 =	vor.u32 v4, v2;
	v6 =	vor.u32 $0x3021, v1  }
0x181: {  	v6 =	vadd.s32 v6, v3;
	_ =	sdelay $0x3  }
0x182: {  	[tilespmem:v4+s8+$0x0] =	vst.idx.msk $0xffff, v5;
	v4 =	vor.u32 $0x428, v1  }
0x183: {  	v5 =	vld.idx.msk [tilespmem:v6+s1+$0x0], $0xffff;
	v4 =	vor.u32 v4, v2;
	v6 =	vor.u32 $0x3022, v1  }
0x184: {  	v6 =	vadd.s32 v6, v3;
	_ =	sdelay $0x3  }
0x185: {  	[tilespmem:v4+s8+$0x0] =	vst.idx.msk $0xffff, v5;
	v4 =	vor.u32 $0x429, v1  }
0x186: {  	v5 =	vld.idx.msk [tilespmem:v6+s1+$0x0], $0xffff;
	v4 =	vor.u32 v4, v2;
	v6 =	vor.u32 $0x3024, v1  }
0x187: {  	v6 =	vadd.s32 v6, v3;
	_ =	sdelay $0x3  }
0x188: {  	[tilespmem:v4+s8+$0x0] =	vst.idx.msk $0xffff, v5;
	v4 =	vor.u32 $0x42B, v1  }
0x189: {  	v5 =	vld.idx.msk [tilespmem:v6+s1+$0x0], $0xffff;
	v4 =	vor.u32 v4, v2;
	v6 =	vor.u32 $0x3025, v1  }
0x18a: {  	v6 =	vadd.s32 v6, v3;
	_ =	sdelay $0x3  }
0x18b: {  	[tilespmem:v4+s8+$0x0] =	vst.idx.msk $0xffff, v5;
	v4 =	vor.u32 $0x42C, v1  }
0x18c: {  	v5 =	vld.idx.msk [tilespmem:v6+s1+$0x0], $0xffff;
	v4 =	vor.u32 v4, v2;
	v6 =	vor.u32 $0x3027, v1  }
0x18d: {  	v6 =	vadd.s32 v6, v3;
	_ =	sdelay $0x3  }
0x18e: {  	[tilespmem:v4+s8+$0x0] =	vst.idx.msk $0xffff, v5;
	v4 =	vor.u32 $0x42E, v1  }
0x18f: {  	v5 =	vld.idx.msk [tilespmem:v6+s1+$0x0], $0xffff;
	v4 =	vor.u32 v4, v2;
	v6 =	vor.u32 $0x3028, v1  }
0x190: {  	v6 =	vadd.s32 v6, v3;
	_ =	sdelay $0x3  }
0x191: {  	[tilespmem:v4+s8+$0x0] =	vst.idx.msk $0xffff, v5;
	v4 =	vor.u32 $0x42F, v1  }
0x192: {  	v5 =	vld.idx.msk [tilespmem:v6+s1+$0x0], $0xffff;
	v4 =	vor.u32 v4, v2;
	v6 =	vor.u32 $0x302A, v1  }
0x193: {  	v6 =	vadd.s32 v6, v3;
	_ =	sdelay $0x3  }
0x194: {  	[tilespmem:v4+s8+$0x0] =	vst.idx.msk $0xffff, v5;
	v4 =	vor.u32 $0x431, v1  }
0x195: {  	v5 =	vld.idx.msk [tilespmem:v6+s1+$0x0], $0xffff;
	v4 =	vor.u32 v4, v2;
	v6 =	vor.u32 $0x302B, v1  }
0x196: {  	v6 =	vadd.s32 v6, v3;
	_ =	sdelay $0x3  }
0x197: {  	[tilespmem:v4+s8+$0x0] =	vst.idx.msk $0xffff, v5;
	v4 =	vor.u32 $0x432, v1  }
0x198: {  	v5 =	vld.idx.msk [tilespmem:v6+s1+$0x0], $0xffff;
	v4 =	vor.u32 v4, v2;
	v6 =	vor.u32 $0x302D, v1  }
0x199: {  	v6 =	vadd.s32 v6, v3;
	_ =	sdelay $0x3  }
0x19a: {  	[tilespmem:v4+s8+$0x0] =	vst.idx.msk $0xffff, v5;
	v4 =	vor.u32 $0x434, v1  }
0x19b: {  	v5 =	vld.idx.msk [tilespmem:v6+s1+$0x0], $0xffff;
	v4 =	vor.u32 v4, v2;
	v6 =	vor.u32 $0x302E, v1  }
0x19c: {  	v6 =	vadd.s32 v6, v3;
	_ =	sdelay $0x3  }
0x19d: {  	[tilespmem:v4+s8+$0x0] =	vst.idx.msk $0xffff, v5;
	v4 =	vor.u32 $0x435, v1  }
0x19e: {  	v5 =	vld.idx.msk [tilespmem:v6+s1+$0x0], $0xffff;
	v4 =	vor.u32 v4, v2;
	v6 =	vor.u32 $0x3030, v1  }
0x19f: {  	v6 =	vadd.s32 v6, v3;
	_ =	sdelay $0x3  }
0x1a0: {  	[tilespmem:v4+s8+$0x0] =	vst.idx.msk $0xffff, v5;
	v4 =	vor.u32 $0x437, v1  }
0x1a1: {  	v5 =	vld.idx.msk [tilespmem:v6+s1+$0x0], $0xffff;
	v4 =	vor.u32 v4, v2;
	v6 =	vor.u32 $0x3031, v1  }
0x1a2: {  	v6 =	vadd.s32 v6, v3;
	_ =	sdelay $0x3  }
0x1a3: {  	[tilespmem:v4+s8+$0x0] =	vst.idx.msk $0xffff, v5;
	v4 =	vor.u32 $0x438, v1  }
0x1a4: {  	v5 =	vld.idx.msk [tilespmem:v6+s1+$0x0], $0xffff;
	v4 =	vor.u32 v4, v2;
	v6 =	vor.u32 $0x3033, v1  }
0x1a5: {  	v6 =	vadd.s32 v6, v3;
	_ =	sdelay $0x3  }
0x1a6: {  	[tilespmem:v4+s8+$0x0] =	vst.idx.msk $0xffff, v5;
	v4 =	vor.u32 $0x43A, v1  }
0x1a7: {  	v5 =	vld.idx.msk [tilespmem:v6+s1+$0x0], $0xffff;
	v4 =	vor.u32 v4, v2;
	v6 =	vor.u32 $0x3034, v1  }
0x1a8: {  	v6 =	vadd.s32 v6, v3;
	_ =	sdelay $0x3  }
0x1a9: {  	[tilespmem:v4+s8+$0x0] =	vst.idx.msk $0xffff, v5;
	v4 =	vor.u32 $0x43B, v1  }
0x1aa: {  	v5 =	vld.idx.msk [tilespmem:v6+s1+$0x0], $0xffff;
	v4 =	vor.u32 v4, v2;
	v6 =	vor.u32 $0x3036, v1  }
0x1ab: {  	v6 =	vadd.s32 v6, v3;
	_ =	sdelay $0x3  }
0x1ac: {  	[tilespmem:v4+s8+$0x0] =	vst.idx.msk $0xffff, v5;
	v4 =	vor.u32 $0x43D, v1  }
0x1ad: {  	v5 =	vld.idx.msk [tilespmem:v6+s1+$0x0], $0xffff;
	v4 =	vor.u32 v4, v2;
	v6 =	vor.u32 $0x3037, v1  }
0x1ae: {  	v6 =	vadd.s32 v6, v3;
	_ =	sdelay $0x3  }
0x1af: {  	[tilespmem:v4+s8+$0x0] =	vst.idx.msk $0xffff, v5;
	v4 =	vor.u32 $0x43E, v1  }
0x1b0: {  	v5 =	vld.idx.msk [tilespmem:v6+s1+$0x0], $0xffff;
	v4 =	vor.u32 v4, v2;
	v6 =	vor.u32 $0x3039, v1  }
0x1b1: {  	v6 =	vadd.s32 v6, v3;
	_ =	sdelay $0x3  }
0x1b2: {  	[tilespmem:v4+s8+$0x0] =	vst.idx.msk $0xffff, v5;
	v4 =	vor.u32 $0x440, v1  }
0x1b3: {  	v5 =	vld.idx.msk [tilespmem:v6+s1+$0x0], $0xffff;
	v4 =	vor.u32 v4, v2;
	v6 =	vor.u32 $0x303A, v1  }
0x1b4: {  	v6 =	vadd.s32 v6, v3;
	_ =	sdelay $0x3  }
0x1b5: {  	[tilespmem:v4+s8+$0x0] =	vst.idx.msk $0xffff, v5;
	v4 =	vor.u32 $0x441, v1  }
0x1b6: {  	v5 =	vld.idx.msk [tilespmem:v6+s1+$0x0], $0xffff;
	v4 =	vor.u32 v4, v2;
	v6 =	vor.u32 $0x303C, v1  }
0x1b7: {  	v6 =	vadd.s32 v6, v3;
	_ =	sdelay $0x3  }
0x1b8: {  	[tilespmem:v4+s8+$0x0] =	vst.idx.msk $0xffff, v5;
	v4 =	vor.u32 $0x443, v1  }
0x1b9: {  	v5 =	vld.idx.msk [tilespmem:v6+s1+$0x0], $0xffff;
	v4 =	vor.u32 v4, v2;
	v6 =	vor.u32 $0x303D, v1  }
0x1ba: {  	v6 =	vadd.s32 v6, v3;
	_ =	sdelay $0x3  }
0x1bb: {  	[tilespmem:v4+s8+$0x0] =	vst.idx.msk $0xffff, v5;
	v4 =	vor.u32 $0x444, v1  }
0x1bc: {  	v5 =	vld.idx.msk [tilespmem:v6+s1+$0x0], $0xffff;
	v4 =	vor.u32 v4, v2;
	v6 =	vor.u32 $0x303F, v1  }
0x1bd: {  	v6 =	vadd.s32 v6, v3;
	_ =	sdelay $0x3  }
0x1be: {  	[tilespmem:v4+s8+$0x0] =	vst.idx.msk $0xffff, v5;
	v4 =	vor.u32 $0x446, v1  }
0x1bf: {  	v5 =	vld.idx.msk [tilespmem:v6+s1+$0x0], $0xffff;
	v4 =	vor.u32 v4, v2;
	v6 =	vor.u32 $0x3040, v1  }
0x1c0: {  	v6 =	vadd.s32 v6, v3;
	_ =	sdelay $0x3  }
0x1c1: {  	[tilespmem:v4+s8+$0x0] =	vst.idx.msk $0xffff, v5;
	v4 =	vor.u32 $0x447, v1  }
0x1c2: {  	v5 =	vld.idx.msk [tilespmem:v6+s1+$0x0], $0xffff;
	v4 =	vor.u32 v4, v2;
	v6 =	vor.u32 $0x3042, v1  }
0x1c3: {  	v6 =	vadd.s32 v6, v3;
	_ =	sdelay $0x3  }
0x1c4: {  	[tilespmem:v4+s8+$0x0] =	vst.idx.msk $0xffff, v5;
	v4 =	vor.u32 $0x449, v1  }
0x1c5: {  	v5 =	vld.idx.msk [tilespmem:v6+s1+$0x0], $0xffff;
	v4 =	vor.u32 v4, v2;
	v6 =	vor.u32 $0x3043, v1  }
0x1c6: {  	v6 =	vadd.s32 v6, v3;
	_ =	sdelay $0x3  }
0x1c7: {  	[tilespmem:v4+s8+$0x0] =	vst.idx.msk $0xffff, v5;
	v4 =	vor.u32 $0x44A, v1  }
0x1c8: {  	v5 =	vld.idx.msk [tilespmem:v6+s1+$0x0], $0xffff;
	v4 =	vor.u32 v4, v2;
	v6 =	vor.u32 $0x3045, v1  }
0x1c9: {  	v6 =	vadd.s32 v6, v3;
	_ =	sdelay $0x3  }
0x1ca: {  	[tilespmem:v4+s8+$0x0] =	vst.idx.msk $0xffff, v5;
	v4 =	vor.u32 $0x44C, v1  }
0x1cb: {  	v5 =	vld.idx.msk [tilespmem:v6+s1+$0x0], $0xffff;
	v4 =	vor.u32 v4, v2;
	v6 =	vor.u32 $0x3046, v1  }
0x1cc: {  	v6 =	vadd.s32 v6, v3;
	_ =	sdelay $0x3  }
0x1cd: {  	[tilespmem:v4+s8+$0x0] =	vst.idx.msk $0xffff, v5;
	v4 =	vor.u32 $0x44D, v1  }
0x1ce: {  	v5 =	vld.idx.msk [tilespmem:v6+s1+$0x0], $0xffff;
	v4 =	vor.u32 v4, v2;
	v6 =	vor.u32 $0x3048, v1  }
0x1cf: {  	v6 =	vadd.s32 v6, v3;
	_ =	sdelay $0x3  }
0x1d0: {  	[tilespmem:v4+s8+$0x0] =	vst.idx.msk $0xffff, v5;
	v4 =	vor.u32 $0x44F, v1  }
0x1d1: {  	v5 =	vld.idx.msk [tilespmem:v6+s1+$0x0], $0xffff;
	v4 =	vor.u32 v4, v2;
	v6 =	vor.u32 $0x3049, v1  }
0x1d2: {  	v6 =	vadd.s32 v6, v3;
	_ =	sdelay $0x3  }
0x1d3: {  	[tilespmem:v4+s8+$0x0] =	vst.idx.msk $0xffff, v5;
	v4 =	vor.u32 $0x450, v1  }
0x1d4: {  	v5 =	vld.idx.msk [tilespmem:v6+s1+$0x0], $0xffff;
	v4 =	vor.u32 v4, v2;
	v6 =	vor.u32 $0x304B, v1  }
0x1d5: {  	v6 =	vadd.s32 v6, v3;
	_ =	sdelay $0x3  }
0x1d6: {  	[tilespmem:v4+s8+$0x0] =	vst.idx.msk $0xffff, v5;
	v4 =	vor.u32 $0x452, v1  }
0x1d7: {  	v5 =	vld.idx.msk [tilespmem:v6+s1+$0x0], $0xffff;
	v4 =	vor.u32 v4, v2;
	v6 =	vor.u32 $0x304C, v1  }
0x1d8: {  	v6 =	vadd.s32 v6, v3;
	_ =	sdelay $0x3  }
0x1d9: {  	[tilespmem:v4+s8+$0x0] =	vst.idx.msk $0xffff, v5;
	v4 =	vor.u32 $0x453, v1  }
0x1da: {  	v5 =	vld.idx.msk [tilespmem:v6+s1+$0x0], $0xffff;
	v4 =	vor.u32 v4, v2;
	v6 =	vor.u32 $0x304E, v1  }
0x1db: {  	v6 =	vadd.s32 v6, v3;
	_ =	sdelay $0x3  }
0x1dc: {  	[tilespmem:v4+s8+$0x0] =	vst.idx.msk $0xffff, v5;
	v4 =	vor.u32 $0x455, v1  }
0x1dd: {  	v5 =	vld.idx.msk [tilespmem:v6+s1+$0x0], $0xffff;
	v4 =	vor.u32 v4, v2;
	v6 =	vor.u32 $0x304F, v1  }
0x1de: {  	v6 =	vadd.s32 v6, v3;
	_ =	sdelay $0x3  }
0x1df: {  	[tilespmem:v4+s8+$0x0] =	vst.idx.msk $0xffff, v5;
	v4 =	vor.u32 $0x456, v1  }
0x1e0: {  	v5 =	vld.idx.msk [tilespmem:v6+s1+$0x0], $0xffff;
	v4 =	vor.u32 v4, v2;
	v6 =	vor.u32 $0x3051, v1  }
0x1e1: {  	v6 =	vadd.s32 v6, v3;
	_ =	sdelay $0x3  }
0x1e2: {  	[tilespmem:v4+s8+$0x0] =	vst.idx.msk $0xffff, v5;
	v4 =	vor.u32 $0x458, v1  }
0x1e3: {  	v5 =	vld.idx.msk [tilespmem:v6+s1+$0x0], $0xffff;
	v4 =	vor.u32 v4, v2;
	v6 =	vor.u32 $0x3052, v1  }
0x1e4: {  	v6 =	vadd.s32 v6, v3;
	_ =	sdelay $0x3  }
0x1e5: {  	[tilespmem:v4+s8+$0x0] =	vst.idx.msk $0xffff, v5;
	v4 =	vor.u32 $0x459, v1  }
0x1e6: {  	v5 =	vld.idx.msk [tilespmem:v6+s1+$0x0], $0xffff;
	v4 =	vor.u32 v4, v2;
	v6 =	vor.u32 $0x3054, v1  }
0x1e7: {  	v6 =	vadd.s32 v6, v3;
	_ =	sdelay $0x3  }
0x1e8: {  	[tilespmem:v4+s8+$0x0] =	vst.idx.msk $0xffff, v5;
	v4 =	vor.u32 $0x45B, v1  }
0x1e9: {  	v5 =	vld.idx.msk [tilespmem:v6+s1+$0x0], $0xffff;
	v4 =	vor.u32 v4, v2;
	v6 =	vor.u32 $0x3055, v1  }
0x1ea: {  	v6 =	vadd.s32 v6, v3;
	_ =	sdelay $0x3  }
0x1eb: {  	[tilespmem:v4+s8+$0x0] =	vst.idx.msk $0xffff, v5;
	v4 =	vor.u32 $0x45C, v1  }
0x1ec: {  	v5 =	vld.idx.msk [tilespmem:v6+s1+$0x0], $0xffff;
	v4 =	vor.u32 v4, v2;
	v6 =	vor.u32 $0x3057, v1  }
0x1ed: {  	v6 =	vadd.s32 v6, v3;
	_ =	sdelay $0x3  }
0x1ee: {  	[tilespmem:v4+s8+$0x0] =	vst.idx.msk $0xffff, v5;
	v4 =	vor.u32 $0x45E, v1  }
0x1ef: {  	v5 =	vld.idx.msk [tilespmem:v6+s1+$0x0], $0xffff;
	v4 =	vor.u32 v4, v2;
	v6 =	vor.u32 $0x3058, v1  }
0x1f0: {  	v6 =	vadd.s32 v6, v3;
	_ =	sdelay $0x3  }
0x1f1: {  	[tilespmem:v4+s8+$0x0] =	vst.idx.msk $0xffff, v5;
	v4 =	vor.u32 $0x45F, v1  }
0x1f2: {  	v5 =	vld.idx.msk [tilespmem:v6+s1+$0x0], $0xffff;
	v4 =	vor.u32 v4, v2;
	v6 =	vor.u32 $0x305A, v1  }
0x1f3: {  	v6 =	vadd.s32 v6, v3;
	_ =	sdelay $0x3  }
0x1f4: {  	[tilespmem:v4+s8+$0x0] =	vst.idx.msk $0xffff, v5;
	v4 =	vor.u32 $0x461, v1  }
0x1f5: {  	v5 =	vld.idx.msk [tilespmem:v6+s1+$0x0], $0xffff;
	v4 =	vor.u32 v4, v2;
	v6 =	vor.u32 $0x305B, v1  }
0x1f6: {  	v3 =	vadd.s32 v6, v3;
	_ =	sdelay $0x3  }
0x1f7: {  	[tilespmem:v4+s8+$0x0] =	vst.idx.msk $0xffff, v5;
	v4 =	vor.u32 $0x462, v1  }
0x1f8: {  	v5 =	vor.u32 $0x2, v1;
	v3 =	vld.idx.msk [tilespmem:v3+s1+$0x0], $0xffff;
	v4 =	vor.u32 v4, v2  }
0x1f9: {  	v6 =	vor.u32 $0x5, v1;
	v5 =	vor.u32 v5, v2  }
0x1fa: {  	v7 =	vor.u32 $0x8, v1;
	v6 =	vor.u32 v6, v2  }
0x1fb: {  	v8 =	vor.u32 $0xB, v1;
	v7 =	vor.u32 v7, v2  }
0x1fc: {  	v9 =	vor.u32 $0xE, v1;
	v8 =	vor.u32 v8, v2  }
0x1fd: {  	[tilespmem:v4+s8+$0x0] =	vst.idx.msk $0xffff, v3;
	v3 =	vor.u32 v9, v2;
	v4 =	vor.u32 $0x11, v1  }
0x1fe: {  	[tilespmem:v5+s8+$0x0] =	vst.idx.msk $0xffff, v63;
	v4 =	vor.u32 v4, v2;
	v5 =	vor.u32 $0x14, v1  }
0x1ff: {  	[tilespmem:v6+s8+$0x0] =	vst.idx.msk $0xffff, v63;
	v5 =	vor.u32 v5, v2;
	v6 =	vor.u32 $0x17, v1  }
0x200: {  	[tilespmem:v7+s8+$0x0] =	vst.idx.msk $0xffff, v63;
	v6 =	vor.u32 v6, v2;
	v7 =	vor.u32 $0x1A, v1  }
0x201: {  	[tilespmem:v8+s8+$0x0] =	vst.idx.msk $0xffff, v63;
	v7 =	vor.u32 v7, v2;
	v8 =	vor.u32 $0x1D, v1  }
0x202: {  	[tilespmem:v3+s8+$0x0] =	vst.idx.msk $0xffff, v63;
	v3 =	vor.u32 v8, v2;
	v8 =	vor.u32 $0x20, v1  }
0x203: {  	[tilespmem:v4+s8+$0x0] =	vst.idx.msk $0xffff, v63;
	v4 =	vor.u32 v8, v2;
	v8 =	vor.u32 $0x23, v1  }
0x204: {  	[tilespmem:v5+s8+$0x0] =	vst.idx.msk $0xffff, v63;
	v5 =	vor.u32 v8, v2;
	v8 =	vor.u32 $0x26, v1  }
0x205: {  	[tilespmem:v6+s8+$0x0] =	vst.idx.msk $0xffff, v63;
	v6 =	vor.u32 v8, v2;
	v8 =	vor.u32 $0x29, v1  }
0x206: {  	[tilespmem:v7+s8+$0x0] =	vst.idx.msk $0xffff, v63;
	v7 =	vor.u32 v8, v2;
	v8 =	vor.u32 $0x2C, v1  }
0x207: {  	[tilespmem:v3+s8+$0x0] =	vst.idx.msk $0xffff, v63;
	v3 =	vor.u32 v8, v2;
	v8 =	vor.u32 $0x2F, v1  }
0x208: {  	[tilespmem:v4+s8+$0x0] =	vst.idx.msk $0xffff, v63;
	v4 =	vor.u32 v8, v2;
	v8 =	vor.u32 $0x32, v1  }
0x209: {  	[tilespmem:v5+s8+$0x0] =	vst.idx.msk $0xffff, v63;
	v5 =	vor.u32 v8, v2;
	v8 =	vor.u32 $0x35, v1  }
0x20a: {  	[tilespmem:v6+s8+$0x0] =	vst.idx.msk $0xffff, v63;
	v6 =	vor.u32 v8, v2;
	v8 =	vor.u32 $0x38, v1  }
0x20b: {  	[tilespmem:v7+s8+$0x0] =	vst.idx.msk $0xffff, v63;
	v7 =	vor.u32 v8, v2;
	v8 =	vor.u32 $0x3B, v1  }
0x20c: {  	[tilespmem:v3+s8+$0x0] =	vst.idx.msk $0xffff, v63;
	v3 =	vor.u32 v8, v2;
	v8 =	vor.u32 $0x3E, v1  }
0x20d: {  	[tilespmem:v4+s8+$0x0] =	vst.idx.msk $0xffff, v63;
	v4 =	vor.u32 v8, v2;
	v8 =	vor.u32 $0x41, v1  }
0x20e: {  	[tilespmem:v5+s8+$0x0] =	vst.idx.msk $0xffff, v63;
	v5 =	vor.u32 v8, v2;
	v8 =	vor.u32 $0x44, v1  }
0x20f: {  	[tilespmem:v6+s8+$0x0] =	vst.idx.msk $0xffff, v63;
	v6 =	vor.u32 v8, v2;
	v8 =	vor.u32 $0x47, v1  }
0x210: {  	[tilespmem:v7+s8+$0x0] =	vst.idx.msk $0xffff, v63;
	v7 =	vor.u32 v8, v2;
	v8 =	vor.u32 $0x4A, v1  }
0x211: {  	[tilespmem:v3+s8+$0x0] =	vst.idx.msk $0xffff, v63;
	v3 =	vor.u32 v8, v2;
	v8 =	vor.u32 $0x4D, v1  }
0x212: {  	[tilespmem:v4+s8+$0x0] =	vst.idx.msk $0xffff, v63;
	v4 =	vor.u32 v8, v2;
	v8 =	vor.u32 $0x50, v1  }
0x213: {  	[tilespmem:v5+s8+$0x0] =	vst.idx.msk $0xffff, v63;
	v5 =	vor.u32 v8, v2;
	v8 =	vor.u32 $0x53, v1  }
0x214: {  	[tilespmem:v6+s8+$0x0] =	vst.idx.msk $0xffff, v63;
	v6 =	vor.u32 v8, v2;
	v8 =	vor.u32 $0x56, v1  }
0x215: {  	[tilespmem:v7+s8+$0x0] =	vst.idx.msk $0xffff, v63;
	v7 =	vor.u32 v8, v2;
	v8 =	vor.u32 $0x59, v1  }
0x216: {  	[tilespmem:v3+s8+$0x0] =	vst.idx.msk $0xffff, v63;
	v3 =	vor.u32 v8, v2;
	v8 =	vor.u32 $0x5C, v1  }
0x217: {  	[tilespmem:v4+s8+$0x0] =	vst.idx.msk $0xffff, v63;
	v4 =	vor.u32 v8, v2;
	v8 =	vor.u32 $0x5F, v1  }
0x218: {  	[tilespmem:v5+s8+$0x0] =	vst.idx.msk $0xffff, v63;
	v5 =	vor.u32 v8, v2;
	v8 =	vor.u32 $0x62, v1  }
0x219: {  	[tilespmem:v6+s8+$0x0] =	vst.idx.msk $0xffff, v63;
	v6 =	vor.u32 v8, v2;
	v8 =	vor.u32 $0x65, v1  }
0x21a: {  	[tilespmem:v7+s8+$0x0] =	vst.idx.msk $0xffff, v63;
	v7 =	vor.u32 v8, v2;
	v8 =	vor.u32 $0x68, v1  }
0x21b: {  	[tilespmem:v3+s8+$0x0] =	vst.idx.msk $0xffff, v63;
	v3 =	vor.u32 v8, v2;
	v8 =	vor.u32 $0x6B, v1  }
0x21c: {  	[tilespmem:v4+s8+$0x0] =	vst.idx.msk $0xffff, v63;
	v4 =	vor.u32 v8, v2;
	v8 =	vor.u32 $0x6E, v1  }
0x21d: {  	[tilespmem:v5+s8+$0x0] =	vst.idx.msk $0xffff, v63;
	v5 =	vor.u32 v8, v2;
	v8 =	vor.u32 $0x71, v1  }
0x21e: {  	[tilespmem:v6+s8+$0x0] =	vst.idx.msk $0xffff, v63;
	v6 =	vor.u32 v8, v2;
	v8 =	vor.u32 $0x74, v1  }
0x21f: {  	[tilespmem:v7+s8+$0x0] =	vst.idx.msk $0xffff, v63;
	v7 =	vor.u32 v8, v2;
	v8 =	vor.u32 $0x77, v1  }
0x220: {  	[tilespmem:v3+s8+$0x0] =	vst.idx.msk $0xffff, v63;
	v3 =	vor.u32 v8, v2;
	v8 =	vor.u32 $0x7A, v1  }
0x221: {  	[tilespmem:v4+s8+$0x0] =	vst.idx.msk $0xffff, v63;
	v4 =	vor.u32 v8, v2;
	v8 =	vor.u32 $0x7D, v1  }
0x222: {  	[tilespmem:v5+s8+$0x0] =	vst.idx.msk $0xffff, v63;
	v5 =	vor.u32 $0x400, v1;
	v8 =	vor.u32 v8, v2  }
0x223: {  	v5 =	vor.u32 v5, v2;
	[tilespmem:v6+s8+$0x0] =	vst.idx.msk $0xffff, v63;
	v6 =	vor.u32 $0x403, v1  }
0x224: {  	[tilespmem:v7+s8+$0x0] =	vst.idx.msk $0xffff, v63;
	v6 =	vor.u32 v6, v2;
	v7 =	vor.u32 $0x406, v1  }
0x225: {  	[tilespmem:v3+s8+$0x0] =	vst.idx.msk $0xffff, v63;
	v3 =	vor.u32 v7, v2;
	v7 =	vor.u32 $0x409, v1  }
0x226: {  	[tilespmem:v4+s8+$0x0] =	vst.idx.msk $0xffff, v63;
	v4 =	vor.u32 v7, v2;
	v7 =	vor.u32 $0x40C, v1  }
0x227: {  	[tilespmem:v8+s8+$0x0] =	vst.idx.msk $0xffff, v63;
	v7 =	vor.u32 v7, v2;
	v8 =	vor.u32 $0x40F, v1  }
0x228: {  	[tilespmem:v5+s8+$0x0] =	vst.idx.msk $0xffff, v63;
	v5 =	vor.u32 v8, v2;
	v8 =	vor.u32 $0x412, v1  }
0x229: {  	[tilespmem:v6+s8+$0x0] =	vst.idx.msk $0xffff, v63;
	v6 =	vor.u32 v8, v2;
	v8 =	vor.u32 $0x415, v1  }
0x22a: {  	[tilespmem:v3+s8+$0x0] =	vst.idx.msk $0xffff, v63;
	v3 =	vor.u32 v8, v2;
	v8 =	vor.u32 $0x418, v1  }
0x22b: {  	[tilespmem:v4+s8+$0x0] =	vst.idx.msk $0xffff, v63;
	v4 =	vor.u32 v8, v2;
	v8 =	vor.u32 $0x41B, v1  }
0x22c: {  	[tilespmem:v7+s8+$0x0] =	vst.idx.msk $0xffff, v63;
	v7 =	vor.u32 v8, v2;
	v8 =	vor.u32 $0x41E, v1  }
0x22d: {  	[tilespmem:v5+s8+$0x0] =	vst.idx.msk $0xffff, v63;
	v5 =	vor.u32 v8, v2;
	v8 =	vor.u32 $0x421, v1  }
0x22e: {  	[tilespmem:v6+s8+$0x0] =	vst.idx.msk $0xffff, v63;
	v6 =	vor.u32 v8, v2;
	v8 =	vor.u32 $0x424, v1  }
0x22f: {  	[tilespmem:v3+s8+$0x0] =	vst.idx.msk $0xffff, v63;
	v3 =	vor.u32 v8, v2;
	v8 =	vor.u32 $0x427, v1  }
0x230: {  	[tilespmem:v4+s8+$0x0] =	vst.idx.msk $0xffff, v63;
	v4 =	vor.u32 v8, v2;
	v8 =	vor.u32 $0x42A, v1  }
0x231: {  	[tilespmem:v7+s8+$0x0] =	vst.idx.msk $0xffff, v63;
	v7 =	vor.u32 v8, v2;
	v8 =	vor.u32 $0x42D, v1  }
0x232: {  	[tilespmem:v5+s8+$0x0] =	vst.idx.msk $0xffff, v63;
	v5 =	vor.u32 v8, v2;
	v8 =	vor.u32 $0x430, v1  }
0x233: {  	[tilespmem:v6+s8+$0x0] =	vst.idx.msk $0xffff, v63;
	v6 =	vor.u32 v8, v2;
	v8 =	vor.u32 $0x433, v1  }
0x234: {  	[tilespmem:v3+s8+$0x0] =	vst.idx.msk $0xffff, v63;
	v3 =	vor.u32 v8, v2;
	v8 =	vor.u32 $0x436, v1  }
0x235: {  	[tilespmem:v4+s8+$0x0] =	vst.idx.msk $0xffff, v63;
	v4 =	vor.u32 v8, v2;
	v8 =	vor.u32 $0x439, v1  }
0x236: {  	[tilespmem:v7+s8+$0x0] =	vst.idx.msk $0xffff, v63;
	v7 =	vor.u32 v8, v2;
	v8 =	vor.u32 $0x43C, v1  }
0x237: {  	[tilespmem:v5+s8+$0x0] =	vst.idx.msk $0xffff, v63;
	v5 =	vor.u32 v8, v2;
	v8 =	vor.u32 $0x43F, v1  }
0x238: {  	[tilespmem:v6+s8+$0x0] =	vst.idx.msk $0xffff, v63;
	v6 =	vor.u32 v8, v2;
	v8 =	vor.u32 $0x442, v1  }
0x239: {  	[tilespmem:v3+s8+$0x0] =	vst.idx.msk $0xffff, v63;
	v3 =	vor.u32 v8, v2;
	v8 =	vor.u32 $0x445, v1  }
0x23a: {  	[tilespmem:v4+s8+$0x0] =	vst.idx.msk $0xffff, v63;
	v4 =	vor.u32 v8, v2;
	v8 =	vor.u32 $0x448, v1  }
0x23b: {  	[tilespmem:v7+s8+$0x0] =	vst.idx.msk $0xffff, v63;
	v7 =	vor.u32 v8, v2;
	v8 =	vor.u32 $0x44B, v1  }
0x23c: {  	[tilespmem:v5+s8+$0x0] =	vst.idx.msk $0xffff, v63;
	v5 =	vor.u32 v8, v2;
	v8 =	vor.u32 $0x44E, v1  }
0x23d: {  	[tilespmem:v6+s8+$0x0] =	vst.idx.msk $0xffff, v63;
	v6 =	vor.u32 v8, v2;
	v8 =	vor.u32 $0x451, v1  }
0x23e: {  	[tilespmem:v3+s8+$0x0] =	vst.idx.msk $0xffff, v63;
	v3 =	vor.u32 v8, v2;
	v8 =	vor.u32 $0x454, v1  }
0x23f: {  	[tilespmem:v4+s8+$0x0] =	vst.idx.msk $0xffff, v63;
	v4 =	vor.u32 v8, v2;
	v8 =	vor.u32 $0x457, v1  }
0x240: {  	[tilespmem:v7+s8+$0x0] =	vst.idx.msk $0xffff, v63;
	v7 =	vor.u32 v8, v2;
	v8 =	vor.u32 $0x45A, v1  }
0x241: {  	[tilespmem:v5+s8+$0x0] =	vst.idx.msk $0xffff, v63;
	v5 =	vor.u32 v8, v2;
	v8 =	vor.u32 $0x45D, v1  }
0x242: {  	[tilespmem:v6+s8+$0x0] =	vst.idx.msk $0xffff, v63;
	v6 =	vor.u32 v8, v2;
	v8 =	vor.u32 $0x460, v1  }
0x243: {  	[tilespmem:v3+s8+$0x0] =	vst.idx.msk $0xffff, v63;
	v3 =	vor.u32 v8, v2;
	v8 =	vor.u32 $0x463, v1  }
0x244: {  	p0 =	sne.s32 s12, $0x30;
	[tilespmem:v4+s8+$0x0] =	vst.idx.msk $0xffff, v63;
	v2 =	vor.u32 v8, v2  }
.Ltmp0:
0x245: {  	[tilespmem:v7+s8+$0x0] =	vst.idx.msk $0xffff, v63;
	(pc) =	sbr.rel @p0 .LBB2_3-.Ltmp0, $4  }
0x246: {  	[tilespmem:v5+s8+$0x0] =	vst.idx.msk $0xffff, v63  }
0x247: {  	[tilespmem:v6+s8+$0x0] =	vst.idx.msk $0xffff, v63  }
0x248: {  	v9 =	vld [tilespmem:$0x1FFF0];
	[tilespmem:v3+s8+$0x0] =	vst.idx.msk $0xffff, v63  }
0x249: {  	s12 =	sadd.s32 $0x10, s12;
	v4 =	vld [tilespmem:$0x1FFE0];
	[tilespmem:v2+s8+$0x0] =	vst.idx.msk $0xffff, v63  }
0x24a: {  	s10 =	sadd.s32 $0x1, s10  }
0x24b: {  	s11 =	sshll.u32 s11, $0x5;
	p0 =	sne.s32 s10, $0x4  }
.Ltmp1:
0x24c: {  	s11 =	sadd.s32 s4, s11;
	(pc) =	sbr.rel @p0 .LBB2_2-.Ltmp1, $4  }
0x24d: {  	[hbm4b:s11+s1] =	stream.linear.scatter [tilespmem:s8], [sflag:$0x1], $0x4000, $0x38;
	[tilespmem:$0x1E000] =	vst v63  }
0x24e: {  	_ =	swait.ge [sflag:s7], $0x4000  }
0x24f: {  	[sflag:s7] =	ssyncset.done $0x0  }
0x250: {  	[sflag:s7] =	ssyncadd.s32 $0xFFFFC000  }
0x251: {  	s9 =	sadd.s32 $0x1, s9  }
0x252: {  	p0 =	sne.s32 s9, s6  }
.Ltmp2:
0x253: {  	_ = 	snop;
	(pc) =	sbr.rel @p0 .LBB2_1-.Ltmp2, $1  }
0x254: {  	_ =	sdelay $0x3  }
0x255: {  	_ =	sfence.sel $0x180000  }
0x256: {  	[bflag:$0x0] =	sbarrier.arrive $0xFFFF  }
0x257: {  	p0 =	sne.s32 s2, $0x0;
	_ =	strace $0x9000004A  }
0x258: {  	s0 =	sadd.s32 @!p0 $0x100000, s0;
	[bflag:$0x2] =	sbarrier.arrive $0xFFFF  }
0x259: {  	[sflag:s0] =	ssyncadd.tile.s32 @!p0 $0x1;
	_ =	shalt  }
.Lfunc_end2:
_tile_overlayer_lowered:
.L_overlay_start_2:
0x25a: {  	(tag) =	ssettag $0x2  }
0x25b: {  	s0 =	rddreg [dreg:$0x0];
	s2 =	stileid.u32  }
0x25c: {  	s1 =	rddreg [dreg:$0x1];
	p0 =	sne.s32 s2, $0x0  }
0x25d: {  	s3 =	rddreg [dreg:$0x2];
	[bflag:$0x3] =	sbarrier.arrive $0xFFFF;
	s2 =	simm.s32 @!p0 $0x1C01  }
0x25e: {  	[timem:s3], [sflag:s2] =	dma.local @!p0 [hbm:s0], s1  }
0x25f: {  	s0 =	simm.s32 @!p0 $0x1  }
0x260: {  	_ =	swait.ge @!p0 [sflag:s0], s1  }
0x261: {  	s1 =	ssub.s32 @!p0 $0x0, s1;
	[sflag:s0] =	ssyncset.done @!p0 $0x0  }
0x262: {  	[sflag:s0] =	ssyncadd.s32 @!p0 s1  }
0x263: {  	[bflag:$0x3] =	sbarrier.arrive $0xFFFF  }
0x264: {  	_ =	shalt  }

// kernel: sparse-core-data-format-call.cloned.1.call-start
scs
called_computation_lowered:
.L_overlay_start_0:
0x0: {  	s1 =	sld [smem:$0x3FD9]  }
0x1: {  	s2 =	sld [smem:$0x3FFE];
	_ =	sdelay $0x1  }
0x2: {  	s3 =	srdreg.scid  }
0x3: {  	s0 =	sand.u32 $0x1, s3  }
0x4: {  	s17 =	sshll.u32 s0, $0xA;
	s1 =	sadd.s32 s2, s1  }
0x5: {  	s1 =	sadd.s32 s1, s17  }
0x6: {  	[smem:$0x3FC7] =	sst s1  }
0x7: {  	_ = 	snop  }
0x8: {  	(tm) =	ssettm $0x1  }
0x9: {  	s18 =	sld [smem:$0x3FFB];
	_ =	sdelay $0x3  }
0xa: {  	_ =	strace s18  }
0xb: {  	s1 =	sld [smem:$0x3FFC];
	_ =	sdelay $0x3  }
0xc: {  	_ =	strace s1  }
0xd: {  	s1 =	sld [smem:$0x3FFD];
	_ =	sdelay $0x3  }
0xe: {  	_ =	strace s1  }
0xf: {  	_ =	strace $0x8FFFFFFF  }
0x10: {  	s19 =	sld [smem:$0x3FDB];
	_ =	sdelay $0x1  }
0x11: {  	s20 =	simm.s32 $_scs_section_size  }
0x12: {  	s4 =	simm.s32 $_size__tile_overlayer_lowered;
	s5 =	simm.s32 $_tile_overlayer_lowered  }
0x13: {  	s23 =	simm.s32 $0x1BFF;
	s22 =	sshll.u32 s5, $0x1;
	s1 =	sadd.s32 s20, s19  }
0x14: {  	s6 =	simm.s32 $0x0;
	s21 =	sshll.u32 s4, $0x1;
	s4 =	sadd.s32 s22, s1  }
0x15: {  	[timem:s6], [sflag:s23] =	dma.local [hbm:s4], s21  }
0x16: {  	_ =	swait.ge [sflag:s23], s21  }
0x17: {  	s2 =	ssub.s32 $0x0, s21;
	[sflag:s23] =	ssyncset.done $0x0  }
0x18: {  	[sflag:s23] =	ssyncadd.s32 s2;
	_ =	sdelay $0x1  }
0x19: {  	s24 =	simm.s32 $0x1B8B  }
0x1a: {  	_ =	swait.ge [sflag:s24], $0x1  }
0x1b: {  	[sflag:s24] =	ssyncset.done $0x0  }
0x1c: {  	s26 =	simm.s32 $0x1B8E;
	s25 =	sld [smem:$0x3FFE];
	[sflag:s24] =	ssyncadd.s32 $0xFFFFFFFF  }
0x1d: {  	s27 =	simm.s32 $execute0_lowered;
	[smem:$0x3FD2] =	sst s26  }
0x1e: {  	s4 =	sshll.u32 s27, $0x1;
	_ =	strace $0x80000046;
	[dreg:$0x1] =	wrdreg $0xFFFFFFFF  }
0x1f: {  	s28 =	simm.s32 $_size_execute0_lowered;
	s1 =	sadd.s32 s1, s4;
	[dreg:$0x0] =	wrdreg $0x0  }
0x20: {  	s4 =	sshll.u32 s28, $0x1;
	[dreg:$0x2] =	wrdreg s1  }
0x21: {  	[dreg:$0x3] =	wrdreg s4  }
0x22: {  	[dreg:$0x4] =	wrdreg $0xC0  }
0x23: {  	_ =	task [dreg:s6], $0x5FFFF  }
0x24: {  	[dreg:$0x1] =	wrdreg $0xFFFFFFFF  }
0x25: {  	[dreg:$0x0] =	wrdreg $0x60  }
0x26: {  	[dreg:$0x2] =	wrdreg s25  }
0x27: {  	[dreg:$0x3] =	wrdreg $0x9  }
0x28: {  	_ =	task.clear_ibuf [dreg:s6], $0x4FFFF;
	_ =	strace $0x90000046  }
0x29: {  	s29 =	simm.s32 $0x9;
	_ =	strace $0x80000048  }
0x2a: {  	_ =	swait.ge [sflag:s29], $0x1  }
0x2b: {  	[sflag:s29] =	ssyncadd.s32 $0xFFFFFFFF  }
0x2c: {  	_ =	strace $0x90000048  }
0x2d: {  	_ =	sfence  }
0x2e: {  	s30 =	sld [smem:$0x0];
	_ =	sdelay $0x2  }
0x2f: {  	s31 =	sshll.u32 s3, $0xD;
	s3 =	sshrl.u32 s3, $0x2  }
0x30: {  	s2 =	sand.u32 $0x4000, s31;
	s1 =	sadd.s32 s3, s30  }
0x31: {  	s0 =	sor.u32 s2, s0;
	s1 =	sshll.u32 s1, $0x11  }
0x32: {  	s0 =	sor.u32 s1, s0  }
0x33: {  	s0 =	sadd.s32 $0x8F2B, s0  }
0x34: {  	[sflag:s0] =	ssyncadd.remote.s32 $0x1  }
0x35: {  	_ =	sfence.sel $0xFFFF  }
0x36: {  	[dreg:$0x0] =	wrdreg $0xFFFFFFFF;
	(pc) =	sbr.abs _section_cstart, $3  }
0x37: {  	[dreg:$0x1] =	wrdreg $0xFFFFFFFF  }
0x38: {  	_ =	task.clear_ibuf [dreg:s6], $0x2FFFF;
	_ =	strace $0x9FFFFFFF  }
0x39: {  	(tm) =	ssettm $0x7FFFFFFF  }
tec
execute0_lowered:
.L_overlay_start_1:
0x0: {  	(tag) =	ssettag $0x1  }
0x1: {  	s1 =	srdreg.scid;
	s0 =	stileid.u32  }
0x2: {  	s6 =	rddreg [dreg:$0x0];
	s31 =	simm.s32 $0x2;
	s1 =	sshll.u32 s1, $0x4  }
0x3: {  	s14 =	simm.s32 $0x0;
	s9 =	simm.s32 $0x100;
	s1 =	sor.u32 s0, s1  }
0x4: {  	s10 =	simm.s32 $0x400;
	s11 =	simm.s32 $0x0;
	s1 =	sshrl.u32 s1, $0x2  }
0x5: {  	s15 =	simm.s32 $0x0;
	s13 =	simm.s32 $0x0;
	s2 =	sand.u32 $0x6, s1  }
0x6: {  	s22 =	simm.s32 $0x0;
	s3 =	sand.u32 $0x7, s0;
	s4 =	ssub.s32 $0x8, s2  }
0x7: {  	s7 =	ssub.s32 $0xD3, s3;
	s12 =	smov.u32 s3;
	s5 =	sand.u32 $0x6, s4  }
0x8: {  	s7 =	sshrl.u32 s7, $0x3;
	p0 =	sne.s32 s5, $0x0;
	s5 =	simm.s32 $0x1  }
.Ltmp0:
0x9: {  	s4 =	sshrl.u32 s4, $0x3;
	s5 =	simm.s32 @!p0 $0x0;
	(pc) =	sbr.rel .LBB1_1-.Ltmp0, $4  }
0xa: {  	s1 =	rddreg [dreg:$0x1];
	_ =	strace $0x80000047;
	s5 =	sadd.s32 s5, s4  }
0xb: {  	s8 =	sshll.u32 s2, $0xA;
	s4 =	simm.s32 $0x1;
	s5 =	smul.u32 s7, s5  }
0xc: {  	s8 =	sadd.s32 s8, s6;
	s6 =	sadd.s32 $0x198800, s6;
	[sflag:s4] =	ssyncpa.u1 $0x0  }
0xd: {  	s7 =	sadd.s32 $0x800, s8;
	[sflag:s31] =	ssyncpa.u1 $0x0;
	s8 =	sadd.s32 $0x1, s5  }
.LBB1_7:
0xe: {  	s16 =	sadd.s32 $0x8, s12  }
0xf: {  	p1 =	sgt.s32 s16, $0xCB  }
0x10: {  	s16 =	smov.u32 @p1 s3;
	p1 =	sne.s32 s13, s8  }
.Ltmp1:
0x11: {  	p0 =	slt.u32 s13, $0x2;
	(pc) =	sbr.rel @!p1 .LBB1_8-.Ltmp1, $4  }
0x12: {  	s14 =	simm.s32 @!p0 $0x2  }
0x13: {  	s17 =	sadd.s32 $0x1, s13;
	s15 =	smov.u32 s12;
	_ =	swait.ge @!p0 [sflag:s14], $0x4000  }
0x14: {  	s11 =	sadd.s32 $0x4000, s11;
	s13 =	smov.u32 s17;
	[sflag:s14] =	ssyncset.done @!p0 $0x0  }
0x15: {  	s12 =	smov.u32 s16;
	[sflag:s14] =	ssyncadd.s32 @!p0 $0xFFFFC000;
	s14 =	smov.u32 s2  }
.LBB1_1:
0x16: {  	p0 =	sge.u32 s13, s5  }
0x17: {  	s16 =	sxor.u32 @!p0 $0xFFFFFFFF, s13  }
0x18: {  	s31 =	sadd.s32 $0xFFFFFFFF, s13;
	s17 =	sshll.u32 @!p0 s12, $0xD;
	s16 =	sshll.u32 @!p0 s16, $0xE  }
0x19: {  	s18 =	simm.s32 @!p0 $0x0;
	s17 =	sadd.s32 @!p0 s17, s7;
	s16 =	sand.u32 @!p0 $0x4000, s16  }
0x1a: {  	[tilespmem:s16], [sflag:$0x1] =	stream.linear.gather @!p0 [hbm4b:s17+s18], $0x4000, $0x38;
	[tilespmem:$0x10000] =	vst v63  }
0x1b: {  	p0 =	sge.u32 s31, s5  }
.Ltmp2:
0x1c: {  	_ = 	snop;
	(pc) =	sbr.rel @p0 .LBB1_7-.Ltmp2, $1  }
0x1d: {  	_ =	sdelay $0x3  }
0x1e: {  	s16 =	sshll.u32 s11, $0x2  }
0x1f: {  	_ =	swait.ge [sflag:s4], $0x4000;
	s17 =	sshll.u32 s13, $0xE;
	s19 =	simm.s32 $0x0  }
0x20: {  	p1 =	por $0x1, $0x1;
	s16 =	sand.u32 $0x10000, s16;
	[sflag:s4] =	ssyncset.done $0x0  }
0x21: {  	s17 =	sand.u32 $0x4000, s17;
	s18 =	sshrl.u32 s16, $0x2;
	[sflag:s4] =	ssyncadd.s32 $0xFFFFC000  }
0x22: {  	s16 =	sor.u32 $0x8000, s17;
	s17 =	sadd.s32 $0x8040, s18;
	s18 =	sadd.s32 $0x40, s18  }
.LBB1_3:
0x23: {  	s20 =	sshll.u32 s19, $0xD  }
0x24: {  	s20 =	sand.u32 $0x3FFFE000, s20  }
0x25: {  	s20 =	sadd.s32 s20, s18  }
0x26: {  	v0 =	vmov s20;
	_ =	sdelay $0x4  }
0x27: {  	v6 =	vld.idx.msk [tilespmem:v0+s22+$0x30 ss:$0x1], $0xffff  }
0x28: {  	v7 =	vld.idx.msk [tilespmem:v0+s22+$0xFFFFFFC0 ss:$0x1], $0xffff  }
0x29: {  	v1 =	vld.idx.msk [tilespmem:v0+s22+$0xFFFFFFD0 ss:$0x1], $0xffff  }
0x2a: {  	s31 =	sshll.u32 s19, $0x7;
	v2 =	vld.idx.msk [tilespmem:v0+s22+$0xFFFFFFE0 ss:$0x1], $0xffff  }
0x2b: {  	s19 =	sand.u32 $0x3FFFFF80, s31;
	v3 =	vld.idx.msk [tilespmem:v0+s22+$0xFFFFFFF0 ss:$0x1], $0xffff  }
0x2c: {  	s19 =	sadd.s32 s19, s17;
	v4 =	vld.idx.msk [tilespmem:v0+s22+$0x0 ss:$0x1], $0xffff  }
0x2d: {  	v5 =	vld.idx.msk [tilespmem:v0+s22+$0x10 ss:$0x1], $0xffff;
	[tilespmem:s19+$0x30] =	vst v6  }
0x2e: {  	p0 =	por p1, p1;
	s21 =	simm.s32 $0x400;
	s20 =	simm.s32 $0x80;
	[tilespmem:s19+$0xFFFFFFC0] =	vst v7;
	v6 =	vld.idx.msk [tilespmem:v0+s22+$0x20 ss:$0x1], $0xffff  }
.LBB1_4:
0x2f: {  	p1 =	sne.s32 s21, $0x7E00;
	v7 =	vld.idx.msk [tilespmem:v0+s20+$0x30 ss:$0x1], $0xffff;
	[tilespmem:s19+$0xFFFFFFD0] =	vst v1  }
0x30: {  	v8 =	vld.idx.msk [tilespmem:v0+s20+$0xFFFFFFC0 ss:$0x1], $0xffff;
	[tilespmem:s19+$0xFFFFFFE0] =	vst v2  }
0x31: {  	v1 =	vld.idx.msk [tilespmem:v0+s20+$0xFFFFFFD0 ss:$0x1], $0xffff;
	[tilespmem:s19+$0xFFFFFFF0] =	vst v3  }
.Ltmp3:
0x32: {  	v2 =	vld.idx.msk [tilespmem:v0+s20+$0xFFFFFFE0 ss:$0x1], $0xffff;
	[tilespmem:s19+$0x0] =	vst v4;
	(pc) =	sbr.rel @p1 .LBB1_4-.Ltmp3, $4  }
0x33: {  	v3 =	vld.idx.msk [tilespmem:v0+s20+$0xFFFFFFF0 ss:$0x1], $0xffff;
	[tilespmem:s19+$0x10] =	vst v5  }
0x34: {  	v4 =	vld.idx.msk [tilespmem:v0+s20+$0x0 ss:$0x1], $0xffff;
	[tilespmem:s19+$0x20] =	vst v6;
	s19 =	sadd.s32 $0x100, s19  }
0x35: {  	v5 =	vld.idx.msk [tilespmem:v0+s20+$0x10 ss:$0x1], $0xffff;
	[tilespmem:s19+$0x30] =	vst v7  }
0x36: {  	[tilespmem:s19+$0xFFFFFFC0] =	vst v8;
	v6 =	vld.idx.msk [tilespmem:v0+s20+$0x20 ss:$0x1], $0xffff;
	s20 =	sshra.s32 s21, $0x2;
	s21 =	sadd.s32 $0x200, s21  }
0x37: {  	_ =	sdelay $0x2  }
0x38: {  	[tilespmem:s19+$0xFFFFFFD0] =	vst v1  }
0x39: {  	v56 =	vld.idx.msk [tilespmem:v0+s20+$0x30 ss:$0x1], $0xffff;
	[tilespmem:s19+$0xFFFFFFE0] =	vst v2  }
0x3a: {  	v57 =	vld.idx.msk [tilespmem:v0+s20+$0xFFFFFFC0 ss:$0x1], $0xffff;
	[tilespmem:s19+$0xFFFFFFF0] =	vst v3  }
0x3b: {  	v58 =	vld.idx.msk [tilespmem:v0+s20+$0xFFFFFFD0 ss:$0x1], $0xffff;
	[tilespmem:s19+$0x0] =	vst v4  }
0x3c: {  	v59 =	vld.idx.msk [tilespmem:v0+s20+$0xFFFFFFE0 ss:$0x1], $0xffff;
	[tilespmem:s19+$0x10] =	vst v5  }
0x3d: {  	v60 =	vld.idx.msk [tilespmem:v0+s20+$0xFFFFFFF0 ss:$0x1], $0xffff;
	s31 =	sadd.s32 $0x100, s19;
	[tilespmem:s19+$0x20] =	vst v6  }
0x3e: {  	v61 =	vld.idx.msk [tilespmem:v0+s20+$0x0 ss:$0x1], $0xffff;
	[tilespmem:s31+$0x30] =	vst v56  }
0x3f: {  	v62 =	vld.idx.msk [tilespmem:v0+s20+$0x10 ss:$0x1], $0xffff;
	[tilespmem:s31+$0xFFFFFFC0] =	vst v57  }
0x40: {  	v63 =	vld.idx.msk [tilespmem:v0+s20+$0x20 ss:$0x1], $0xffff;
	[tilespmem:s31+$0xFFFFFFD0] =	vst v58  }
.Ltmp4:
0x41: {  	[tilespmem:s31+$0xFFFFFFE0] =	vst v59;
	(pc) =	sbr.rel @p0 .LBB1_3-.Ltmp4, $4  }
0x42: {  	[tilespmem:s31+$0xFFFFFFF0] =	vst v60  }
0x43: {  	[tilespmem:s31+$0x0] =	vst v61  }
0x44: {  	[tilespmem:s31+$0x10] =	vst v62  }
0x45: {  	p1 =	por $0x0, $0x0;
	s19 =	simm.s32 $0x1;
	[tilespmem:s31+$0x20] =	vst v63  }
.Ltmp5:
0x46: {  	(pc) =	sbr.rel .LBB1_7-.Ltmp5, $4  }
0x47: {  	s15 =	sshll.u32 s15, $0xD  }
0x48: {  	s14 =	sshll.u32 s14, $0x4;
	s15 =	sadd.s32 s6, s15  }
0x49: {  	s14 =	sadd.s32 s14, s15  }
0x4a: {  	[hbm4b:s14+s9] =	stream.strided.scatter [tilespmem:s16], [sflag:$0x2], $0x4000, s10, s9, $0x38;
	[tilespmem:$0x10000] =	vst v63  }
.LBB1_8:
0x4b: {  	_ =	sfence.sel $0x180000  }
0x4c: {  	s2 =	simm.s32 $0x1;
	[bflag:$0x0] =	sbarrier.arrive $0xFFFF  }
0x4d: {  	s31 =	simm.s32 $0x2;
	[sflag:s2] =	ssyncpa.u1 $0x1  }
0x4e: {  	[sflag:s31] =	ssyncpa.u1 $0x1  }
0x4f: {  	p0 =	sne.s32 s0, $0x0;
	_ =	strace $0x90000047  }
0x50: {  	s0 =	sadd.s32 @!p0 $0x100000, s1;
	[bflag:$0x2] =	sbarrier.arrive $0xFFFF  }
0x51: {  	[sflag:s0] =	ssyncadd.tile.s32 @!p0 $0x1;
	_ =	shalt  }
.Lfunc_end1:
_tile_overlayer_lowered:
.L_overlay_start_2:
0x52: {  	(tag) =	ssettag $0x2  }
0x53: {  	s0 =	rddreg [dreg:$0x0];
	s2 =	stileid.u32  }
0x54: {  	s1 =	rddreg [dreg:$0x1];
	p0 =	sne.s32 s2, $0x0  }
0x55: {  	s3 =	rddreg [dreg:$0x2];
	[bflag:$0x3] =	sbarrier.arrive $0xFFFF;
	s2 =	simm.s32 @!p0 $0x1C01  }
0x56: {  	[timem:s3], [sflag:s2] =	dma.local @!p0 [hbm:s0], s1  }
0x57: {  	s0 =	simm.s32 @!p0 $0x1  }
0x58: {  	_ =	swait.ge @!p0 [sflag:s0], s1  }
0x59: {  	s1 =	ssub.s32 @!p0 $0x0, s1;
	[sflag:s0] =	ssyncset.done @!p0 $0x0  }
0x5a: {  	[sflag:s0] =	ssyncadd.s32 @!p0 s1  }
0x5b: {  	[bflag:$0x3] =	sbarrier.arrive $0xFFFF  }
0x5c: {  	_ =	shalt  }

</sc_bundles>
